<compile_context>
chip_gen: v7x
topology: tpu7x:2x2x1
jax: 0.10.2.dev20260603
libtpu: 0.0.44.dev20260713+nightly
codegen_flags: <defaults>
</compile_context>

<pallas_src>
import functools

import jax
import jax.numpy as jnp
import numpy as np
from jax import lax
from jax.experimental import pallas as pl
from jax.experimental.pallas import tpu as pltpu
from jax.experimental.pallas import tpu_sc as plsc

R = 128
N = 32768
L = 16
NV = N // L
S = 8
VS = NV // S
ES = N // S
POS_SHIFT = 12
HIST = 2048
HV = HIST // L
SIGN = np.int32(-2147483648)

B1_SHIFT, B1_MASK = 11, np.int32(2047)
B2_SHIFT, B2_MASK = 22, np.int32(1023)
D0_MASK = np.int32(2047)

S2 = 16
ES2 = N // S2
VS2 = NV // S2
POS2_SHIFT = 11
HIST2 = 1024


def _zero_hist(hist):
    zeros = jnp.zeros((L,), jnp.int32)

    def body(t, c):
        for u in range(8):
            hist[pl.ds((t * 8 + u) * L, L)] = zeros
        return c

    lax.fori_loop(0, (S * HIST) // (8 * L), body, 0)


def _prefix(hist, offs, ns=S, nbins=HIST):
    zeros = jnp.zeros((L,), jnp.int32)

    def body(t, carry):
        h = [hist[pl.ds(j * nbins + t * L, L)] for j in range(ns)]
        total = h[0]
        for j in range(1, ns):
            total = total + h[j]
        cum = plsc.cumsum(total)
        run = cum - total + carry
        for j in range(ns):
            offs[pl.ds(j * nbins + t * L, L)] = run
            run = run + h[j]
            hist[pl.ds(j * nbins + t * L, L)] = zeros
        return carry + lax.reduce_sum(total, axes=(0,))

    lax.fori_loop(0, nbins // L, body, jnp.int32(-1))


def _sweep0(src, hist):
    ones = jnp.ones((L,), jnp.int32)

    def chain(j, i):
        off = j * ES + i * L
        u = src[pl.ds(off, L)]
        m = lax.shift_right_arithmetic(u, np.int32(31))
        k = lax.bitwise_xor(u, lax.bitwise_or(m, SIGN))
        d = lax.bitwise_and(k, D0_MASK)
        plsc.addupdate_scatter(hist.at[pl.ds(j * HIST, HIST)], [d], ones)

    def body(i, c):
        @plsc.parallel_loop(0, S, 1, unroll=S)
        def _(j):
            chain(j, 2 * i)
            chain(j, 2 * i + 1)
        return c

    lax.fori_loop(0, VS // 2, body, 0)


def _permute(src, dst, offs, hist, shift, mask, next_shift, next_mask,
             next_pos_shift, next_bin_shift, from_raw=False):
    ones = jnp.ones((L,), jnp.int32)

    def chain(j, i):
        k = src[pl.ds(j * ES + i * L, L)]
        if from_raw:
            m = lax.shift_right_arithmetic(k, np.int32(31))
            k = lax.bitwise_xor(k, lax.bitwise_or(m, SIGN))
        if shift:
            d = lax.bitwise_and(
                lax.shift_right_logical(k, np.int32(shift)), mask)
        else:
            d = lax.bitwise_and(k, mask)
        offs_j = offs.at[pl.ds(j * HIST, HIST)]
        cnt, last = plsc.scan_count(d)
        base = plsc.load_gather(offs_j, [d])
        pos = base + cnt
        plsc.store_scatter(dst, [pos], k)
        plsc.addupdate_scatter(offs_j, [d], cnt, mask=last)
        if next_shift is not None:
            nd = lax.bitwise_and(
                lax.shift_right_logical(k, np.int32(next_shift)),
                next_mask)
            idx = nd + lax.shift_left(
                lax.shift_right_logical(pos, np.int32(next_pos_shift)),
                np.int32(next_bin_shift))
            plsc.addupdate_scatter(hist, [idx], ones)

    def body(i, c):
        @plsc.parallel_loop(0, S, 1, unroll=S)
        def _(j):
            chain(j, 2 * i)
            chain(j, 2 * i + 1)
        return c

    lax.fori_loop(0, VS // 2, body, 0)


def _permute_final(src, dst, offs, shift, mask):

    def chain(j, i):
        k = src[pl.ds(j * ES2 + i * L, L)]
        d = lax.bitwise_and(
            lax.shift_right_logical(k, np.int32(shift)), mask)
        offs_j = offs.at[pl.ds(j * HIST2, HIST2)]
        cnt, last = plsc.scan_count(d)
        base = plsc.load_gather(offs_j, [d])
        pos = base + cnt
        t = lax.shift_right_arithmetic(k, np.int32(31))
        u = lax.bitwise_xor(
            k, lax.bitwise_or(lax.bitwise_not(t), SIGN))
        plsc.store_scatter(dst, [pos], u)
        plsc.addupdate_scatter(offs_j, [d], cnt, mask=last)

    def body(i, c):
        @plsc.parallel_loop(0, S2, 1, unroll=S2)
        def _(j):
            chain(j, i)
        return c

    lax.fori_loop(0, VS2, body, 0)


def _sort_body(nc, nw, x_hbm, out_hbm, buf0, buf1, hist, offs,
               sem_in, sem_out):
    wid = lax.axis_index("s") * nc + lax.axis_index("c")
    rows_per = R // nw
    row0 = wid * rows_per
    pltpu.async_copy(x_hbm.at[row0], buf0, sem_in)
    _zero_hist(hist)

    def row_body(r, c):
        row = row0 + r
        pltpu.make_async_copy(x_hbm.at[row], buf0, sem_in).wait()

        _sweep0(buf0, hist)
        _prefix(hist, offs)

        @pl.when(r > 0)
        def _():
            pltpu.make_async_copy(buf1, out_hbm.at[row - 1], sem_out).wait()

        _permute(buf0, buf1, offs, hist, 0, D0_MASK, B1_SHIFT, B1_MASK,
                 POS_SHIFT, 11, from_raw=True)
        _prefix(hist, offs)
        _permute(buf1, buf0, offs, hist, B1_SHIFT, B1_MASK,
                 B2_SHIFT, B2_MASK, POS2_SHIFT, 10)
        _prefix(hist, offs, ns=S2, nbins=HIST2)
        _permute_final(buf0, buf1, offs, B2_SHIFT, B2_MASK)

        pltpu.async_copy(buf1, out_hbm.at[row], sem_out)

        @pl.when(r < rows_per - 1)
        def _():
            pltpu.async_copy(x_hbm.at[row + 1], buf0, sem_in)

        return c

    lax.fori_loop(0, rows_per, row_body, 0)
    last = row0 + rows_per - 1
    pltpu.make_async_copy(buf1, out_hbm.at[last], sem_out).wait()


@jax.jit
def kernel(x):
    try:
        info = plsc.get_sparse_core_info()
        nc, ns = info.num_cores, info.num_subcores
    except Exception:
        nc, ns = 2, 16
    nw = nc * ns
    mesh = plsc.VectorSubcoreMesh(core_axis_name="c", subcore_axis_name="s")
    f = pl.kernel(
        functools.partial(_sort_body, nc, nw),
        out_type=jax.ShapeDtypeStruct((R, N), jnp.int32),
        mesh=mesh,
        compiler_params=pltpu.CompilerParams(needs_layout_passes=False),
        scratch_types=[
            pltpu.VMEM((N,), jnp.int32),
            pltpu.VMEM((N,), jnp.int32),
            pltpu.VMEM((S * HIST,), jnp.int32),
            pltpu.VMEM((S * HIST,), jnp.int32),
            pltpu.SemaphoreType.DMA,
            pltpu.SemaphoreType.DMA,
        ],
    )
    xi = lax.bitcast_convert_type(x, jnp.int32)
    return lax.bitcast_convert_type(f(xi), jnp.float32)

# --- scband reference (transcript-rebuilt; emitter-appended) ---
"""Pipeline reference for scband-sort-module-87505663688801 (READ-ONLY COPY).

The authoritative reference and input builder live on the scoring server;
editing this copy changes nothing except your own understanding.
"""

import jax, jax.numpy as jnp
import numpy as np


def setup_inputs(seed: int = 0) -> dict:
    key = jax.random.key(seed)
    x = jax.random.normal(key, (128, 32768), dtype=jnp.float32)
    return {"x": x}


def reference(x):
    # torch.sort(x, dim=-1)[0] -> sorted values along last dim (ascending)
    return jnp.sort(x, axis=-1)

if __name__ == "__main__":
    import jax
    _d = setup_inputs()
    print(jax.jit(kernel)(*tuple(_d.values())))

</pallas_src>

<mosaic_0001>
#map = affine_map<(d0, d1) -> (0, 0)>
module attributes {stable_mosaic.version = 14 : i64} {
  func.func @_sort_body(%arg0: i32, %arg1: i32, %arg2: memref<128x32768xi32, #tpu.memory_space<hbm>>, %arg3: memref<128x32768xi32, #tpu.memory_space<hbm>>, %arg4: memref<32768xi32, #tpu.memory_space<vmem>>, %arg5: memref<32768xi32, #tpu.memory_space<vmem>>, %arg6: memref<16384xi32, #tpu.memory_space<vmem>>, %arg7: memref<16384xi32, #tpu.memory_space<vmem>>, %arg8: memref<!tpu.dma_semaphore, #tpu.memory_space<semaphore_mem>>, %arg9: memref<!tpu.dma_semaphore, #tpu.memory_space<semaphore_mem>>) attributes {dimension_semantics = [#tpu.dimension_semantics<core_parallel>, #tpu.dimension_semantics<subcore_parallel>], iteration_bounds = array<i64: 2, 16>, scalar_prefetch = 0 : i64, scratch_operands = 6 : i64, tpu.core_type = #tpu.core_type<sc_vector_subcore>, window_params = [{transform_indices = #map}, {transform_indices = #map}]} {
    %mul3A = arith.constant 2 : i32
    %mul3A_0 = arith.muli %arg1, %mul3A : i32
    %add3A = arith.addi %mul3A_0, %arg0 : i32
    %mul3A_1 = arith.constant 4 : i32
    %mul3A_2 = arith.muli %add3A, %mul3A_1 : i32
    %dma_start3A = arith.constant 0 : i32
    %dma_start3A_3 = tpu.memref_slice %arg2[%mul3A_2, %dma_start3A] : memref<128x32768xi32, #tpu.memory_space<hbm>> -> memref<1x32768xi32, #tpu.memory_space<hbm>>
    %dma_start3A_4 = tpu.memref_squeeze %dma_start3A_3 : memref<1x32768xi32, #tpu.memory_space<hbm>> -> memref<32768xi32, #tpu.memory_space<hbm>>
    %dma_start3A_5 = arith.constant 0 : i32
    %dma_start3A_6 = tpu.memref_slice %arg2[%mul3A_2, %dma_start3A_5] : memref<128x32768xi32, #tpu.memory_space<hbm>> -> memref<1x32768xi32, #tpu.memory_space<hbm>>
    %dma_start3A_7 = tpu.memref_squeeze %dma_start3A_6 : memref<1x32768xi32, #tpu.memory_space<hbm>> -> memref<32768xi32, #tpu.memory_space<hbm>>
    tpu.enqueue_dma source(%dma_start3A_7 : memref<32768xi32, #tpu.memory_space<hbm>>) target(%arg4 : memref<32768xi32, #tpu.memory_space<vmem>>) target_semaphore(%arg8 : memref<!tpu.dma_semaphore, #tpu.memory_space<semaphore_mem>>)
    %broadcast_in_dim3A = arith.constant 0 : i32
    %broadcast_in_dim3A_8 = vector.broadcast %broadcast_in_dim3A : i32 to vector<16xi32>
    %scan3A = arith.constant 0 : i32
    %scan3A_9 = arith.constant 0 : i32
    %scan3A_10 = arith.constant 128 : i32
    %scan3A_11 = arith.addi %scan3A_9, %scan3A_10 : i32
    %scan3A_12 = arith.constant 1 : i32
    scf.for %scan3A_28 = %scan3A_9 to %scan3A_11 step %scan3A_12  : i32 {
      %mul3A_29 = arith.constant 8 : i32
      %mul3A_30 = arith.muli %scan3A_28, %mul3A_29 : i32
      %add3A_31 = arith.constant 0 : i32
      %add3A_32 = arith.addi %mul3A_30, %add3A_31 : i32
      %mul3A_33 = arith.constant 16 : i32
      %mul3A_34 = arith.muli %add3A_32, %mul3A_33 : i32
      %swap3A = arith.index_cast %mul3A_34 : i32 to index
      %swap3A_35 = tpu.vector_load %arg6[%swap3A] {strides = array<i32>} : memref<16384xi32, #tpu.memory_space<vmem>>, vector<16xi32>,
      tpu.vector_store %arg6[%swap3A], %broadcast_in_dim3A_8 {strides = array<i32>} : memref<16384xi32, #tpu.memory_space<vmem>>, vector<16xi32>,
      %mul3A_36 = arith.constant 8 : i32
      %mul3A_37 = arith.muli %scan3A_28, %mul3A_36 : i32
      %add3A_38 = arith.constant 1 : i32
      %add3A_39 = arith.addi %mul3A_37, %add3A_38 : i32
      %mul3A_40 = arith.constant 16 : i32
      %mul3A_41 = arith.muli %add3A_39, %mul3A_40 : i32
      %swap3A_42 = arith.index_cast %mul3A_41 : i32 to index
      %swap3A_43 = tpu.vector_load %arg6[%swap3A_42] {strides = array<i32>} : memref<16384xi32, #tpu.memory_space<vmem>>, vector<16xi32>,
      tpu.vector_store %arg6[%swap3A_42], %broadcast_in_dim3A_8 {strides = array<i32>} : memref<16384xi32, #tpu.memory_space<vmem>>, vector<16xi32>,
      %mul3A_44 = arith.constant 8 : i32
      %mul3A_45 = arith.muli %scan3A_28, %mul3A_44 : i32
      %add3A_46 = arith.constant 2 : i32
      %add3A_47 = arith.addi %mul3A_45, %add3A_46 : i32
      %mul3A_48 = arith.constant 16 : i32
      %mul3A_49 = arith.muli %add3A_47, %mul3A_48 : i32
      %swap3A_50 = arith.index_cast %mul3A_49 : i32 to index
      %swap3A_51 = tpu.vector_load %arg6[%swap3A_50] {strides = array<i32>} : memref<16384xi32, #tpu.memory_space<vmem>>, vector<16xi32>,
      tpu.vector_store %arg6[%swap3A_50], %broadcast_in_dim3A_8 {strides = array<i32>} : memref<16384xi32, #tpu.memory_space<vmem>>, vector<16xi32>,
      %mul3A_52 = arith.constant 8 : i32
      %mul3A_53 = arith.muli %scan3A_28, %mul3A_52 : i32
      %add3A_54 = arith.constant 3 : i32
      %add3A_55 = arith.addi %mul3A_53, %add3A_54 : i32
      %mul3A_56 = arith.constant 16 : i32
      %mul3A_57 = arith.muli %add3A_55, %mul3A_56 : i32
      %swap3A_58 = arith.index_cast %mul3A_57 : i32 to index
      %swap3A_59 = tpu.vector_load %arg6[%swap3A_58] {strides = array<i32>} : memref<16384xi32, #tpu.memory_space<vmem>>, vector<16xi32>,
      tpu.vector_store %arg6[%swap3A_58], %broadcast_in_dim3A_8 {strides = array<i32>} : memref<16384xi32, #tpu.memory_space<vmem>>, vector<16xi32>,
      %mul3A_60 = arith.constant 8 : i32
      %mul3A_61 = arith.muli %scan3A_28, %mul3A_60 : i32
      %add3A_62 = arith.constant 4 : i32
      %add3A_63 = arith.addi %mul3A_61, %add3A_62 : i32
      %mul3A_64 = arith.constant 16 : i32
      %mul3A_65 = arith.muli %add3A_63, %mul3A_64 : i32
      %swap3A_66 = arith.index_cast %mul3A_65 : i32 to index
      %swap3A_67 = tpu.vector_load %arg6[%swap3A_66] {strides = array<i32>} : memref<16384xi32, #tpu.memory_space<vmem>>, vector<16xi32>,
      tpu.vector_store %arg6[%swap3A_66], %broadcast_in_dim3A_8 {strides = array<i32>} : memref<16384xi32, #tpu.memory_space<vmem>>, vector<16xi32>,
      %mul3A_68 = arith.constant 8 : i32
      %mul3A_69 = arith.muli %scan3A_28, %mul3A_68 : i32
      %add3A_70 = arith.constant 5 : i32
      %add3A_71 = arith.addi %mul3A_69, %add3A_70 : i32
      %mul3A_72 = arith.constant 16 : i32
      %mul3A_73 = arith.muli %add3A_71, %mul3A_72 : i32
      %swap3A_74 = arith.index_cast %mul3A_73 : i32 to index
      %swap3A_75 = tpu.vector_load %arg6[%swap3A_74] {strides = array<i32>} : memref<16384xi32, #tpu.memory_space<vmem>>, vector<16xi32>,
      tpu.vector_store %arg6[%swap3A_74], %broadcast_in_dim3A_8 {strides = array<i32>} : memref<16384xi32, #tpu.memory_space<vmem>>, vector<16xi32>,
      %mul3A_76 = arith.constant 8 : i32
      %mul3A_77 = arith.muli %scan3A_28, %mul3A_76 : i32
      %add3A_78 = arith.constant 6 : i32
      %add3A_79 = arith.addi %mul3A_77, %add3A_78 : i32
      %mul3A_80 = arith.constant 16 : i32
      %mul3A_81 = arith.muli %add3A_79, %mul3A_80 : i32
      %swap3A_82 = arith.index_cast %mul3A_81 : i32 to index
      %swap3A_83 = tpu.vector_load %arg6[%swap3A_82] {strides = array<i32>} : memref<16384xi32, #tpu.memory_space<vmem>>, vector<16xi32>,
      tpu.vector_store %arg6[%swap3A_82], %broadcast_in_dim3A_8 {strides = array<i32>} : memref<16384xi32, #tpu.memory_space<vmem>>, vector<16xi32>,
      %mul3A_84 = arith.constant 8 : i32
      %mul3A_85 = arith.muli %scan3A_28, %mul3A_84 : i32
      %add3A_86 = arith.constant 7 : i32
      %add3A_87 = arith.addi %mul3A_85, %add3A_86 : i32
      %mul3A_88 = arith.constant 16 : i32
      %mul3A_89 = arith.muli %add3A_87, %mul3A_88 : i32
      %swap3A_90 = arith.index_cast %mul3A_89 : i32 to index
      %swap3A_91 = tpu.vector_load %arg6[%swap3A_90] {strides = array<i32>} : memref<16384xi32, #tpu.memory_space<vmem>>, vector<16xi32>,
      tpu.vector_store %arg6[%swap3A_90], %broadcast_in_dim3A_8 {strides = array<i32>} : memref<16384xi32, #tpu.memory_space<vmem>>, vector<16xi32>,
    }
    %scan3A_13 = arith.constant 128 : i32
    %scan3A_14 = arith.constant 0 : i32
    %scan3A_15 = arith.constant 0 : i32
    %scan3A_16 = arith.constant 4 : i32
    %scan3A_17 = arith.addi %scan3A_15, %scan3A_16 : i32
    %scan3A_18 = arith.constant 1 : i32
    scf.for %scan3A_28 = %scan3A_15 to %scan3A_17 step %scan3A_18  : i32 {
      %add3A_29 = arith.addi %mul3A_2, %scan3A_28 : i32
      %dma_wait3A_30 = arith.constant 0 : i32
      %dma_wait3A_31 = tpu.memref_slice %arg2[%add3A_29, %dma_wait3A_30] : memref<128x32768xi32, #tpu.memory_space<hbm>> -> memref<1x32768xi32, #tpu.memory_space<hbm>>
      %dma_wait3A_32 = tpu.memref_squeeze %dma_wait3A_31 : memref<1x32768xi32, #tpu.memory_space<hbm>> -> memref<32768xi32, #tpu.memory_space<hbm>>
      %dma_wait3A_33 = arith.constant 0 : i32
      %dma_wait3A_34 = tpu.memref_slice %arg2[%add3A_29, %dma_wait3A_33] : memref<128x32768xi32, #tpu.memory_space<hbm>> -> memref<1x32768xi32, #tpu.memory_space<hbm>>
      %dma_wait3A_35 = tpu.memref_squeeze %dma_wait3A_34 : memref<1x32768xi32, #tpu.memory_space<hbm>> -> memref<32768xi32, #tpu.memory_space<hbm>>
      tpu.wait_dma2 semaphore(%arg8 : memref<!tpu.dma_semaphore, #tpu.memory_space<semaphore_mem>>) src(%dma_wait3A_35 : memref<32768xi32, #tpu.memory_space<hbm>>) dst(%arg4 : memref<32768xi32, #tpu.memory_space<vmem>>)
      %broadcast_in_dim3A_36 = arith.constant 1 : i32
      %broadcast_in_dim3A_37 = vector.broadcast %broadcast_in_dim3A_36 : i32 to vector<16xi32>
      %scan3A_38 = arith.constant 0 : i32
      %scan3A_39 = arith.constant 0 : i32
      %scan3A_40 = arith.constant 128 : i32
      %scan3A_41 = arith.addi %scan3A_39, %scan3A_40 : i32
      %scan3A_42 = arith.constant 1 : i32
      scf.for %scan3A_105 = %scan3A_39 to %scan3A_41 step %scan3A_42  : i32 {
        %parallel_loop3A = arith.constant 0 : i32
        %parallel_loop3A_106 = arith.constant 8 : i32
        %parallel_loop3A_107 = arith.constant 1 : i32
        scf.for %parallel_loop3A_108 = %parallel_loop3A to %parallel_loop3A_106 step %parallel_loop3A_107  : i32 {
          %parallel_loop3A_109 = arith.constant 2 : i32
          %parallel_loop3A_110 = arith.muli %parallel_loop3A_109, %scan3A_105 : i32
          %parallel_loop3A_111 = arith.constant 4096 : i32
          %parallel_loop3A_112 = arith.muli %parallel_loop3A_108, %parallel_loop3A_111 : i32
          %parallel_loop3A_113 = arith.constant 16 : i32
          %parallel_loop3A_114 = arith.muli %parallel_loop3A_110, %parallel_loop3A_113 : i32
          %parallel_loop3A_115 = arith.addi %parallel_loop3A_112, %parallel_loop3A_114 : i32
          %parallel_loop3A_116 = arith.index_cast %parallel_loop3A_115 : i32 to index
          %parallel_loop3A_117 = tpu.vector_load %arg4[%parallel_loop3A_116] {strides = array<i32>} : memref<32768xi32, #tpu.memory_space<vmem>>, vector<16xi32>,
          %parallel_loop3A_118 = arith.constant 31 : i32
          %parallel_loop3A_119 = vector.broadcast %parallel_loop3A_118 : i32 to vector<16xi32>
          %parallel_loop3A_120 = arith.shrsi %parallel_loop3A_117, %parallel_loop3A_119 : vector<16xi32>
          %parallel_loop3A_121 = arith.constant -2147483648 : i32
          %parallel_loop3A_122 = vector.broadcast %parallel_loop3A_121 : i32 to vector<16xi32>
          %parallel_loop3A_123 = arith.ori %parallel_loop3A_120, %parallel_loop3A_122 : vector<16xi32>
          %parallel_loop3A_124 = arith.xori %parallel_loop3A_117, %parallel_loop3A_123 : vector<16xi32>
          %parallel_loop3A_125 = arith.constant 2047 : i32
          %parallel_loop3A_126 = vector.broadcast %parallel_loop3A_125 : i32 to vector<16xi32>
          %parallel_loop3A_127 = arith.andi %parallel_loop3A_124, %parallel_loop3A_126 : vector<16xi32>
          %parallel_loop3A_128 = arith.constant 2048 : i32
          %parallel_loop3A_129 = arith.muli %parallel_loop3A_108, %parallel_loop3A_128 : i32
          %parallel_loop3A_130 = tpu.memref_slice %arg6[%parallel_loop3A_129] : memref<16384xi32, #tpu.memory_space<vmem>> -> memref<2048xi32, #tpu.memory_space<vmem>>
          tpu.vector_store_idx %parallel_loop3A_130[%parallel_loop3A_127], %broadcast_in_dim3A_37 {add = true} : memref<2048xi32, #tpu.memory_space<vmem>>[vector<16xi32>], vector<16xi32>,
          %parallel_loop3A_131 = arith.constant 2 : i32
          %parallel_loop3A_132 = arith.muli %parallel_loop3A_131, %scan3A_105 : i32
          %parallel_loop3A_133 = arith.constant 1 : i32
          %parallel_loop3A_134 = arith.addi %parallel_loop3A_132, %parallel_loop3A_133 : i32
          %parallel_loop3A_135 = arith.constant 4096 : i32
          %parallel_loop3A_136 = arith.muli %parallel_loop3A_108, %parallel_loop3A_135 : i32
          %parallel_loop3A_137 = arith.constant 16 : i32
          %parallel_loop3A_138 = arith.muli %parallel_loop3A_134, %parallel_loop3A_137 : i32
          %parallel_loop3A_139 = arith.addi %parallel_loop3A_136, %parallel_loop3A_138 : i32
          %parallel_loop3A_140 = arith.index_cast %parallel_loop3A_139 : i32 to index
          %parallel_loop3A_141 = tpu.vector_load %arg4[%parallel_loop3A_140] {strides = array<i32>} : memref<32768xi32, #tpu.memory_space<vmem>>, vector<16xi32>,
          %parallel_loop3A_142 = arith.constant 31 : i32
          %parallel_loop3A_143 = vector.broadcast %parallel_loop3A_142 : i32 to vector<16xi32>
          %parallel_loop3A_144 = arith.shrsi %parallel_loop3A_141, %parallel_loop3A_143 : vector<16xi32>
          %parallel_loop3A_145 = arith.constant -2147483648 : i32
          %parallel_loop3A_146 = vector.broadcast %parallel_loop3A_145 : i32 to vector<16xi32>
          %parallel_loop3A_147 = arith.ori %parallel_loop3A_144, %parallel_loop3A_146 : vector<16xi32>
          %parallel_loop3A_148 = arith.xori %parallel_loop3A_141, %parallel_loop3A_147 : vector<16xi32>
          %parallel_loop3A_149 = arith.constant 2047 : i32
          %parallel_loop3A_150 = vector.broadcast %parallel_loop3A_149 : i32 to vector<16xi32>
          %parallel_loop3A_151 = arith.andi %parallel_loop3A_148, %parallel_loop3A_150 : vector<16xi32>
          %parallel_loop3A_152 = arith.constant 2048 : i32
          %parallel_loop3A_153 = arith.muli %parallel_loop3A_108, %parallel_loop3A_152 : i32
          %parallel_loop3A_154 = tpu.memref_slice %arg6[%parallel_loop3A_153] : memref<16384xi32, #tpu.memory_space<vmem>> -> memref<2048xi32, #tpu.memory_space<vmem>>
          tpu.vector_store_idx %parallel_loop3A_154[%parallel_loop3A_151], %broadcast_in_dim3A_37 {add = true} : memref<2048xi32, #tpu.memory_space<vmem>>[vector<16xi32>], vector<16xi32>,
        } {sc.loop_unroll_factor = 8 : i64, sc.parallel_access}
      }
      %scan3A_43 = arith.constant 128 : i32
      %broadcast_in_dim3A_44 = arith.constant 0 : i32
      %broadcast_in_dim3A_45 = vector.broadcast %broadcast_in_dim3A_44 : i32 to vector<16xi32>
      %scan3A_46 = arith.constant -1 : i32
      %scan3A_47 = arith.constant 0 : i32
      %scan3A_48 = arith.constant 128 : i32
      %scan3A_49 = arith.addi %scan3A_47, %scan3A_48 : i32
      %scan3A_50 = arith.constant 1 : i32
      %scan3A_51 = scf.for %scan3A_105 = %scan3A_47 to %scan3A_49 step %scan3A_50 iter_args(%scan3A_106 = %scan3A_46) -> (i32)  : i32 {
        %mul3A_107 = arith.constant 16 : i32
        %mul3A_108 = arith.muli %scan3A_105, %mul3A_107 : i32
        %add3A_109 = arith.constant 0 : i32
        %add3A_110 = arith.addi %add3A_109, %mul3A_108 : i32
        %get3A = arith.index_cast %add3A_110 : i32 to index
        %get3A_111 = tpu.vector_load %arg6[%get3A] {strides = array<i32>} : memref<16384xi32, #tpu.memory_space<vmem>>, vector<16xi32>,
        %mul3A_112 = arith.constant 16 : i32
        %mul3A_113 = arith.muli %scan3A_105, %mul3A_112 : i32
        %add3A_114 = arith.constant 2048 : i32
        %add3A_115 = arith.addi %add3A_114, %mul3A_113 : i32
        %get3A_116 = arith.index_cast %add3A_115 : i32 to index
        %get3A_117 = tpu.vector_load %arg6[%get3A_116] {strides = array<i32>} : memref<16384xi32, #tpu.memory_space<vmem>>, vector<16xi32>,
        %mul3A_118 = arith.constant 16 : i32
        %mul3A_119 = arith.muli %scan3A_105, %mul3A_118 : i32
        %add3A_120 = arith.constant 4096 : i32
        %add3A_121 = arith.addi %add3A_120, %mul3A_119 : i32
        %get3A_122 = arith.index_cast %add3A_121 : i32 to index
        %get3A_123 = tpu.vector_load %arg6[%get3A_122] {strides = array<i32>} : memref<16384xi32, #tpu.memory_space<vmem>>, vector<16xi32>,
        %mul3A_124 = arith.constant 16 : i32
        %mul3A_125 = arith.muli %scan3A_105, %mul3A_124 : i32
        %add3A_126 = arith.constant 6144 : i32
        %add3A_127 = arith.addi %add3A_126, %mul3A_125 : i32
        %get3A_128 = arith.index_cast %add3A_127 : i32 to index
        %get3A_129 = tpu.vector_load %arg6[%get3A_128] {strides = array<i32>} : memref<16384xi32, #tpu.memory_space<vmem>>, vector<16xi32>,
        %mul3A_130 = arith.constant 16 : i32
        %mul3A_131 = arith.muli %scan3A_105, %mul3A_130 : i32
        %add3A_132 = arith.constant 8192 : i32
        %add3A_133 = arith.addi %add3A_132, %mul3A_131 : i32
        %get3A_134 = arith.index_cast %add3A_133 : i32 to index
        %get3A_135 = tpu.vector_load %arg6[%get3A_134] {strides = array<i32>} : memref<16384xi32, #tpu.memory_space<vmem>>, vector<16xi32>,
        %mul3A_136 = arith.constant 16 : i32
        %mul3A_137 = arith.muli %scan3A_105, %mul3A_136 : i32
        %add3A_138 = arith.constant 10240 : i32
        %add3A_139 = arith.addi %add3A_138, %mul3A_137 : i32
        %get3A_140 = arith.index_cast %add3A_139 : i32 to index
        %get3A_141 = tpu.vector_load %arg6[%get3A_140] {strides = array<i32>} : memref<16384xi32, #tpu.memory_space<vmem>>, vector<16xi32>,
        %mul3A_142 = arith.constant 16 : i32
        %mul3A_143 = arith.muli %scan3A_105, %mul3A_142 : i32
        %add3A_144 = arith.constant 12288 : i32
        %add3A_145 = arith.addi %add3A_144, %mul3A_143 : i32
        %get3A_146 = arith.index_cast %add3A_145 : i32 to index
        %get3A_147 = tpu.vector_load %arg6[%get3A_146] {strides = array<i32>} : memref<16384xi32, #tpu.memory_space<vmem>>, vector<16xi32>,
        %mul3A_148 = arith.constant 16 : i32
        %mul3A_149 = arith.muli %scan3A_105, %mul3A_148 : i32
        %add3A_150 = arith.constant 14336 : i32
        %add3A_151 = arith.addi %add3A_150, %mul3A_149 : i32
        %get3A_152 = arith.index_cast %add3A_151 : i32 to index
        %get3A_153 = tpu.vector_load %arg6[%get3A_152] {strides = array<i32>} : memref<16384xi32, #tpu.memory_space<vmem>>, vector<16xi32>,
        %add3A_154 = arith.addi %get3A_111, %get3A_117 : vector<16xi32>
        %add3A_155 = arith.addi %add3A_154, %get3A_123 : vector<16xi32>
        %add3A_156 = arith.addi %add3A_155, %get3A_129 : vector<16xi32>
        %add3A_157 = arith.addi %add3A_156, %get3A_135 : vector<16xi32>
        %add3A_158 = arith.addi %add3A_157, %get3A_141 : vector<16xi32>
        %add3A_159 = arith.addi %add3A_158, %get3A_147 : vector<16xi32>
        %add3A_160 = arith.addi %add3A_159, %get3A_153 : vector<16xi32>
        %broadcast_in_dim3A_161 = arith.constant true
        %broadcast_in_dim3A_162 = vector.broadcast %broadcast_in_dim3A_161 : i1 to vector<16xi1>
        %masked_cumsum3A = tpu.scan <sum>, %add3A_160 masked %broadcast_in_dim3A_162 : vector<16xi32>, vector<16xi1> -> vector<16xi32>
        %sub3A_163 = arith.subi %masked_cumsum3A, %add3A_160 : vector<16xi32>
        %add3A_164 = vector.broadcast %scan3A_106 : i32 to vector<16xi32>
        %add3A_165 = arith.addi %sub3A_163, %add3A_164 : vector<16xi32>
        %mul3A_166 = arith.constant 16 : i32
        %mul3A_167 = arith.muli %scan3A_105, %mul3A_166 : i32
        %add3A_168 = arith.constant 0 : i32
        %add3A_169 = arith.addi %add3A_168, %mul3A_167 : i32
        %swap3A = arith.index_cast %add3A_169 : i32 to index
        %swap3A_170 = tpu.vector_load %arg7[%swap3A] {strides = array<i32>} : memref<16384xi32, #tpu.memory_space<vmem>>, vector<16xi32>,
        tpu.vector_store %arg7[%swap3A], %add3A_165 {strides = array<i32>} : memref<16384xi32, #tpu.memory_space<vmem>>, vector<16xi32>,
        %add3A_171 = arith.addi %add3A_165, %get3A_111 : vector<16xi32>
        %mul3A_172 = arith.constant 16 : i32
        %mul3A_173 = arith.muli %scan3A_105, %mul3A_172 : i32
        %add3A_174 = arith.constant 0 : i32
        %add3A_175 = arith.addi %add3A_174, %mul3A_173 : i32
        %swap3A_176 = arith.index_cast %add3A_175 : i32 to index
        %swap3A_177 = tpu.vector_load %arg6[%swap3A_176] {strides = array<i32>} : memref<16384xi32, #tpu.memory_space<vmem>>, vector<16xi32>,
        tpu.vector_store %arg6[%swap3A_176], %broadcast_in_dim3A_45 {strides = array<i32>} : memref<16384xi32, #tpu.memory_space<vmem>>, vector<16xi32>,
        %mul3A_178 = arith.constant 16 : i32
        %mul3A_179 = arith.muli %scan3A_105, %mul3A_178 : i32
        %add3A_180 = arith.constant 2048 : i32
        %add3A_181 = arith.addi %add3A_180, %mul3A_179 : i32
        %swap3A_182 = arith.index_cast %add3A_181 : i32 to index
        %swap3A_183 = tpu.vector_load %arg7[%swap3A_182] {strides = array<i32>} : memref<16384xi32, #tpu.memory_space<vmem>>, vector<16xi32>,
        tpu.vector_store %arg7[%swap3A_182], %add3A_171 {strides = array<i32>} : memref<16384xi32, #tpu.memory_space<vmem>>, vector<16xi32>,
        %add3A_184 = arith.addi %add3A_171, %get3A_117 : vector<16xi32>
        %mul3A_185 = arith.constant 16 : i32
        %mul3A_186 = arith.muli %scan3A_105, %mul3A_185 : i32
        %add3A_187 = arith.constant 2048 : i32
        %add3A_188 = arith.addi %add3A_187, %mul3A_186 : i32
        %swap3A_189 = arith.index_cast %add3A_188 : i32 to index
        %swap3A_190 = tpu.vector_load %arg6[%swap3A_189] {strides = array<i32>} : memref<16384xi32, #tpu.memory_space<vmem>>, vector<16xi32>,
        tpu.vector_store %arg6[%swap3A_189], %broadcast_in_dim3A_45 {strides = array<i32>} : memref<16384xi32, #tpu.memory_space<vmem>>, vector<16xi32>,
        %mul3A_191 = arith.constant 16 : i32
        %mul3A_192 = arith.muli %scan3A_105, %mul3A_191 : i32
        %add3A_193 = arith.constant 4096 : i32
        %add3A_194 = arith.addi %add3A_193, %mul3A_192 : i32
        %swap3A_195 = arith.index_cast %add3A_194 : i32 to index
        %swap3A_196 = tpu.vector_load %arg7[%swap3A_195] {strides = array<i32>} : memref<16384xi32, #tpu.memory_space<vmem>>, vector<16xi32>,
        tpu.vector_store %arg7[%swap3A_195], %add3A_184 {strides = array<i32>} : memref<16384xi32, #tpu.memory_space<vmem>>, vector<16xi32>,
        %add3A_197 = arith.addi %add3A_184, %get3A_123 : vector<16xi32>
        %mul3A_198 = arith.constant 16 : i32
        %mul3A_199 = arith.muli %scan3A_105, %mul3A_198 : i32
        %add3A_200 = arith.constant 4096 : i32
        %add3A_201 = arith.addi %add3A_200, %mul3A_199 : i32
        %swap3A_202 = arith.index_cast %add3A_201 : i32 to index
        %swap3A_203 = tpu.vector_load %arg6[%swap3A_202] {strides = array<i32>} : memref<16384xi32, #tpu.memory_space<vmem>>, vector<16xi32>,
        tpu.vector_store %arg6[%swap3A_202], %broadcast_in_dim3A_45 {strides = array<i32>} : memref<16384xi32, #tpu.memory_space<vmem>>, vector<16xi32>,
        %mul3A_204 = arith.constant 16 : i32
        %mul3A_205 = arith.muli %scan3A_105, %mul3A_204 : i32
        %add3A_206 = arith.constant 6144 : i32
        %add3A_207 = arith.addi %add3A_206, %mul3A_205 : i32
        %swap3A_208 = arith.index_cast %add3A_207 : i32 to index
        %swap3A_209 = tpu.vector_load %arg7[%swap3A_208] {strides = array<i32>} : memref<16384xi32, #tpu.memory_space<vmem>>, vector<16xi32>,
        tpu.vector_store %arg7[%swap3A_208], %add3A_197 {strides = array<i32>} : memref<16384xi32, #tpu.memory_space<vmem>>, vector<16xi32>,
        %add3A_210 = arith.addi %add3A_197, %get3A_129 : vector<16xi32>
        %mul3A_211 = arith.constant 16 : i32
        %mul3A_212 = arith.muli %scan3A_105, %mul3A_211 : i32
        %add3A_213 = arith.constant 6144 : i32
        %add3A_214 = arith.addi %add3A_213, %mul3A_212 : i32
        %swap3A_215 = arith.index_cast %add3A_214 : i32 to index
        %swap3A_216 = tpu.vector_load %arg6[%swap3A_215] {strides = array<i32>} : memref<16384xi32, #tpu.memory_space<vmem>>, vector<16xi32>,
        tpu.vector_store %arg6[%swap3A_215], %broadcast_in_dim3A_45 {strides = array<i32>} : memref<16384xi32, #tpu.memory_space<vmem>>, vector<16xi32>,
        %mul3A_217 = arith.constant 16 : i32
        %mul3A_218 = arith.muli %scan3A_105, %mul3A_217 : i32
        %add3A_219 = arith.constant 8192 : i32
        %add3A_220 = arith.addi %add3A_219, %mul3A_218 : i32
        %swap3A_221 = arith.index_cast %add3A_220 : i32 to index
        %swap3A_222 = tpu.vector_load %arg7[%swap3A_221] {strides = array<i32>} : memref<16384xi32, #tpu.memory_space<vmem>>, vector<16xi32>,
        tpu.vector_store %arg7[%swap3A_221], %add3A_210 {strides = array<i32>} : memref<16384xi32, #tpu.memory_space<vmem>>, vector<16xi32>,
        %add3A_223 = arith.addi %add3A_210, %get3A_135 : vector<16xi32>
        %mul3A_224 = arith.constant 16 : i32
        %mul3A_225 = arith.muli %scan3A_105, %mul3A_224 : i32
        %add3A_226 = arith.constant 8192 : i32
        %add3A_227 = arith.addi %add3A_226, %mul3A_225 : i32
        %swap3A_228 = arith.index_cast %add3A_227 : i32 to index
        %swap3A_229 = tpu.vector_load %arg6[%swap3A_228] {strides = array<i32>} : memref<16384xi32, #tpu.memory_space<vmem>>, vector<16xi32>,
        tpu.vector_store %arg6[%swap3A_228], %broadcast_in_dim3A_45 {strides = array<i32>} : memref<16384xi32, #tpu.memory_space<vmem>>, vector<16xi32>,
        %mul3A_230 = arith.constant 16 : i32
        %mul3A_231 = arith.muli %scan3A_105, %mul3A_230 : i32
        %add3A_232 = arith.constant 10240 : i32
        %add3A_233 = arith.addi %add3A_232, %mul3A_231 : i32
        %swap3A_234 = arith.index_cast %add3A_233 : i32 to index
        %swap3A_235 = tpu.vector_load %arg7[%swap3A_234] {strides = array<i32>} : memref<16384xi32, #tpu.memory_space<vmem>>, vector<16xi32>,
        tpu.vector_store %arg7[%swap3A_234], %add3A_223 {strides = array<i32>} : memref<16384xi32, #tpu.memory_space<vmem>>, vector<16xi32>,
        %add3A_236 = arith.addi %add3A_223, %get3A_141 : vector<16xi32>
        %mul3A_237 = arith.constant 16 : i32
        %mul3A_238 = arith.muli %scan3A_105, %mul3A_237 : i32
        %add3A_239 = arith.constant 10240 : i32
        %add3A_240 = arith.addi %add3A_239, %mul3A_238 : i32
        %swap3A_241 = arith.index_cast %add3A_240 : i32 to index
        %swap3A_242 = tpu.vector_load %arg6[%swap3A_241] {strides = array<i32>} : memref<16384xi32, #tpu.memory_space<vmem>>, vector<16xi32>,
        tpu.vector_store %arg6[%swap3A_241], %broadcast_in_dim3A_45 {strides = array<i32>} : memref<16384xi32, #tpu.memory_space<vmem>>, vector<16xi32>,
        %mul3A_243 = arith.constant 16 : i32
        %mul3A_244 = arith.muli %scan3A_105, %mul3A_243 : i32
        %add3A_245 = arith.constant 12288 : i32
        %add3A_246 = arith.addi %add3A_245, %mul3A_244 : i32
        %swap3A_247 = arith.index_cast %add3A_246 : i32 to index
        %swap3A_248 = tpu.vector_load %arg7[%swap3A_247] {strides = array<i32>} : memref<16384xi32, #tpu.memory_space<vmem>>, vector<16xi32>,
        tpu.vector_store %arg7[%swap3A_247], %add3A_236 {strides = array<i32>} : memref<16384xi32, #tpu.memory_space<vmem>>, vector<16xi32>,
        %add3A_249 = arith.addi %add3A_236, %get3A_147 : vector<16xi32>
        %mul3A_250 = arith.constant 16 : i32
        %mul3A_251 = arith.muli %scan3A_105, %mul3A_250 : i32
        %add3A_252 = arith.constant 12288 : i32
        %add3A_253 = arith.addi %add3A_252, %mul3A_251 : i32
        %swap3A_254 = arith.index_cast %add3A_253 : i32 to index
        %swap3A_255 = tpu.vector_load %arg6[%swap3A_254] {strides = array<i32>} : memref<16384xi32, #tpu.memory_space<vmem>>, vector<16xi32>,
        tpu.vector_store %arg6[%swap3A_254], %broadcast_in_dim3A_45 {strides = array<i32>} : memref<16384xi32, #tpu.memory_space<vmem>>, vector<16xi32>,
        %mul3A_256 = arith.constant 16 : i32
        %mul3A_257 = arith.muli %scan3A_105, %mul3A_256 : i32
        %add3A_258 = arith.constant 14336 : i32
        %add3A_259 = arith.addi %add3A_258, %mul3A_257 : i32
        %swap3A_260 = arith.index_cast %add3A_259 : i32 to index
        %swap3A_261 = tpu.vector_load %arg7[%swap3A_260] {strides = array<i32>} : memref<16384xi32, #tpu.memory_space<vmem>>, vector<16xi32>,
        tpu.vector_store %arg7[%swap3A_260], %add3A_249 {strides = array<i32>} : memref<16384xi32, #tpu.memory_space<vmem>>, vector<16xi32>,
        %add3A_262 = arith.addi %add3A_249, %get3A_153 : vector<16xi32>
        %mul3A_263 = arith.constant 16 : i32
        %mul3A_264 = arith.muli %scan3A_105, %mul3A_263 : i32
        %add3A_265 = arith.constant 14336 : i32
        %add3A_266 = arith.addi %add3A_265, %mul3A_264 : i32
        %swap3A_267 = arith.index_cast %add3A_266 : i32 to index
        %swap3A_268 = tpu.vector_load %arg6[%swap3A_267] {strides = array<i32>} : memref<16384xi32, #tpu.memory_space<vmem>>, vector<16xi32>,
        tpu.vector_store %arg6[%swap3A_267], %broadcast_in_dim3A_45 {strides = array<i32>} : memref<16384xi32, #tpu.memory_space<vmem>>, vector<16xi32>,
        %reduce_sum3A = arith.constant true
        %reduce_sum3A_269 = vector.broadcast %reduce_sum3A : i1 to vector<16xi1>
        %reduce_sum3A_270 = tpu.scan <sum>, %add3A_160 masked %reduce_sum3A_269 : vector<16xi32>, vector<16xi1> -> vector<16xi32>
        %reduce_sum3A_271 = vector.extract %reduce_sum3A_270[15] : i32 from vector<16xi32>
        %add3A_272 = arith.addi %scan3A_106, %reduce_sum3A_271 : i32
        scf.yield %add3A_272 : i32
      }
      %scan3A_52 = arith.constant 128 : i32
      %gt3A = arith.constant 0 : i32
      %gt3A_53 = arith.cmpi sgt, %scan3A_28, %gt3A : i32
      %convert_element_type3A = arith.extui %gt3A_53 : i1 to i32
      %cond3A = arith.constant 0 : i32
      %cond3A_54 = arith.cmpi ne, %convert_element_type3A, %cond3A : i32
      scf.if %cond3A_54 {
        %sub3A_105 = arith.constant 1 : i32
        %sub3A_106 = arith.subi %add3A_29, %sub3A_105 : i32
        %dma_wait3A_107 = arith.constant 0 : i32
        %dma_wait3A_108 = tpu.memref_slice %arg3[%sub3A_106, %dma_wait3A_107] : memref<128x32768xi32, #tpu.memory_space<hbm>> -> memref<1x32768xi32, #tpu.memory_space<hbm>>
        %dma_wait3A_109 = tpu.memref_squeeze %dma_wait3A_108 : memref<1x32768xi32, #tpu.memory_space<hbm>> -> memref<32768xi32, #tpu.memory_space<hbm>>
        %dma_wait3A_110 = arith.constant 0 : i32
        %dma_wait3A_111 = tpu.memref_slice %arg3[%sub3A_106, %dma_wait3A_110] : memref<128x32768xi32, #tpu.memory_space<hbm>> -> memref<1x32768xi32, #tpu.memory_space<hbm>>
        %dma_wait3A_112 = tpu.memref_squeeze %dma_wait3A_111 : memref<1x32768xi32, #tpu.memory_space<hbm>> -> memref<32768xi32, #tpu.memory_space<hbm>>
        tpu.wait_dma2 semaphore(%arg9 : memref<!tpu.dma_semaphore, #tpu.memory_space<semaphore_mem>>) src(%arg5 : memref<32768xi32, #tpu.memory_space<vmem>>) dst(%dma_wait3A_112 : memref<32768xi32, #tpu.memory_space<hbm>>)
      } else {
      }
      %broadcast_in_dim3A_55 = arith.constant 1 : i32
      %broadcast_in_dim3A_56 = vector.broadcast %broadcast_in_dim3A_55 : i32 to vector<16xi32>
      %scan3A_57 = arith.constant 0 : i32
      %scan3A_58 = arith.constant 0 : i32
      %scan3A_59 = arith.constant 128 : i32
      %scan3A_60 = arith.addi %scan3A_58, %scan3A_59 : i32
      %scan3A_61 = arith.constant 1 : i32
      scf.for %scan3A_105 = %scan3A_58 to %scan3A_60 step %scan3A_61  : i32 {
        %parallel_loop3A = arith.constant 0 : i32
        %parallel_loop3A_106 = arith.constant 8 : i32
        %parallel_loop3A_107 = arith.constant 1 : i32
        scf.for %parallel_loop3A_108 = %parallel_loop3A to %parallel_loop3A_106 step %parallel_loop3A_107  : i32 {
          %parallel_loop3A_109 = arith.constant 2 : i32
          %parallel_loop3A_110 = arith.muli %parallel_loop3A_109, %scan3A_105 : i32
          %parallel_loop3A_111 = arith.constant 4096 : i32
          %parallel_loop3A_112 = arith.muli %parallel_loop3A_108, %parallel_loop3A_111 : i32
          %parallel_loop3A_113 = arith.constant 16 : i32
          %parallel_loop3A_114 = arith.muli %parallel_loop3A_110, %parallel_loop3A_113 : i32
          %parallel_loop3A_115 = arith.addi %parallel_loop3A_112, %parallel_loop3A_114 : i32
          %parallel_loop3A_116 = arith.index_cast %parallel_loop3A_115 : i32 to index
          %parallel_loop3A_117 = tpu.vector_load %arg4[%parallel_loop3A_116] {strides = array<i32>} : memref<32768xi32, #tpu.memory_space<vmem>>, vector<16xi32>,
          %parallel_loop3A_118 = arith.constant 31 : i32
          %parallel_loop3A_119 = vector.broadcast %parallel_loop3A_118 : i32 to vector<16xi32>
          %parallel_loop3A_120 = arith.shrsi %parallel_loop3A_117, %parallel_loop3A_119 : vector<16xi32>
          %parallel_loop3A_121 = arith.constant -2147483648 : i32
          %parallel_loop3A_122 = vector.broadcast %parallel_loop3A_121 : i32 to vector<16xi32>
          %parallel_loop3A_123 = arith.ori %parallel_loop3A_120, %parallel_loop3A_122 : vector<16xi32>
          %parallel_loop3A_124 = arith.xori %parallel_loop3A_117, %parallel_loop3A_123 : vector<16xi32>
          %parallel_loop3A_125 = arith.constant 2047 : i32
          %parallel_loop3A_126 = vector.broadcast %parallel_loop3A_125 : i32 to vector<16xi32>
          %parallel_loop3A_127 = arith.andi %parallel_loop3A_124, %parallel_loop3A_126 : vector<16xi32>
          %parallel_loop3A_128 = arith.constant 2048 : i32
          %parallel_loop3A_129 = arith.muli %parallel_loop3A_108, %parallel_loop3A_128 : i32
          %parallel_loop3A_130 = arith.constant true
          %parallel_loop3A_131 = vector.broadcast %parallel_loop3A_130 : i1 to vector<16xi1>
          %parallel_loop3A_132, %parallel_loop3A_133 = tpu.scan_count mask(%parallel_loop3A_131 : vector<16xi1>) value(%parallel_loop3A_127 : vector<16xi32>) : vector<16xi1>, vector<16xi32>
          %parallel_loop3A_134 = tpu.memref_slice %arg7[%parallel_loop3A_129] : memref<16384xi32, #tpu.memory_space<vmem>> -> memref<2048xi32, #tpu.memory_space<vmem>>
          %parallel_loop3A_135 = tpu.vector_load_idx %parallel_loop3A_134[%parallel_loop3A_127] : memref<2048xi32, #tpu.memory_space<vmem>>[vector<16xi32>], vector<16xi32>,
          %parallel_loop3A_136 = arith.addi %parallel_loop3A_135, %parallel_loop3A_133 : vector<16xi32>
          tpu.vector_store_idx %arg5[%parallel_loop3A_136], %parallel_loop3A_124 : memref<32768xi32, #tpu.memory_space<vmem>>[vector<16xi32>], vector<16xi32>,
          %parallel_loop3A_137 = tpu.memref_slice %arg7[%parallel_loop3A_129] : memref<16384xi32, #tpu.memory_space<vmem>> -> memref<2048xi32, #tpu.memory_space<vmem>>
          tpu.vector_store_idx %parallel_loop3A_137[%parallel_loop3A_127], %parallel_loop3A_133 masked %parallel_loop3A_132 {add = true} : memref<2048xi32, #tpu.memory_space<vmem>>[vector<16xi32>], vector<16xi32>, vector<16xi1>
          %parallel_loop3A_138 = arith.constant 11 : i32
          %parallel_loop3A_139 = vector.broadcast %parallel_loop3A_138 : i32 to vector<16xi32>
          %parallel_loop3A_140 = arith.shrui %parallel_loop3A_124, %parallel_loop3A_139 : vector<16xi32>
          %parallel_loop3A_141 = arith.constant 2047 : i32
          %parallel_loop3A_142 = vector.broadcast %parallel_loop3A_141 : i32 to vector<16xi32>
          %parallel_loop3A_143 = arith.andi %parallel_loop3A_140, %parallel_loop3A_142 : vector<16xi32>
          %parallel_loop3A_144 = arith.constant 12 : i32
          %parallel_loop3A_145 = vector.broadcast %parallel_loop3A_144 : i32 to vector<16xi32>
          %parallel_loop3A_146 = arith.shrui %parallel_loop3A_136, %parallel_loop3A_145 : vector<16xi32>
          %parallel_loop3A_147 = arith.constant 11 : i32
          %parallel_loop3A_148 = vector.broadcast %parallel_loop3A_147 : i32 to vector<16xi32>
          %parallel_loop3A_149 = arith.shli %parallel_loop3A_146, %parallel_loop3A_148 : vector<16xi32>
          %parallel_loop3A_150 = arith.addi %parallel_loop3A_143, %parallel_loop3A_149 : vector<16xi32>
          tpu.vector_store_idx %arg6[%parallel_loop3A_150], %broadcast_in_dim3A_56 {add = true} : memref<16384xi32, #tpu.memory_space<vmem>>[vector<16xi32>], vector<16xi32>,
          %parallel_loop3A_151 = arith.constant 2 : i32
          %parallel_loop3A_152 = arith.muli %parallel_loop3A_151, %scan3A_105 : i32
          %parallel_loop3A_153 = arith.constant 1 : i32
          %parallel_loop3A_154 = arith.addi %parallel_loop3A_152, %parallel_loop3A_153 : i32
          %parallel_loop3A_155 = arith.constant 4096 : i32
          %parallel_loop3A_156 = arith.muli %parallel_loop3A_108, %parallel_loop3A_155 : i32
          %parallel_loop3A_157 = arith.constant 16 : i32
          %parallel_loop3A_158 = arith.muli %parallel_loop3A_154, %parallel_loop3A_157 : i32
          %parallel_loop3A_159 = arith.addi %parallel_loop3A_156, %parallel_loop3A_158 : i32
          %parallel_loop3A_160 = arith.index_cast %parallel_loop3A_159 : i32 to index
          %parallel_loop3A_161 = tpu.vector_load %arg4[%parallel_loop3A_160] {strides = array<i32>} : memref<32768xi32, #tpu.memory_space<vmem>>, vector<16xi32>,
          %parallel_loop3A_162 = arith.constant 31 : i32
          %parallel_loop3A_163 = vector.broadcast %parallel_loop3A_162 : i32 to vector<16xi32>
          %parallel_loop3A_164 = arith.shrsi %parallel_loop3A_161, %parallel_loop3A_163 : vector<16xi32>
          %parallel_loop3A_165 = arith.constant -2147483648 : i32
          %parallel_loop3A_166 = vector.broadcast %parallel_loop3A_165 : i32 to vector<16xi32>
          %parallel_loop3A_167 = arith.ori %parallel_loop3A_164, %parallel_loop3A_166 : vector<16xi32>
          %parallel_loop3A_168 = arith.xori %parallel_loop3A_161, %parallel_loop3A_167 : vector<16xi32>
          %parallel_loop3A_169 = arith.constant 2047 : i32
          %parallel_loop3A_170 = vector.broadcast %parallel_loop3A_169 : i32 to vector<16xi32>
          %parallel_loop3A_171 = arith.andi %parallel_loop3A_168, %parallel_loop3A_170 : vector<16xi32>
          %parallel_loop3A_172 = arith.constant 2048 : i32
          %parallel_loop3A_173 = arith.muli %parallel_loop3A_108, %parallel_loop3A_172 : i32
          %parallel_loop3A_174 = arith.constant true
          %parallel_loop3A_175 = vector.broadcast %parallel_loop3A_174 : i1 to vector<16xi1>
          %parallel_loop3A_176, %parallel_loop3A_177 = tpu.scan_count mask(%parallel_loop3A_175 : vector<16xi1>) value(%parallel_loop3A_171 : vector<16xi32>) : vector<16xi1>, vector<16xi32>
          %parallel_loop3A_178 = tpu.memref_slice %arg7[%parallel_loop3A_173] : memref<16384xi32, #tpu.memory_space<vmem>> -> memref<2048xi32, #tpu.memory_space<vmem>>
          %parallel_loop3A_179 = tpu.vector_load_idx %parallel_loop3A_178[%parallel_loop3A_171] : memref<2048xi32, #tpu.memory_space<vmem>>[vector<16xi32>], vector<16xi32>,
          %parallel_loop3A_180 = arith.addi %parallel_loop3A_179, %parallel_loop3A_177 : vector<16xi32>
          tpu.vector_store_idx %arg5[%parallel_loop3A_180], %parallel_loop3A_168 : memref<32768xi32, #tpu.memory_space<vmem>>[vector<16xi32>], vector<16xi32>,
          %parallel_loop3A_181 = tpu.memref_slice %arg7[%parallel_loop3A_173] : memref<16384xi32, #tpu.memory_space<vmem>> -> memref<2048xi32, #tpu.memory_space<vmem>>
          tpu.vector_store_idx %parallel_loop3A_181[%parallel_loop3A_171], %parallel_loop3A_177 masked %parallel_loop3A_176 {add = true} : memref<2048xi32, #tpu.memory_space<vmem>>[vector<16xi32>], vector<16xi32>, vector<16xi1>
          %parallel_loop3A_182 = arith.constant 11 : i32
          %parallel_loop3A_183 = vector.broadcast %parallel_loop3A_182 : i32 to vector<16xi32>
          %parallel_loop3A_184 = arith.shrui %parallel_loop3A_168, %parallel_loop3A_183 : vector<16xi32>
          %parallel_loop3A_185 = arith.constant 2047 : i32
          %parallel_loop3A_186 = vector.broadcast %parallel_loop3A_185 : i32 to vector<16xi32>
          %parallel_loop3A_187 = arith.andi %parallel_loop3A_184, %parallel_loop3A_186 : vector<16xi32>
          %parallel_loop3A_188 = arith.constant 12 : i32
          %parallel_loop3A_189 = vector.broadcast %parallel_loop3A_188 : i32 to vector<16xi32>
          %parallel_loop3A_190 = arith.shrui %parallel_loop3A_180, %parallel_loop3A_189 : vector<16xi32>
          %parallel_loop3A_191 = arith.constant 11 : i32
          %parallel_loop3A_192 = vector.broadcast %parallel_loop3A_191 : i32 to vector<16xi32>
          %parallel_loop3A_193 = arith.shli %parallel_loop3A_190, %parallel_loop3A_192 : vector<16xi32>
          %parallel_loop3A_194 = arith.addi %parallel_loop3A_187, %parallel_loop3A_193 : vector<16xi32>
          tpu.vector_store_idx %arg6[%parallel_loop3A_194], %broadcast_in_dim3A_56 {add = true} : memref<16384xi32, #tpu.memory_space<vmem>>[vector<16xi32>], vector<16xi32>,
        } {sc.loop_unroll_factor = 8 : i64, sc.parallel_access}
      }
      %scan3A_62 = arith.constant 128 : i32
      %broadcast_in_dim3A_63 = arith.constant 0 : i32
      %broadcast_in_dim3A_64 = vector.broadcast %broadcast_in_dim3A_63 : i32 to vector<16xi32>
      %scan3A_65 = arith.constant -1 : i32
      %scan3A_66 = arith.constant 0 : i32
      %scan3A_67 = arith.constant 128 : i32
      %scan3A_68 = arith.addi %scan3A_66, %scan3A_67 : i32
      %scan3A_69 = arith.constant 1 : i32
      %scan3A_70 = scf.for %scan3A_105 = %scan3A_66 to %scan3A_68 step %scan3A_69 iter_args(%scan3A_106 = %scan3A_65) -> (i32)  : i32 {
        %mul3A_107 = arith.constant 16 : i32
        %mul3A_108 = arith.muli %scan3A_105, %mul3A_107 : i32
        %add3A_109 = arith.constant 0 : i32
        %add3A_110 = arith.addi %add3A_109, %mul3A_108 : i32
        %get3A = arith.index_cast %add3A_110 : i32 to index
        %get3A_111 = tpu.vector_load %arg6[%get3A] {strides = array<i32>} : memref<16384xi32, #tpu.memory_space<vmem>>, vector<16xi32>,
        %mul3A_112 = arith.constant 16 : i32
        %mul3A_113 = arith.muli %scan3A_105, %mul3A_112 : i32
        %add3A_114 = arith.constant 2048 : i32
        %add3A_115 = arith.addi %add3A_114, %mul3A_113 : i32
        %get3A_116 = arith.index_cast %add3A_115 : i32 to index
        %get3A_117 = tpu.vector_load %arg6[%get3A_116] {strides = array<i32>} : memref<16384xi32, #tpu.memory_space<vmem>>, vector<16xi32>,
        %mul3A_118 = arith.constant 16 : i32
        %mul3A_119 = arith.muli %scan3A_105, %mul3A_118 : i32
        %add3A_120 = arith.constant 4096 : i32
        %add3A_121 = arith.addi %add3A_120, %mul3A_119 : i32
        %get3A_122 = arith.index_cast %add3A_121 : i32 to index
        %get3A_123 = tpu.vector_load %arg6[%get3A_122] {strides = array<i32>} : memref<16384xi32, #tpu.memory_space<vmem>>, vector<16xi32>,
        %mul3A_124 = arith.constant 16 : i32
        %mul3A_125 = arith.muli %scan3A_105, %mul3A_124 : i32
        %add3A_126 = arith.constant 6144 : i32
        %add3A_127 = arith.addi %add3A_126, %mul3A_125 : i32
        %get3A_128 = arith.index_cast %add3A_127 : i32 to index
        %get3A_129 = tpu.vector_load %arg6[%get3A_128] {strides = array<i32>} : memref<16384xi32, #tpu.memory_space<vmem>>, vector<16xi32>,
        %mul3A_130 = arith.constant 16 : i32
        %mul3A_131 = arith.muli %scan3A_105, %mul3A_130 : i32
        %add3A_132 = arith.constant 8192 : i32
        %add3A_133 = arith.addi %add3A_132, %mul3A_131 : i32
        %get3A_134 = arith.index_cast %add3A_133 : i32 to index
        %get3A_135 = tpu.vector_load %arg6[%get3A_134] {strides = array<i32>} : memref<16384xi32, #tpu.memory_space<vmem>>, vector<16xi32>,
        %mul3A_136 = arith.constant 16 : i32
        %mul3A_137 = arith.muli %scan3A_105, %mul3A_136 : i32
        %add3A_138 = arith.constant 10240 : i32
        %add3A_139 = arith.addi %add3A_138, %mul3A_137 : i32
        %get3A_140 = arith.index_cast %add3A_139 : i32 to index
        %get3A_141 = tpu.vector_load %arg6[%get3A_140] {strides = array<i32>} : memref<16384xi32, #tpu.memory_space<vmem>>, vector<16xi32>,
        %mul3A_142 = arith.constant 16 : i32
        %mul3A_143 = arith.muli %scan3A_105, %mul3A_142 : i32
        %add3A_144 = arith.constant 12288 : i32
        %add3A_145 = arith.addi %add3A_144, %mul3A_143 : i32
        %get3A_146 = arith.index_cast %add3A_145 : i32 to index
        %get3A_147 = tpu.vector_load %arg6[%get3A_146] {strides = array<i32>} : memref<16384xi32, #tpu.memory_space<vmem>>, vector<16xi32>,
        %mul3A_148 = arith.constant 16 : i32
        %mul3A_149 = arith.muli %scan3A_105, %mul3A_148 : i32
        %add3A_150 = arith.constant 14336 : i32
        %add3A_151 = arith.addi %add3A_150, %mul3A_149 : i32
        %get3A_152 = arith.index_cast %add3A_151 : i32 to index
        %get3A_153 = tpu.vector_load %arg6[%get3A_152] {strides = array<i32>} : memref<16384xi32, #tpu.memory_space<vmem>>, vector<16xi32>,
        %add3A_154 = arith.addi %get3A_111, %get3A_117 : vector<16xi32>
        %add3A_155 = arith.addi %add3A_154, %get3A_123 : vector<16xi32>
        %add3A_156 = arith.addi %add3A_155, %get3A_129 : vector<16xi32>
        %add3A_157 = arith.addi %add3A_156, %get3A_135 : vector<16xi32>
        %add3A_158 = arith.addi %add3A_157, %get3A_141 : vector<16xi32>
        %add3A_159 = arith.addi %add3A_158, %get3A_147 : vector<16xi32>
        %add3A_160 = arith.addi %add3A_159, %get3A_153 : vector<16xi32>
        %broadcast_in_dim3A_161 = arith.constant true
        %broadcast_in_dim3A_162 = vector.broadcast %broadcast_in_dim3A_161 : i1 to vector<16xi1>
        %masked_cumsum3A = tpu.scan <sum>, %add3A_160 masked %broadcast_in_dim3A_162 : vector<16xi32>, vector<16xi1> -> vector<16xi32>
        %sub3A_163 = arith.subi %masked_cumsum3A, %add3A_160 : vector<16xi32>
        %add3A_164 = vector.broadcast %scan3A_106 : i32 to vector<16xi32>
        %add3A_165 = arith.addi %sub3A_163, %add3A_164 : vector<16xi32>
        %mul3A_166 = arith.constant 16 : i32
        %mul3A_167 = arith.muli %scan3A_105, %mul3A_166 : i32
        %add3A_168 = arith.constant 0 : i32
        %add3A_169 = arith.addi %add3A_168, %mul3A_167 : i32
        %swap3A = arith.index_cast %add3A_169 : i32 to index
        %swap3A_170 = tpu.vector_load %arg7[%swap3A] {strides = array<i32>} : memref<16384xi32, #tpu.memory_space<vmem>>, vector<16xi32>,
        tpu.vector_store %arg7[%swap3A], %add3A_165 {strides = array<i32>} : memref<16384xi32, #tpu.memory_space<vmem>>, vector<16xi32>,
        %add3A_171 = arith.addi %add3A_165, %get3A_111 : vector<16xi32>
        %mul3A_172 = arith.constant 16 : i32
        %mul3A_173 = arith.muli %scan3A_105, %mul3A_172 : i32
        %add3A_174 = arith.constant 0 : i32
        %add3A_175 = arith.addi %add3A_174, %mul3A_173 : i32
        %swap3A_176 = arith.index_cast %add3A_175 : i32 to index
        %swap3A_177 = tpu.vector_load %arg6[%swap3A_176] {strides = array<i32>} : memref<16384xi32, #tpu.memory_space<vmem>>, vector<16xi32>,
        tpu.vector_store %arg6[%swap3A_176], %broadcast_in_dim3A_64 {strides = array<i32>} : memref<16384xi32, #tpu.memory_space<vmem>>, vector<16xi32>,
        %mul3A_178 = arith.constant 16 : i32
        %mul3A_179 = arith.muli %scan3A_105, %mul3A_178 : i32
        %add3A_180 = arith.constant 2048 : i32
        %add3A_181 = arith.addi %add3A_180, %mul3A_179 : i32
        %swap3A_182 = arith.index_cast %add3A_181 : i32 to index
        %swap3A_183 = tpu.vector_load %arg7[%swap3A_182] {strides = array<i32>} : memref<16384xi32, #tpu.memory_space<vmem>>, vector<16xi32>,
        tpu.vector_store %arg7[%swap3A_182], %add3A_171 {strides = array<i32>} : memref<16384xi32, #tpu.memory_space<vmem>>, vector<16xi32>,
        %add3A_184 = arith.addi %add3A_171, %get3A_117 : vector<16xi32>
        %mul3A_185 = arith.constant 16 : i32
        %mul3A_186 = arith.muli %scan3A_105, %mul3A_185 : i32
        %add3A_187 = arith.constant 2048 : i32
        %add3A_188 = arith.addi %add3A_187, %mul3A_186 : i32
        %swap3A_189 = arith.index_cast %add3A_188 : i32 to index
        %swap3A_190 = tpu.vector_load %arg6[%swap3A_189] {strides = array<i32>} : memref<16384xi32, #tpu.memory_space<vmem>>, vector<16xi32>,
        tpu.vector_store %arg6[%swap3A_189], %broadcast_in_dim3A_64 {strides = array<i32>} : memref<16384xi32, #tpu.memory_space<vmem>>, vector<16xi32>,
        %mul3A_191 = arith.constant 16 : i32
        %mul3A_192 = arith.muli %scan3A_105, %mul3A_191 : i32
        %add3A_193 = arith.constant 4096 : i32
        %add3A_194 = arith.addi %add3A_193, %mul3A_192 : i32
        %swap3A_195 = arith.index_cast %add3A_194 : i32 to index
        %swap3A_196 = tpu.vector_load %arg7[%swap3A_195] {strides = array<i32>} : memref<16384xi32, #tpu.memory_space<vmem>>, vector<16xi32>,
        tpu.vector_store %arg7[%swap3A_195], %add3A_184 {strides = array<i32>} : memref<16384xi32, #tpu.memory_space<vmem>>, vector<16xi32>,
        %add3A_197 = arith.addi %add3A_184, %get3A_123 : vector<16xi32>
        %mul3A_198 = arith.constant 16 : i32
        %mul3A_199 = arith.muli %scan3A_105, %mul3A_198 : i32
        %add3A_200 = arith.constant 4096 : i32
        %add3A_201 = arith.addi %add3A_200, %mul3A_199 : i32
        %swap3A_202 = arith.index_cast %add3A_201 : i32 to index
        %swap3A_203 = tpu.vector_load %arg6[%swap3A_202] {strides = array<i32>} : memref<16384xi32, #tpu.memory_space<vmem>>, vector<16xi32>,
        tpu.vector_store %arg6[%swap3A_202], %broadcast_in_dim3A_64 {strides = array<i32>} : memref<16384xi32, #tpu.memory_space<vmem>>, vector<16xi32>,
        %mul3A_204 = arith.constant 16 : i32
        %mul3A_205 = arith.muli %scan3A_105, %mul3A_204 : i32
        %add3A_206 = arith.constant 6144 : i32
        %add3A_207 = arith.addi %add3A_206, %mul3A_205 : i32
        %swap3A_208 = arith.index_cast %add3A_207 : i32 to index
        %swap3A_209 = tpu.vector_load %arg7[%swap3A_208] {strides = array<i32>} : memref<16384xi32, #tpu.memory_space<vmem>>, vector<16xi32>,
        tpu.vector_store %arg7[%swap3A_208], %add3A_197 {strides = array<i32>} : memref<16384xi32, #tpu.memory_space<vmem>>, vector<16xi32>,
        %add3A_210 = arith.addi %add3A_197, %get3A_129 : vector<16xi32>
        %mul3A_211 = arith.constant 16 : i32
        %mul3A_212 = arith.muli %scan3A_105, %mul3A_211 : i32
        %add3A_213 = arith.constant 6144 : i32
        %add3A_214 = arith.addi %add3A_213, %mul3A_212 : i32
        %swap3A_215 = arith.index_cast %add3A_214 : i32 to index
        %swap3A_216 = tpu.vector_load %arg6[%swap3A_215] {strides = array<i32>} : memref<16384xi32, #tpu.memory_space<vmem>>, vector<16xi32>,
        tpu.vector_store %arg6[%swap3A_215], %broadcast_in_dim3A_64 {strides = array<i32>} : memref<16384xi32, #tpu.memory_space<vmem>>, vector<16xi32>,
        %mul3A_217 = arith.constant 16 : i32
        %mul3A_218 = arith.muli %scan3A_105, %mul3A_217 : i32
        %add3A_219 = arith.constant 8192 : i32
        %add3A_220 = arith.addi %add3A_219, %mul3A_218 : i32
        %swap3A_221 = arith.index_cast %add3A_220 : i32 to index
        %swap3A_222 = tpu.vector_load %arg7[%swap3A_221] {strides = array<i32>} : memref<16384xi32, #tpu.memory_space<vmem>>, vector<16xi32>,
        tpu.vector_store %arg7[%swap3A_221], %add3A_210 {strides = array<i32>} : memref<16384xi32, #tpu.memory_space<vmem>>, vector<16xi32>,
        %add3A_223 = arith.addi %add3A_210, %get3A_135 : vector<16xi32>
        %mul3A_224 = arith.constant 16 : i32
        %mul3A_225 = arith.muli %scan3A_105, %mul3A_224 : i32
        %add3A_226 = arith.constant 8192 : i32
        %add3A_227 = arith.addi %add3A_226, %mul3A_225 : i32
        %swap3A_228 = arith.index_cast %add3A_227 : i32 to index
        %swap3A_229 = tpu.vector_load %arg6[%swap3A_228] {strides = array<i32>} : memref<16384xi32, #tpu.memory_space<vmem>>, vector<16xi32>,
        tpu.vector_store %arg6[%swap3A_228], %broadcast_in_dim3A_64 {strides = array<i32>} : memref<16384xi32, #tpu.memory_space<vmem>>, vector<16xi32>,
        %mul3A_230 = arith.constant 16 : i32
        %mul3A_231 = arith.muli %scan3A_105, %mul3A_230 : i32
        %add3A_232 = arith.constant 10240 : i32
        %add3A_233 = arith.addi %add3A_232, %mul3A_231 : i32
        %swap3A_234 = arith.index_cast %add3A_233 : i32 to index
        %swap3A_235 = tpu.vector_load %arg7[%swap3A_234] {strides = array<i32>} : memref<16384xi32, #tpu.memory_space<vmem>>, vector<16xi32>,
        tpu.vector_store %arg7[%swap3A_234], %add3A_223 {strides = array<i32>} : memref<16384xi32, #tpu.memory_space<vmem>>, vector<16xi32>,
        %add3A_236 = arith.addi %add3A_223, %get3A_141 : vector<16xi32>
        %mul3A_237 = arith.constant 16 : i32
        %mul3A_238 = arith.muli %scan3A_105, %mul3A_237 : i32
        %add3A_239 = arith.constant 10240 : i32
        %add3A_240 = arith.addi %add3A_239, %mul3A_238 : i32
        %swap3A_241 = arith.index_cast %add3A_240 : i32 to index
        %swap3A_242 = tpu.vector_load %arg6[%swap3A_241] {strides = array<i32>} : memref<16384xi32, #tpu.memory_space<vmem>>, vector<16xi32>,
        tpu.vector_store %arg6[%swap3A_241], %broadcast_in_dim3A_64 {strides = array<i32>} : memref<16384xi32, #tpu.memory_space<vmem>>, vector<16xi32>,
        %mul3A_243 = arith.constant 16 : i32
        %mul3A_244 = arith.muli %scan3A_105, %mul3A_243 : i32
        %add3A_245 = arith.constant 12288 : i32
        %add3A_246 = arith.addi %add3A_245, %mul3A_244 : i32
        %swap3A_247 = arith.index_cast %add3A_246 : i32 to index
        %swap3A_248 = tpu.vector_load %arg7[%swap3A_247] {strides = array<i32>} : memref<16384xi32, #tpu.memory_space<vmem>>, vector<16xi32>,
        tpu.vector_store %arg7[%swap3A_247], %add3A_236 {strides = array<i32>} : memref<16384xi32, #tpu.memory_space<vmem>>, vector<16xi32>,
        %add3A_249 = arith.addi %add3A_236, %get3A_147 : vector<16xi32>
        %mul3A_250 = arith.constant 16 : i32
        %mul3A_251 = arith.muli %scan3A_105, %mul3A_250 : i32
        %add3A_252 = arith.constant 12288 : i32
        %add3A_253 = arith.addi %add3A_252, %mul3A_251 : i32
        %swap3A_254 = arith.index_cast %add3A_253 : i32 to index
        %swap3A_255 = tpu.vector_load %arg6[%swap3A_254] {strides = array<i32>} : memref<16384xi32, #tpu.memory_space<vmem>>, vector<16xi32>,
        tpu.vector_store %arg6[%swap3A_254], %broadcast_in_dim3A_64 {strides = array<i32>} : memref<16384xi32, #tpu.memory_space<vmem>>, vector<16xi32>,
        %mul3A_256 = arith.constant 16 : i32
        %mul3A_257 = arith.muli %scan3A_105, %mul3A_256 : i32
        %add3A_258 = arith.constant 14336 : i32
        %add3A_259 = arith.addi %add3A_258, %mul3A_257 : i32
        %swap3A_260 = arith.index_cast %add3A_259 : i32 to index
        %swap3A_261 = tpu.vector_load %arg7[%swap3A_260] {strides = array<i32>} : memref<16384xi32, #tpu.memory_space<vmem>>, vector<16xi32>,
        tpu.vector_store %arg7[%swap3A_260], %add3A_249 {strides = array<i32>} : memref<16384xi32, #tpu.memory_space<vmem>>, vector<16xi32>,
        %add3A_262 = arith.addi %add3A_249, %get3A_153 : vector<16xi32>
        %mul3A_263 = arith.constant 16 : i32
        %mul3A_264 = arith.muli %scan3A_105, %mul3A_263 : i32
        %add3A_265 = arith.constant 14336 : i32
        %add3A_266 = arith.addi %add3A_265, %mul3A_264 : i32
        %swap3A_267 = arith.index_cast %add3A_266 : i32 to index
        %swap3A_268 = tpu.vector_load %arg6[%swap3A_267] {strides = array<i32>} : memref<16384xi32, #tpu.memory_space<vmem>>, vector<16xi32>,
        tpu.vector_store %arg6[%swap3A_267], %broadcast_in_dim3A_64 {strides = array<i32>} : memref<16384xi32, #tpu.memory_space<vmem>>, vector<16xi32>,
        %reduce_sum3A = arith.constant true
        %reduce_sum3A_269 = vector.broadcast %reduce_sum3A : i1 to vector<16xi1>
        %reduce_sum3A_270 = tpu.scan <sum>, %add3A_160 masked %reduce_sum3A_269 : vector<16xi32>, vector<16xi1> -> vector<16xi32>
        %reduce_sum3A_271 = vector.extract %reduce_sum3A_270[15] : i32 from vector<16xi32>
        %add3A_272 = arith.addi %scan3A_106, %reduce_sum3A_271 : i32
        scf.yield %add3A_272 : i32
      }
      %scan3A_71 = arith.constant 128 : i32
      %broadcast_in_dim3A_72 = arith.constant 1 : i32
      %broadcast_in_dim3A_73 = vector.broadcast %broadcast_in_dim3A_72 : i32 to vector<16xi32>
      %scan3A_74 = arith.constant 0 : i32
      %scan3A_75 = arith.constant 0 : i32
      %scan3A_76 = arith.constant 128 : i32
      %scan3A_77 = arith.addi %scan3A_75, %scan3A_76 : i32
      %scan3A_78 = arith.constant 1 : i32
      scf.for %scan3A_105 = %scan3A_75 to %scan3A_77 step %scan3A_78  : i32 {
        %parallel_loop3A = arith.constant 0 : i32
        %parallel_loop3A_106 = arith.constant 8 : i32
        %parallel_loop3A_107 = arith.constant 1 : i32
        scf.for %parallel_loop3A_108 = %parallel_loop3A to %parallel_loop3A_106 step %parallel_loop3A_107  : i32 {
          %parallel_loop3A_109 = arith.constant 2 : i32
          %parallel_loop3A_110 = arith.muli %parallel_loop3A_109, %scan3A_105 : i32
          %parallel_loop3A_111 = arith.constant 4096 : i32
          %parallel_loop3A_112 = arith.muli %parallel_loop3A_108, %parallel_loop3A_111 : i32
          %parallel_loop3A_113 = arith.constant 16 : i32
          %parallel_loop3A_114 = arith.muli %parallel_loop3A_110, %parallel_loop3A_113 : i32
          %parallel_loop3A_115 = arith.addi %parallel_loop3A_112, %parallel_loop3A_114 : i32
          %parallel_loop3A_116 = arith.index_cast %parallel_loop3A_115 : i32 to index
          %parallel_loop3A_117 = tpu.vector_load %arg5[%parallel_loop3A_116] {strides = array<i32>} : memref<32768xi32, #tpu.memory_space<vmem>>, vector<16xi32>,
          %parallel_loop3A_118 = arith.constant 11 : i32
          %parallel_loop3A_119 = vector.broadcast %parallel_loop3A_118 : i32 to vector<16xi32>
          %parallel_loop3A_120 = arith.shrui %parallel_loop3A_117, %parallel_loop3A_119 : vector<16xi32>
          %parallel_loop3A_121 = arith.constant 2047 : i32
          %parallel_loop3A_122 = vector.broadcast %parallel_loop3A_121 : i32 to vector<16xi32>
          %parallel_loop3A_123 = arith.andi %parallel_loop3A_120, %parallel_loop3A_122 : vector<16xi32>
          %parallel_loop3A_124 = arith.constant 2048 : i32
          %parallel_loop3A_125 = arith.muli %parallel_loop3A_108, %parallel_loop3A_124 : i32
          %parallel_loop3A_126 = arith.constant true
          %parallel_loop3A_127 = vector.broadcast %parallel_loop3A_126 : i1 to vector<16xi1>
          %parallel_loop3A_128, %parallel_loop3A_129 = tpu.scan_count mask(%parallel_loop3A_127 : vector<16xi1>) value(%parallel_loop3A_123 : vector<16xi32>) : vector<16xi1>, vector<16xi32>
          %parallel_loop3A_130 = tpu.memref_slice %arg7[%parallel_loop3A_125] : memref<16384xi32, #tpu.memory_space<vmem>> -> memref<2048xi32, #tpu.memory_space<vmem>>
          %parallel_loop3A_131 = tpu.vector_load_idx %parallel_loop3A_130[%parallel_loop3A_123] : memref<2048xi32, #tpu.memory_space<vmem>>[vector<16xi32>], vector<16xi32>,
          %parallel_loop3A_132 = arith.addi %parallel_loop3A_131, %parallel_loop3A_129 : vector<16xi32>
          tpu.vector_store_idx %arg4[%parallel_loop3A_132], %parallel_loop3A_117 : memref<32768xi32, #tpu.memory_space<vmem>>[vector<16xi32>], vector<16xi32>,
          %parallel_loop3A_133 = tpu.memref_slice %arg7[%parallel_loop3A_125] : memref<16384xi32, #tpu.memory_space<vmem>> -> memref<2048xi32, #tpu.memory_space<vmem>>
          tpu.vector_store_idx %parallel_loop3A_133[%parallel_loop3A_123], %parallel_loop3A_129 masked %parallel_loop3A_128 {add = true} : memref<2048xi32, #tpu.memory_space<vmem>>[vector<16xi32>], vector<16xi32>, vector<16xi1>
          %parallel_loop3A_134 = arith.constant 22 : i32
          %parallel_loop3A_135 = vector.broadcast %parallel_loop3A_134 : i32 to vector<16xi32>
          %parallel_loop3A_136 = arith.shrui %parallel_loop3A_117, %parallel_loop3A_135 : vector<16xi32>
          %parallel_loop3A_137 = arith.constant 1023 : i32
          %parallel_loop3A_138 = vector.broadcast %parallel_loop3A_137 : i32 to vector<16xi32>
          %parallel_loop3A_139 = arith.andi %parallel_loop3A_136, %parallel_loop3A_138 : vector<16xi32>
          %parallel_loop3A_140 = arith.constant 11 : i32
          %parallel_loop3A_141 = vector.broadcast %parallel_loop3A_140 : i32 to vector<16xi32>
          %parallel_loop3A_142 = arith.shrui %parallel_loop3A_132, %parallel_loop3A_141 : vector<16xi32>
          %parallel_loop3A_143 = arith.constant 10 : i32
          %parallel_loop3A_144 = vector.broadcast %parallel_loop3A_143 : i32 to vector<16xi32>
          %parallel_loop3A_145 = arith.shli %parallel_loop3A_142, %parallel_loop3A_144 : vector<16xi32>
          %parallel_loop3A_146 = arith.addi %parallel_loop3A_139, %parallel_loop3A_145 : vector<16xi32>
          tpu.vector_store_idx %arg6[%parallel_loop3A_146], %broadcast_in_dim3A_73 {add = true} : memref<16384xi32, #tpu.memory_space<vmem>>[vector<16xi32>], vector<16xi32>,
          %parallel_loop3A_147 = arith.constant 2 : i32
          %parallel_loop3A_148 = arith.muli %parallel_loop3A_147, %scan3A_105 : i32
          %parallel_loop3A_149 = arith.constant 1 : i32
          %parallel_loop3A_150 = arith.addi %parallel_loop3A_148, %parallel_loop3A_149 : i32
          %parallel_loop3A_151 = arith.constant 4096 : i32
          %parallel_loop3A_152 = arith.muli %parallel_loop3A_108, %parallel_loop3A_151 : i32
          %parallel_loop3A_153 = arith.constant 16 : i32
          %parallel_loop3A_154 = arith.muli %parallel_loop3A_150, %parallel_loop3A_153 : i32
          %parallel_loop3A_155 = arith.addi %parallel_loop3A_152, %parallel_loop3A_154 : i32
          %parallel_loop3A_156 = arith.index_cast %parallel_loop3A_155 : i32 to index
          %parallel_loop3A_157 = tpu.vector_load %arg5[%parallel_loop3A_156] {strides = array<i32>} : memref<32768xi32, #tpu.memory_space<vmem>>, vector<16xi32>,
          %parallel_loop3A_158 = arith.constant 11 : i32
          %parallel_loop3A_159 = vector.broadcast %parallel_loop3A_158 : i32 to vector<16xi32>
          %parallel_loop3A_160 = arith.shrui %parallel_loop3A_157, %parallel_loop3A_159 : vector<16xi32>
          %parallel_loop3A_161 = arith.constant 2047 : i32
          %parallel_loop3A_162 = vector.broadcast %parallel_loop3A_161 : i32 to vector<16xi32>
          %parallel_loop3A_163 = arith.andi %parallel_loop3A_160, %parallel_loop3A_162 : vector<16xi32>
          %parallel_loop3A_164 = arith.constant 2048 : i32
          %parallel_loop3A_165 = arith.muli %parallel_loop3A_108, %parallel_loop3A_164 : i32
          %parallel_loop3A_166 = arith.constant true
          %parallel_loop3A_167 = vector.broadcast %parallel_loop3A_166 : i1 to vector<16xi1>
          %parallel_loop3A_168, %parallel_loop3A_169 = tpu.scan_count mask(%parallel_loop3A_167 : vector<16xi1>) value(%parallel_loop3A_163 : vector<16xi32>) : vector<16xi1>, vector<16xi32>
          %parallel_loop3A_170 = tpu.memref_slice %arg7[%parallel_loop3A_165] : memref<16384xi32, #tpu.memory_space<vmem>> -> memref<2048xi32, #tpu.memory_space<vmem>>
          %parallel_loop3A_171 = tpu.vector_load_idx %parallel_loop3A_170[%parallel_loop3A_163] : memref<2048xi32, #tpu.memory_space<vmem>>[vector<16xi32>], vector<16xi32>,
          %parallel_loop3A_172 = arith.addi %parallel_loop3A_171, %parallel_loop3A_169 : vector<16xi32>
          tpu.vector_store_idx %arg4[%parallel_loop3A_172], %parallel_loop3A_157 : memref<32768xi32, #tpu.memory_space<vmem>>[vector<16xi32>], vector<16xi32>,
          %parallel_loop3A_173 = tpu.memref_slice %arg7[%parallel_loop3A_165] : memref<16384xi32, #tpu.memory_space<vmem>> -> memref<2048xi32, #tpu.memory_space<vmem>>
          tpu.vector_store_idx %parallel_loop3A_173[%parallel_loop3A_163], %parallel_loop3A_169 masked %parallel_loop3A_168 {add = true} : memref<2048xi32, #tpu.memory_space<vmem>>[vector<16xi32>], vector<16xi32>, vector<16xi1>
          %parallel_loop3A_174 = arith.constant 22 : i32
          %parallel_loop3A_175 = vector.broadcast %parallel_loop3A_174 : i32 to vector<16xi32>
          %parallel_loop3A_176 = arith.shrui %parallel_loop3A_157, %parallel_loop3A_175 : vector<16xi32>
          %parallel_loop3A_177 = arith.constant 1023 : i32
          %parallel_loop3A_178 = vector.broadcast %parallel_loop3A_177 : i32 to vector<16xi32>
          %parallel_loop3A_179 = arith.andi %parallel_loop3A_176, %parallel_loop3A_178 : vector<16xi32>
          %parallel_loop3A_180 = arith.constant 11 : i32
          %parallel_loop3A_181 = vector.broadcast %parallel_loop3A_180 : i32 to vector<16xi32>
          %parallel_loop3A_182 = arith.shrui %parallel_loop3A_172, %parallel_loop3A_181 : vector<16xi32>
          %parallel_loop3A_183 = arith.constant 10 : i32
          %parallel_loop3A_184 = vector.broadcast %parallel_loop3A_183 : i32 to vector<16xi32>
          %parallel_loop3A_185 = arith.shli %parallel_loop3A_182, %parallel_loop3A_184 : vector<16xi32>
          %parallel_loop3A_186 = arith.addi %parallel_loop3A_179, %parallel_loop3A_185 : vector<16xi32>
          tpu.vector_store_idx %arg6[%parallel_loop3A_186], %broadcast_in_dim3A_73 {add = true} : memref<16384xi32, #tpu.memory_space<vmem>>[vector<16xi32>], vector<16xi32>,
        } {sc.loop_unroll_factor = 8 : i64, sc.parallel_access}
      }
      %scan3A_79 = arith.constant 128 : i32
      %broadcast_in_dim3A_80 = arith.constant 0 : i32
      %broadcast_in_dim3A_81 = vector.broadcast %broadcast_in_dim3A_80 : i32 to vector<16xi32>
      %scan3A_82 = arith.constant -1 : i32
      %scan3A_83 = arith.constant 0 : i32
      %scan3A_84 = arith.constant 64 : i32
      %scan3A_85 = arith.addi %scan3A_83, %scan3A_84 : i32
      %scan3A_86 = arith.constant 1 : i32
      %scan3A_87 = scf.for %scan3A_105 = %scan3A_83 to %scan3A_85 step %scan3A_86 iter_args(%scan3A_106 = %scan3A_82) -> (i32)  : i32 {
        %mul3A_107 = arith.constant 16 : i32
        %mul3A_108 = arith.muli %scan3A_105, %mul3A_107 : i32
        %add3A_109 = arith.constant 0 : i32
        %add3A_110 = arith.addi %add3A_109, %mul3A_108 : i32
        %get3A = arith.index_cast %add3A_110 : i32 to index
        %get3A_111 = tpu.vector_load %arg6[%get3A] {strides = array<i32>} : memref<16384xi32, #tpu.memory_space<vmem>>, vector<16xi32>,
        %mul3A_112 = arith.constant 16 : i32
        %mul3A_113 = arith.muli %scan3A_105, %mul3A_112 : i32
        %add3A_114 = arith.constant 1024 : i32
        %add3A_115 = arith.addi %add3A_114, %mul3A_113 : i32
        %get3A_116 = arith.index_cast %add3A_115 : i32 to index
        %get3A_117 = tpu.vector_load %arg6[%get3A_116] {strides = array<i32>} : memref<16384xi32, #tpu.memory_space<vmem>>, vector<16xi32>,
        %mul3A_118 = arith.constant 16 : i32
        %mul3A_119 = arith.muli %scan3A_105, %mul3A_118 : i32
        %add3A_120 = arith.constant 2048 : i32
        %add3A_121 = arith.addi %add3A_120, %mul3A_119 : i32
        %get3A_122 = arith.index_cast %add3A_121 : i32 to index
        %get3A_123 = tpu.vector_load %arg6[%get3A_122] {strides = array<i32>} : memref<16384xi32, #tpu.memory_space<vmem>>, vector<16xi32>,
        %mul3A_124 = arith.constant 16 : i32
        %mul3A_125 = arith.muli %scan3A_105, %mul3A_124 : i32
        %add3A_126 = arith.constant 3072 : i32
        %add3A_127 = arith.addi %add3A_126, %mul3A_125 : i32
        %get3A_128 = arith.index_cast %add3A_127 : i32 to index
        %get3A_129 = tpu.vector_load %arg6[%get3A_128] {strides = array<i32>} : memref<16384xi32, #tpu.memory_space<vmem>>, vector<16xi32>,
        %mul3A_130 = arith.constant 16 : i32
        %mul3A_131 = arith.muli %scan3A_105, %mul3A_130 : i32
        %add3A_132 = arith.constant 4096 : i32
        %add3A_133 = arith.addi %add3A_132, %mul3A_131 : i32
        %get3A_134 = arith.index_cast %add3A_133 : i32 to index
        %get3A_135 = tpu.vector_load %arg6[%get3A_134] {strides = array<i32>} : memref<16384xi32, #tpu.memory_space<vmem>>, vector<16xi32>,
        %mul3A_136 = arith.constant 16 : i32
        %mul3A_137 = arith.muli %scan3A_105, %mul3A_136 : i32
        %add3A_138 = arith.constant 5120 : i32
        %add3A_139 = arith.addi %add3A_138, %mul3A_137 : i32
        %get3A_140 = arith.index_cast %add3A_139 : i32 to index
        %get3A_141 = tpu.vector_load %arg6[%get3A_140] {strides = array<i32>} : memref<16384xi32, #tpu.memory_space<vmem>>, vector<16xi32>,
        %mul3A_142 = arith.constant 16 : i32
        %mul3A_143 = arith.muli %scan3A_105, %mul3A_142 : i32
        %add3A_144 = arith.constant 6144 : i32
        %add3A_145 = arith.addi %add3A_144, %mul3A_143 : i32
        %get3A_146 = arith.index_cast %add3A_145 : i32 to index
        %get3A_147 = tpu.vector_load %arg6[%get3A_146] {strides = array<i32>} : memref<16384xi32, #tpu.memory_space<vmem>>, vector<16xi32>,
        %mul3A_148 = arith.constant 16 : i32
        %mul3A_149 = arith.muli %scan3A_105, %mul3A_148 : i32
        %add3A_150 = arith.constant 7168 : i32
        %add3A_151 = arith.addi %add3A_150, %mul3A_149 : i32
        %get3A_152 = arith.index_cast %add3A_151 : i32 to index
        %get3A_153 = tpu.vector_load %arg6[%get3A_152] {strides = array<i32>} : memref<16384xi32, #tpu.memory_space<vmem>>, vector<16xi32>,
        %mul3A_154 = arith.constant 16 : i32
        %mul3A_155 = arith.muli %scan3A_105, %mul3A_154 : i32
        %add3A_156 = arith.constant 8192 : i32
        %add3A_157 = arith.addi %add3A_156, %mul3A_155 : i32
        %get3A_158 = arith.index_cast %add3A_157 : i32 to index
        %get3A_159 = tpu.vector_load %arg6[%get3A_158] {strides = array<i32>} : memref<16384xi32, #tpu.memory_space<vmem>>, vector<16xi32>,
        %mul3A_160 = arith.constant 16 : i32
        %mul3A_161 = arith.muli %scan3A_105, %mul3A_160 : i32
        %add3A_162 = arith.constant 9216 : i32
        %add3A_163 = arith.addi %add3A_162, %mul3A_161 : i32
        %get3A_164 = arith.index_cast %add3A_163 : i32 to index
        %get3A_165 = tpu.vector_load %arg6[%get3A_164] {strides = array<i32>} : memref<16384xi32, #tpu.memory_space<vmem>>, vector<16xi32>,
        %mul3A_166 = arith.constant 16 : i32
        %mul3A_167 = arith.muli %scan3A_105, %mul3A_166 : i32
        %add3A_168 = arith.constant 10240 : i32
        %add3A_169 = arith.addi %add3A_168, %mul3A_167 : i32
        %get3A_170 = arith.index_cast %add3A_169 : i32 to index
        %get3A_171 = tpu.vector_load %arg6[%get3A_170] {strides = array<i32>} : memref<16384xi32, #tpu.memory_space<vmem>>, vector<16xi32>,
        %mul3A_172 = arith.constant 16 : i32
        %mul3A_173 = arith.muli %scan3A_105, %mul3A_172 : i32
        %add3A_174 = arith.constant 11264 : i32
        %add3A_175 = arith.addi %add3A_174, %mul3A_173 : i32
        %get3A_176 = arith.index_cast %add3A_175 : i32 to index
        %get3A_177 = tpu.vector_load %arg6[%get3A_176] {strides = array<i32>} : memref<16384xi32, #tpu.memory_space<vmem>>, vector<16xi32>,
        %mul3A_178 = arith.constant 16 : i32
        %mul3A_179 = arith.muli %scan3A_105, %mul3A_178 : i32
        %add3A_180 = arith.constant 12288 : i32
        %add3A_181 = arith.addi %add3A_180, %mul3A_179 : i32
        %get3A_182 = arith.index_cast %add3A_181 : i32 to index
        %get3A_183 = tpu.vector_load %arg6[%get3A_182] {strides = array<i32>} : memref<16384xi32, #tpu.memory_space<vmem>>, vector<16xi32>,
        %mul3A_184 = arith.constant 16 : i32
        %mul3A_185 = arith.muli %scan3A_105, %mul3A_184 : i32
        %add3A_186 = arith.constant 13312 : i32
        %add3A_187 = arith.addi %add3A_186, %mul3A_185 : i32
        %get3A_188 = arith.index_cast %add3A_187 : i32 to index
        %get3A_189 = tpu.vector_load %arg6[%get3A_188] {strides = array<i32>} : memref<16384xi32, #tpu.memory_space<vmem>>, vector<16xi32>,
        %mul3A_190 = arith.constant 16 : i32
        %mul3A_191 = arith.muli %scan3A_105, %mul3A_190 : i32
        %add3A_192 = arith.constant 14336 : i32
        %add3A_193 = arith.addi %add3A_192, %mul3A_191 : i32
        %get3A_194 = arith.index_cast %add3A_193 : i32 to index
        %get3A_195 = tpu.vector_load %arg6[%get3A_194] {strides = array<i32>} : memref<16384xi32, #tpu.memory_space<vmem>>, vector<16xi32>,
        %mul3A_196 = arith.constant 16 : i32
        %mul3A_197 = arith.muli %scan3A_105, %mul3A_196 : i32
        %add3A_198 = arith.constant 15360 : i32
        %add3A_199 = arith.addi %add3A_198, %mul3A_197 : i32
        %get3A_200 = arith.index_cast %add3A_199 : i32 to index
        %get3A_201 = tpu.vector_load %arg6[%get3A_200] {strides = array<i32>} : memref<16384xi32, #tpu.memory_space<vmem>>, vector<16xi32>,
        %add3A_202 = arith.addi %get3A_111, %get3A_117 : vector<16xi32>
        %add3A_203 = arith.addi %add3A_202, %get3A_123 : vector<16xi32>
        %add3A_204 = arith.addi %add3A_203, %get3A_129 : vector<16xi32>
        %add3A_205 = arith.addi %add3A_204, %get3A_135 : vector<16xi32>
        %add3A_206 = arith.addi %add3A_205, %get3A_141 : vector<16xi32>
        %add3A_207 = arith.addi %add3A_206, %get3A_147 : vector<16xi32>
        %add3A_208 = arith.addi %add3A_207, %get3A_153 : vector<16xi32>
        %add3A_209 = arith.addi %add3A_208, %get3A_159 : vector<16xi32>
        %add3A_210 = arith.addi %add3A_209, %get3A_165 : vector<16xi32>
        %add3A_211 = arith.addi %add3A_210, %get3A_171 : vector<16xi32>
        %add3A_212 = arith.addi %add3A_211, %get3A_177 : vector<16xi32>
        %add3A_213 = arith.addi %add3A_212, %get3A_183 : vector<16xi32>
        %add3A_214 = arith.addi %add3A_213, %get3A_189 : vector<16xi32>
        %add3A_215 = arith.addi %add3A_214, %get3A_195 : vector<16xi32>
        %add3A_216 = arith.addi %add3A_215, %get3A_201 : vector<16xi32>
        %broadcast_in_dim3A_217 = arith.constant true
        %broadcast_in_dim3A_218 = vector.broadcast %broadcast_in_dim3A_217 : i1 to vector<16xi1>
        %masked_cumsum3A = tpu.scan <sum>, %add3A_216 masked %broadcast_in_dim3A_218 : vector<16xi32>, vector<16xi1> -> vector<16xi32>
        %sub3A_219 = arith.subi %masked_cumsum3A, %add3A_216 : vector<16xi32>
        %add3A_220 = vector.broadcast %scan3A_106 : i32 to vector<16xi32>
        %add3A_221 = arith.addi %sub3A_219, %add3A_220 : vector<16xi32>
        %mul3A_222 = arith.constant 16 : i32
        %mul3A_223 = arith.muli %scan3A_105, %mul3A_222 : i32
        %add3A_224 = arith.constant 0 : i32
        %add3A_225 = arith.addi %add3A_224, %mul3A_223 : i32
        %swap3A = arith.index_cast %add3A_225 : i32 to index
        %swap3A_226 = tpu.vector_load %arg7[%swap3A] {strides = array<i32>} : memref<16384xi32, #tpu.memory_space<vmem>>, vector<16xi32>,
        tpu.vector_store %arg7[%swap3A], %add3A_221 {strides = array<i32>} : memref<16384xi32, #tpu.memory_space<vmem>>, vector<16xi32>,
        %add3A_227 = arith.addi %add3A_221, %get3A_111 : vector<16xi32>
        %mul3A_228 = arith.constant 16 : i32
        %mul3A_229 = arith.muli %scan3A_105, %mul3A_228 : i32
        %add3A_230 = arith.constant 0 : i32
        %add3A_231 = arith.addi %add3A_230, %mul3A_229 : i32
        %swap3A_232 = arith.index_cast %add3A_231 : i32 to index
        %swap3A_233 = tpu.vector_load %arg6[%swap3A_232] {strides = array<i32>} : memref<16384xi32, #tpu.memory_space<vmem>>, vector<16xi32>,
        tpu.vector_store %arg6[%swap3A_232], %broadcast_in_dim3A_81 {strides = array<i32>} : memref<16384xi32, #tpu.memory_space<vmem>>, vector<16xi32>,
        %mul3A_234 = arith.constant 16 : i32
        %mul3A_235 = arith.muli %scan3A_105, %mul3A_234 : i32
        %add3A_236 = arith.constant 1024 : i32
        %add3A_237 = arith.addi %add3A_236, %mul3A_235 : i32
        %swap3A_238 = arith.index_cast %add3A_237 : i32 to index
        %swap3A_239 = tpu.vector_load %arg7[%swap3A_238] {strides = array<i32>} : memref<16384xi32, #tpu.memory_space<vmem>>, vector<16xi32>,
        tpu.vector_store %arg7[%swap3A_238], %add3A_227 {strides = array<i32>} : memref<16384xi32, #tpu.memory_space<vmem>>, vector<16xi32>,
        %add3A_240 = arith.addi %add3A_227, %get3A_117 : vector<16xi32>
        %mul3A_241 = arith.constant 16 : i32
        %mul3A_242 = arith.muli %scan3A_105, %mul3A_241 : i32
        %add3A_243 = arith.constant 1024 : i32
        %add3A_244 = arith.addi %add3A_243, %mul3A_242 : i32
        %swap3A_245 = arith.index_cast %add3A_244 : i32 to index
        %swap3A_246 = tpu.vector_load %arg6[%swap3A_245] {strides = array<i32>} : memref<16384xi32, #tpu.memory_space<vmem>>, vector<16xi32>,
        tpu.vector_store %arg6[%swap3A_245], %broadcast_in_dim3A_81 {strides = array<i32>} : memref<16384xi32, #tpu.memory_space<vmem>>, vector<16xi32>,
        %mul3A_247 = arith.constant 16 : i32
        %mul3A_248 = arith.muli %scan3A_105, %mul3A_247 : i32
        %add3A_249 = arith.constant 2048 : i32
        %add3A_250 = arith.addi %add3A_249, %mul3A_248 : i32
        %swap3A_251 = arith.index_cast %add3A_250 : i32 to index
        %swap3A_252 = tpu.vector_load %arg7[%swap3A_251] {strides = array<i32>} : memref<16384xi32, #tpu.memory_space<vmem>>, vector<16xi32>,
        tpu.vector_store %arg7[%swap3A_251], %add3A_240 {strides = array<i32>} : memref<16384xi32, #tpu.memory_space<vmem>>, vector<16xi32>,
        %add3A_253 = arith.addi %add3A_240, %get3A_123 : vector<16xi32>
        %mul3A_254 = arith.constant 16 : i32
        %mul3A_255 = arith.muli %scan3A_105, %mul3A_254 : i32
        %add3A_256 = arith.constant 2048 : i32
        %add3A_257 = arith.addi %add3A_256, %mul3A_255 : i32
        %swap3A_258 = arith.index_cast %add3A_257 : i32 to index
        %swap3A_259 = tpu.vector_load %arg6[%swap3A_258] {strides = array<i32>} : memref<16384xi32, #tpu.memory_space<vmem>>, vector<16xi32>,
        tpu.vector_store %arg6[%swap3A_258], %broadcast_in_dim3A_81 {strides = array<i32>} : memref<16384xi32, #tpu.memory_space<vmem>>, vector<16xi32>,
        %mul3A_260 = arith.constant 16 : i32
        %mul3A_261 = arith.muli %scan3A_105, %mul3A_260 : i32
        %add3A_262 = arith.constant 3072 : i32
        %add3A_263 = arith.addi %add3A_262, %mul3A_261 : i32
        %swap3A_264 = arith.index_cast %add3A_263 : i32 to index
        %swap3A_265 = tpu.vector_load %arg7[%swap3A_264] {strides = array<i32>} : memref<16384xi32, #tpu.memory_space<vmem>>, vector<16xi32>,
        tpu.vector_store %arg7[%swap3A_264], %add3A_253 {strides = array<i32>} : memref<16384xi32, #tpu.memory_space<vmem>>, vector<16xi32>,
        %add3A_266 = arith.addi %add3A_253, %get3A_129 : vector<16xi32>
        %mul3A_267 = arith.constant 16 : i32
        %mul3A_268 = arith.muli %scan3A_105, %mul3A_267 : i32
        %add3A_269 = arith.constant 3072 : i32
        %add3A_270 = arith.addi %add3A_269, %mul3A_268 : i32
        %swap3A_271 = arith.index_cast %add3A_270 : i32 to index
        %swap3A_272 = tpu.vector_load %arg6[%swap3A_271] {strides = array<i32>} : memref<16384xi32, #tpu.memory_space<vmem>>, vector<16xi32>,
        tpu.vector_store %arg6[%swap3A_271], %broadcast_in_dim3A_81 {strides = array<i32>} : memref<16384xi32, #tpu.memory_space<vmem>>, vector<16xi32>,
        %mul3A_273 = arith.constant 16 : i32
        %mul3A_274 = arith.muli %scan3A_105, %mul3A_273 : i32
        %add3A_275 = arith.constant 4096 : i32
        %add3A_276 = arith.addi %add3A_275, %mul3A_274 : i32
        %swap3A_277 = arith.index_cast %add3A_276 : i32 to index
        %swap3A_278 = tpu.vector_load %arg7[%swap3A_277] {strides = array<i32>} : memref<16384xi32, #tpu.memory_space<vmem>>, vector<16xi32>,
        tpu.vector_store %arg7[%swap3A_277], %add3A_266 {strides = array<i32>} : memref<16384xi32, #tpu.memory_space<vmem>>, vector<16xi32>,
        %add3A_279 = arith.addi %add3A_266, %get3A_135 : vector<16xi32>
        %mul3A_280 = arith.constant 16 : i32
        %mul3A_281 = arith.muli %scan3A_105, %mul3A_280 : i32
        %add3A_282 = arith.constant 4096 : i32
        %add3A_283 = arith.addi %add3A_282, %mul3A_281 : i32
        %swap3A_284 = arith.index_cast %add3A_283 : i32 to index
        %swap3A_285 = tpu.vector_load %arg6[%swap3A_284] {strides = array<i32>} : memref<16384xi32, #tpu.memory_space<vmem>>, vector<16xi32>,
        tpu.vector_store %arg6[%swap3A_284], %broadcast_in_dim3A_81 {strides = array<i32>} : memref<16384xi32, #tpu.memory_space<vmem>>, vector<16xi32>,
        %mul3A_286 = arith.constant 16 : i32
        %mul3A_287 = arith.muli %scan3A_105, %mul3A_286 : i32
        %add3A_288 = arith.constant 5120 : i32
        %add3A_289 = arith.addi %add3A_288, %mul3A_287 : i32
        %swap3A_290 = arith.index_cast %add3A_289 : i32 to index
        %swap3A_291 = tpu.vector_load %arg7[%swap3A_290] {strides = array<i32>} : memref<16384xi32, #tpu.memory_space<vmem>>, vector<16xi32>,
        tpu.vector_store %arg7[%swap3A_290], %add3A_279 {strides = array<i32>} : memref<16384xi32, #tpu.memory_space<vmem>>, vector<16xi32>,
        %add3A_292 = arith.addi %add3A_279, %get3A_141 : vector<16xi32>
        %mul3A_293 = arith.constant 16 : i32
        %mul3A_294 = arith.muli %scan3A_105, %mul3A_293 : i32
        %add3A_295 = arith.constant 5120 : i32
        %add3A_296 = arith.addi %add3A_295, %mul3A_294 : i32
        %swap3A_297 = arith.index_cast %add3A_296 : i32 to index
        %swap3A_298 = tpu.vector_load %arg6[%swap3A_297] {strides = array<i32>} : memref<16384xi32, #tpu.memory_space<vmem>>, vector<16xi32>,
        tpu.vector_store %arg6[%swap3A_297], %broadcast_in_dim3A_81 {strides = array<i32>} : memref<16384xi32, #tpu.memory_space<vmem>>, vector<16xi32>,
        %mul3A_299 = arith.constant 16 : i32
        %mul3A_300 = arith.muli %scan3A_105, %mul3A_299 : i32
        %add3A_301 = arith.constant 6144 : i32
        %add3A_302 = arith.addi %add3A_301, %mul3A_300 : i32
        %swap3A_303 = arith.index_cast %add3A_302 : i32 to index
        %swap3A_304 = tpu.vector_load %arg7[%swap3A_303] {strides = array<i32>} : memref<16384xi32, #tpu.memory_space<vmem>>, vector<16xi32>,
        tpu.vector_store %arg7[%swap3A_303], %add3A_292 {strides = array<i32>} : memref<16384xi32, #tpu.memory_space<vmem>>, vector<16xi32>,
        %add3A_305 = arith.addi %add3A_292, %get3A_147 : vector<16xi32>
        %mul3A_306 = arith.constant 16 : i32
        %mul3A_307 = arith.muli %scan3A_105, %mul3A_306 : i32
        %add3A_308 = arith.constant 6144 : i32
        %add3A_309 = arith.addi %add3A_308, %mul3A_307 : i32
        %swap3A_310 = arith.index_cast %add3A_309 : i32 to index
        %swap3A_311 = tpu.vector_load %arg6[%swap3A_310] {strides = array<i32>} : memref<16384xi32, #tpu.memory_space<vmem>>, vector<16xi32>,
        tpu.vector_store %arg6[%swap3A_310], %broadcast_in_dim3A_81 {strides = array<i32>} : memref<16384xi32, #tpu.memory_space<vmem>>, vector<16xi32>,
        %mul3A_312 = arith.constant 16 : i32
        %mul3A_313 = arith.muli %scan3A_105, %mul3A_312 : i32
        %add3A_314 = arith.constant 7168 : i32
        %add3A_315 = arith.addi %add3A_314, %mul3A_313 : i32
        %swap3A_316 = arith.index_cast %add3A_315 : i32 to index
        %swap3A_317 = tpu.vector_load %arg7[%swap3A_316] {strides = array<i32>} : memref<16384xi32, #tpu.memory_space<vmem>>, vector<16xi32>,
        tpu.vector_store %arg7[%swap3A_316], %add3A_305 {strides = array<i32>} : memref<16384xi32, #tpu.memory_space<vmem>>, vector<16xi32>,
        %add3A_318 = arith.addi %add3A_305, %get3A_153 : vector<16xi32>
        %mul3A_319 = arith.constant 16 : i32
        %mul3A_320 = arith.muli %scan3A_105, %mul3A_319 : i32
        %add3A_321 = arith.constant 7168 : i32
        %add3A_322 = arith.addi %add3A_321, %mul3A_320 : i32
        %swap3A_323 = arith.index_cast %add3A_322 : i32 to index
        %swap3A_324 = tpu.vector_load %arg6[%swap3A_323] {strides = array<i32>} : memref<16384xi32, #tpu.memory_space<vmem>>, vector<16xi32>,
        tpu.vector_store %arg6[%swap3A_323], %broadcast_in_dim3A_81 {strides = array<i32>} : memref<16384xi32, #tpu.memory_space<vmem>>, vector<16xi32>,
        %mul3A_325 = arith.constant 16 : i32
        %mul3A_326 = arith.muli %scan3A_105, %mul3A_325 : i32
        %add3A_327 = arith.constant 8192 : i32
        %add3A_328 = arith.addi %add3A_327, %mul3A_326 : i32
        %swap3A_329 = arith.index_cast %add3A_328 : i32 to index
        %swap3A_330 = tpu.vector_load %arg7[%swap3A_329] {strides = array<i32>} : memref<16384xi32, #tpu.memory_space<vmem>>, vector<16xi32>,
        tpu.vector_store %arg7[%swap3A_329], %add3A_318 {strides = array<i32>} : memref<16384xi32, #tpu.memory_space<vmem>>, vector<16xi32>,
        %add3A_331 = arith.addi %add3A_318, %get3A_159 : vector<16xi32>
        %mul3A_332 = arith.constant 16 : i32
        %mul3A_333 = arith.muli %scan3A_105, %mul3A_332 : i32
        %add3A_334 = arith.constant 8192 : i32
        %add3A_335 = arith.addi %add3A_334, %mul3A_333 : i32
        %swap3A_336 = arith.index_cast %add3A_335 : i32 to index
        %swap3A_337 = tpu.vector_load %arg6[%swap3A_336] {strides = array<i32>} : memref<16384xi32, #tpu.memory_space<vmem>>, vector<16xi32>,
        tpu.vector_store %arg6[%swap3A_336], %broadcast_in_dim3A_81 {strides = array<i32>} : memref<16384xi32, #tpu.memory_space<vmem>>, vector<16xi32>,
        %mul3A_338 = arith.constant 16 : i32
        %mul3A_339 = arith.muli %scan3A_105, %mul3A_338 : i32
        %add3A_340 = arith.constant 9216 : i32
        %add3A_341 = arith.addi %add3A_340, %mul3A_339 : i32
        %swap3A_342 = arith.index_cast %add3A_341 : i32 to index
        %swap3A_343 = tpu.vector_load %arg7[%swap3A_342] {strides = array<i32>} : memref<16384xi32, #tpu.memory_space<vmem>>, vector<16xi32>,
        tpu.vector_store %arg7[%swap3A_342], %add3A_331 {strides = array<i32>} : memref<16384xi32, #tpu.memory_space<vmem>>, vector<16xi32>,
        %add3A_344 = arith.addi %add3A_331, %get3A_165 : vector<16xi32>
        %mul3A_345 = arith.constant 16 : i32
        %mul3A_346 = arith.muli %scan3A_105, %mul3A_345 : i32
        %add3A_347 = arith.constant 9216 : i32
        %add3A_348 = arith.addi %add3A_347, %mul3A_346 : i32
        %swap3A_349 = arith.index_cast %add3A_348 : i32 to index
        %swap3A_350 = tpu.vector_load %arg6[%swap3A_349] {strides = array<i32>} : memref<16384xi32, #tpu.memory_space<vmem>>, vector<16xi32>,
        tpu.vector_store %arg6[%swap3A_349], %broadcast_in_dim3A_81 {strides = array<i32>} : memref<16384xi32, #tpu.memory_space<vmem>>, vector<16xi32>,
        %mul3A_351 = arith.constant 16 : i32
        %mul3A_352 = arith.muli %scan3A_105, %mul3A_351 : i32
        %add3A_353 = arith.constant 10240 : i32
        %add3A_354 = arith.addi %add3A_353, %mul3A_352 : i32
        %swap3A_355 = arith.index_cast %add3A_354 : i32 to index
        %swap3A_356 = tpu.vector_load %arg7[%swap3A_355] {strides = array<i32>} : memref<16384xi32, #tpu.memory_space<vmem>>, vector<16xi32>,
        tpu.vector_store %arg7[%swap3A_355], %add3A_344 {strides = array<i32>} : memref<16384xi32, #tpu.memory_space<vmem>>, vector<16xi32>,
        %add3A_357 = arith.addi %add3A_344, %get3A_171 : vector<16xi32>
        %mul3A_358 = arith.constant 16 : i32
        %mul3A_359 = arith.muli %scan3A_105, %mul3A_358 : i32
        %add3A_360 = arith.constant 10240 : i32
        %add3A_361 = arith.addi %add3A_360, %mul3A_359 : i32
        %swap3A_362 = arith.index_cast %add3A_361 : i32 to index
        %swap3A_363 = tpu.vector_load %arg6[%swap3A_362] {strides = array<i32>} : memref<16384xi32, #tpu.memory_space<vmem>>, vector<16xi32>,
        tpu.vector_store %arg6[%swap3A_362], %broadcast_in_dim3A_81 {strides = array<i32>} : memref<16384xi32, #tpu.memory_space<vmem>>, vector<16xi32>,
        %mul3A_364 = arith.constant 16 : i32
        %mul3A_365 = arith.muli %scan3A_105, %mul3A_364 : i32
        %add3A_366 = arith.constant 11264 : i32
        %add3A_367 = arith.addi %add3A_366, %mul3A_365 : i32
        %swap3A_368 = arith.index_cast %add3A_367 : i32 to index
        %swap3A_369 = tpu.vector_load %arg7[%swap3A_368] {strides = array<i32>} : memref<16384xi32, #tpu.memory_space<vmem>>, vector<16xi32>,
        tpu.vector_store %arg7[%swap3A_368], %add3A_357 {strides = array<i32>} : memref<16384xi32, #tpu.memory_space<vmem>>, vector<16xi32>,
        %add3A_370 = arith.addi %add3A_357, %get3A_177 : vector<16xi32>
        %mul3A_371 = arith.constant 16 : i32
        %mul3A_372 = arith.muli %scan3A_105, %mul3A_371 : i32
        %add3A_373 = arith.constant 11264 : i32
        %add3A_374 = arith.addi %add3A_373, %mul3A_372 : i32
        %swap3A_375 = arith.index_cast %add3A_374 : i32 to index
        %swap3A_376 = tpu.vector_load %arg6[%swap3A_375] {strides = array<i32>} : memref<16384xi32, #tpu.memory_space<vmem>>, vector<16xi32>,
        tpu.vector_store %arg6[%swap3A_375], %broadcast_in_dim3A_81 {strides = array<i32>} : memref<16384xi32, #tpu.memory_space<vmem>>, vector<16xi32>,
        %mul3A_377 = arith.constant 16 : i32
        %mul3A_378 = arith.muli %scan3A_105, %mul3A_377 : i32
        %add3A_379 = arith.constant 12288 : i32
        %add3A_380 = arith.addi %add3A_379, %mul3A_378 : i32
        %swap3A_381 = arith.index_cast %add3A_380 : i32 to index
        %swap3A_382 = tpu.vector_load %arg7[%swap3A_381] {strides = array<i32>} : memref<16384xi32, #tpu.memory_space<vmem>>, vector<16xi32>,
        tpu.vector_store %arg7[%swap3A_381], %add3A_370 {strides = array<i32>} : memref<16384xi32, #tpu.memory_space<vmem>>, vector<16xi32>,
        %add3A_383 = arith.addi %add3A_370, %get3A_183 : vector<16xi32>
        %mul3A_384 = arith.constant 16 : i32
        %mul3A_385 = arith.muli %scan3A_105, %mul3A_384 : i32
        %add3A_386 = arith.constant 12288 : i32
        %add3A_387 = arith.addi %add3A_386, %mul3A_385 : i32
        %swap3A_388 = arith.index_cast %add3A_387 : i32 to index
        %swap3A_389 = tpu.vector_load %arg6[%swap3A_388] {strides = array<i32>} : memref<16384xi32, #tpu.memory_space<vmem>>, vector<16xi32>,
        tpu.vector_store %arg6[%swap3A_388], %broadcast_in_dim3A_81 {strides = array<i32>} : memref<16384xi32, #tpu.memory_space<vmem>>, vector<16xi32>,
        %mul3A_390 = arith.constant 16 : i32
        %mul3A_391 = arith.muli %scan3A_105, %mul3A_390 : i32
        %add3A_392 = arith.constant 13312 : i32
        %add3A_393 = arith.addi %add3A_392, %mul3A_391 : i32
        %swap3A_394 = arith.index_cast %add3A_393 : i32 to index
        %swap3A_395 = tpu.vector_load %arg7[%swap3A_394] {strides = array<i32>} : memref<16384xi32, #tpu.memory_space<vmem>>, vector<16xi32>,
        tpu.vector_store %arg7[%swap3A_394], %add3A_383 {strides = array<i32>} : memref<16384xi32, #tpu.memory_space<vmem>>, vector<16xi32>,
        %add3A_396 = arith.addi %add3A_383, %get3A_189 : vector<16xi32>
        %mul3A_397 = arith.constant 16 : i32
        %mul3A_398 = arith.muli %scan3A_105, %mul3A_397 : i32
        %add3A_399 = arith.constant 13312 : i32
        %add3A_400 = arith.addi %add3A_399, %mul3A_398 : i32
        %swap3A_401 = arith.index_cast %add3A_400 : i32 to index
        %swap3A_402 = tpu.vector_load %arg6[%swap3A_401] {strides = array<i32>} : memref<16384xi32, #tpu.memory_space<vmem>>, vector<16xi32>,
        tpu.vector_store %arg6[%swap3A_401], %broadcast_in_dim3A_81 {strides = array<i32>} : memref<16384xi32, #tpu.memory_space<vmem>>, vector<16xi32>,
        %mul3A_403 = arith.constant 16 : i32
        %mul3A_404 = arith.muli %scan3A_105, %mul3A_403 : i32
        %add3A_405 = arith.constant 14336 : i32
        %add3A_406 = arith.addi %add3A_405, %mul3A_404 : i32
        %swap3A_407 = arith.index_cast %add3A_406 : i32 to index
        %swap3A_408 = tpu.vector_load %arg7[%swap3A_407] {strides = array<i32>} : memref<16384xi32, #tpu.memory_space<vmem>>, vector<16xi32>,
        tpu.vector_store %arg7[%swap3A_407], %add3A_396 {strides = array<i32>} : memref<16384xi32, #tpu.memory_space<vmem>>, vector<16xi32>,
        %add3A_409 = arith.addi %add3A_396, %get3A_195 : vector<16xi32>
        %mul3A_410 = arith.constant 16 : i32
        %mul3A_411 = arith.muli %scan3A_105, %mul3A_410 : i32
        %add3A_412 = arith.constant 14336 : i32
        %add3A_413 = arith.addi %add3A_412, %mul3A_411 : i32
        %swap3A_414 = arith.index_cast %add3A_413 : i32 to index
        %swap3A_415 = tpu.vector_load %arg6[%swap3A_414] {strides = array<i32>} : memref<16384xi32, #tpu.memory_space<vmem>>, vector<16xi32>,
        tpu.vector_store %arg6[%swap3A_414], %broadcast_in_dim3A_81 {strides = array<i32>} : memref<16384xi32, #tpu.memory_space<vmem>>, vector<16xi32>,
        %mul3A_416 = arith.constant 16 : i32
        %mul3A_417 = arith.muli %scan3A_105, %mul3A_416 : i32
        %add3A_418 = arith.constant 15360 : i32
        %add3A_419 = arith.addi %add3A_418, %mul3A_417 : i32
        %swap3A_420 = arith.index_cast %add3A_419 : i32 to index
        %swap3A_421 = tpu.vector_load %arg7[%swap3A_420] {strides = array<i32>} : memref<16384xi32, #tpu.memory_space<vmem>>, vector<16xi32>,
        tpu.vector_store %arg7[%swap3A_420], %add3A_409 {strides = array<i32>} : memref<16384xi32, #tpu.memory_space<vmem>>, vector<16xi32>,
        %add3A_422 = arith.addi %add3A_409, %get3A_201 : vector<16xi32>
        %mul3A_423 = arith.constant 16 : i32
        %mul3A_424 = arith.muli %scan3A_105, %mul3A_423 : i32
        %add3A_425 = arith.constant 15360 : i32
        %add3A_426 = arith.addi %add3A_425, %mul3A_424 : i32
        %swap3A_427 = arith.index_cast %add3A_426 : i32 to index
        %swap3A_428 = tpu.vector_load %arg6[%swap3A_427] {strides = array<i32>} : memref<16384xi32, #tpu.memory_space<vmem>>, vector<16xi32>,
        tpu.vector_store %arg6[%swap3A_427], %broadcast_in_dim3A_81 {strides = array<i32>} : memref<16384xi32, #tpu.memory_space<vmem>>, vector<16xi32>,
        %reduce_sum3A = arith.constant true
        %reduce_sum3A_429 = vector.broadcast %reduce_sum3A : i1 to vector<16xi1>
        %reduce_sum3A_430 = tpu.scan <sum>, %add3A_216 masked %reduce_sum3A_429 : vector<16xi32>, vector<16xi1> -> vector<16xi32>
        %reduce_sum3A_431 = vector.extract %reduce_sum3A_430[15] : i32 from vector<16xi32>
        %add3A_432 = arith.addi %scan3A_106, %reduce_sum3A_431 : i32
        scf.yield %add3A_432 : i32
      }
      %scan3A_88 = arith.constant 64 : i32
      %scan3A_89 = arith.constant 0 : i32
      %scan3A_90 = arith.constant 0 : i32
      %scan3A_91 = arith.constant 128 : i32
      %scan3A_92 = arith.addi %scan3A_90, %scan3A_91 : i32
      %scan3A_93 = arith.constant 1 : i32
      scf.for %scan3A_105 = %scan3A_90 to %scan3A_92 step %scan3A_93  : i32 {
        %parallel_loop3A = arith.constant 0 : i32
        %parallel_loop3A_106 = arith.constant 16 : i32
        %parallel_loop3A_107 = arith.constant 1 : i32
        scf.for %parallel_loop3A_108 = %parallel_loop3A to %parallel_loop3A_106 step %parallel_loop3A_107  : i32 {
          %parallel_loop3A_109 = arith.constant 2048 : i32
          %parallel_loop3A_110 = arith.muli %parallel_loop3A_108, %parallel_loop3A_109 : i32
          %parallel_loop3A_111 = arith.constant 16 : i32
          %parallel_loop3A_112 = arith.muli %scan3A_105, %parallel_loop3A_111 : i32
          %parallel_loop3A_113 = arith.addi %parallel_loop3A_110, %parallel_loop3A_112 : i32
          %parallel_loop3A_114 = arith.index_cast %parallel_loop3A_113 : i32 to index
          %parallel_loop3A_115 = tpu.vector_load %arg4[%parallel_loop3A_114] {strides = array<i32>} : memref<32768xi32, #tpu.memory_space<vmem>>, vector<16xi32>,
          %parallel_loop3A_116 = arith.constant 22 : i32
          %parallel_loop3A_117 = vector.broadcast %parallel_loop3A_116 : i32 to vector<16xi32>
          %parallel_loop3A_118 = arith.shrui %parallel_loop3A_115, %parallel_loop3A_117 : vector<16xi32>
          %parallel_loop3A_119 = arith.constant 1023 : i32
          %parallel_loop3A_120 = vector.broadcast %parallel_loop3A_119 : i32 to vector<16xi32>
          %parallel_loop3A_121 = arith.andi %parallel_loop3A_118, %parallel_loop3A_120 : vector<16xi32>
          %parallel_loop3A_122 = arith.constant 1024 : i32
          %parallel_loop3A_123 = arith.muli %parallel_loop3A_108, %parallel_loop3A_122 : i32
          %parallel_loop3A_124 = arith.constant true
          %parallel_loop3A_125 = vector.broadcast %parallel_loop3A_124 : i1 to vector<16xi1>
          %parallel_loop3A_126, %parallel_loop3A_127 = tpu.scan_count mask(%parallel_loop3A_125 : vector<16xi1>) value(%parallel_loop3A_121 : vector<16xi32>) : vector<16xi1>, vector<16xi32>
          %parallel_loop3A_128 = tpu.memref_slice %arg7[%parallel_loop3A_123] : memref<16384xi32, #tpu.memory_space<vmem>> -> memref<1024xi32, #tpu.memory_space<vmem>>
          %parallel_loop3A_129 = tpu.vector_load_idx %parallel_loop3A_128[%parallel_loop3A_121] : memref<1024xi32, #tpu.memory_space<vmem>>[vector<16xi32>], vector<16xi32>,
          %parallel_loop3A_130 = arith.addi %parallel_loop3A_129, %parallel_loop3A_127 : vector<16xi32>
          %parallel_loop3A_131 = arith.constant 31 : i32
          %parallel_loop3A_132 = vector.broadcast %parallel_loop3A_131 : i32 to vector<16xi32>
          %parallel_loop3A_133 = arith.shrsi %parallel_loop3A_115, %parallel_loop3A_132 : vector<16xi32>
          %parallel_loop3A_134 = arith.constant dense<-1> : vector<16xi32>
          %parallel_loop3A_135 = arith.xori %parallel_loop3A_133, %parallel_loop3A_134 : vector<16xi32>
          %parallel_loop3A_136 = arith.constant -2147483648 : i32
          %parallel_loop3A_137 = vector.broadcast %parallel_loop3A_136 : i32 to vector<16xi32>
          %parallel_loop3A_138 = arith.ori %parallel_loop3A_135, %parallel_loop3A_137 : vector<16xi32>
          %parallel_loop3A_139 = arith.xori %parallel_loop3A_115, %parallel_loop3A_138 : vector<16xi32>
          tpu.vector_store_idx %arg5[%parallel_loop3A_130], %parallel_loop3A_139 : memref<32768xi32, #tpu.memory_space<vmem>>[vector<16xi32>], vector<16xi32>,
          %parallel_loop3A_140 = tpu.memref_slice %arg7[%parallel_loop3A_123] : memref<16384xi32, #tpu.memory_space<vmem>> -> memref<1024xi32, #tpu.memory_space<vmem>>
          tpu.vector_store_idx %parallel_loop3A_140[%parallel_loop3A_121], %parallel_loop3A_127 masked %parallel_loop3A_126 {add = true} : memref<1024xi32, #tpu.memory_space<vmem>>[vector<16xi32>], vector<16xi32>, vector<16xi1>
        } {sc.loop_unroll_factor = 16 : i64, sc.parallel_access}
      }
      %scan3A_94 = arith.constant 128 : i32
      %dma_start3A_95 = arith.constant 0 : i32
      %dma_start3A_96 = tpu.memref_slice %arg3[%add3A_29, %dma_start3A_95] : memref<128x32768xi32, #tpu.memory_space<hbm>> -> memref<1x32768xi32, #tpu.memory_space<hbm>>
      %dma_start3A_97 = tpu.memref_squeeze %dma_start3A_96 : memref<1x32768xi32, #tpu.memory_space<hbm>> -> memref<32768xi32, #tpu.memory_space<hbm>>
      %dma_start3A_98 = arith.constant 0 : i32
      %dma_start3A_99 = tpu.memref_slice %arg3[%add3A_29, %dma_start3A_98] : memref<128x32768xi32, #tpu.memory_space<hbm>> -> memref<1x32768xi32, #tpu.memory_space<hbm>>
      %dma_start3A_100 = tpu.memref_squeeze %dma_start3A_99 : memref<1x32768xi32, #tpu.memory_space<hbm>> -> memref<32768xi32, #tpu.memory_space<hbm>>
      tpu.enqueue_dma source(%arg5 : memref<32768xi32, #tpu.memory_space<vmem>>) target(%dma_start3A_100 : memref<32768xi32, #tpu.memory_space<hbm>>) target_semaphore(%arg9 : memref<!tpu.dma_semaphore, #tpu.memory_space<semaphore_mem>>)
      %lt3A = arith.constant 3 : i32
      %lt3A_101 = arith.cmpi slt, %scan3A_28, %lt3A : i32
      %convert_element_type3A_102 = arith.extui %lt3A_101 : i1 to i32
      %cond3A_103 = arith.constant 0 : i32
      %cond3A_104 = arith.cmpi ne, %convert_element_type3A_102, %cond3A_103 : i32
      scf.if %cond3A_104 {
        %add3A_105 = arith.constant 1 : i32
        %add3A_106 = arith.addi %add3A_29, %add3A_105 : i32
        %dma_start3A_107 = arith.constant 0 : i32
        %dma_start3A_108 = tpu.memref_slice %arg2[%add3A_106, %dma_start3A_107] : memref<128x32768xi32, #tpu.memory_space<hbm>> -> memref<1x32768xi32, #tpu.memory_space<hbm>>
        %dma_start3A_109 = tpu.memref_squeeze %dma_start3A_108 : memref<1x32768xi32, #tpu.memory_space<hbm>> -> memref<32768xi32, #tpu.memory_space<hbm>>
        %dma_start3A_110 = arith.constant 0 : i32
        %dma_start3A_111 = tpu.memref_slice %arg2[%add3A_106, %dma_start3A_110] : memref<128x32768xi32, #tpu.memory_space<hbm>> -> memref<1x32768xi32, #tpu.memory_space<hbm>>
        %dma_start3A_112 = tpu.memref_squeeze %dma_start3A_111 : memref<1x32768xi32, #tpu.memory_space<hbm>> -> memref<32768xi32, #tpu.memory_space<hbm>>
        tpu.enqueue_dma source(%dma_start3A_112 : memref<32768xi32, #tpu.memory_space<hbm>>) target(%arg4 : memref<32768xi32, #tpu.memory_space<vmem>>) target_semaphore(%arg8 : memref<!tpu.dma_semaphore, #tpu.memory_space<semaphore_mem>>)
      } else {
      }
    }
    %scan3A_19 = arith.constant 4 : i32
    %add3A_20 = arith.constant 4 : i32
    %add3A_21 = arith.addi %mul3A_2, %add3A_20 : i32
    %sub3A = arith.constant 1 : i32
    %sub3A_22 = arith.subi %add3A_21, %sub3A : i32
    %dma_wait3A = arith.constant 0 : i32
    %dma_wait3A_23 = tpu.memref_slice %arg3[%sub3A_22, %dma_wait3A] : memref<128x32768xi32, #tpu.memory_space<hbm>> -> memref<1x32768xi32, #tpu.memory_space<hbm>>
    %dma_wait3A_24 = tpu.memref_squeeze %dma_wait3A_23 : memref<1x32768xi32, #tpu.memory_space<hbm>> -> memref<32768xi32, #tpu.memory_space<hbm>>
    %dma_wait3A_25 = arith.constant 0 : i32
    %dma_wait3A_26 = tpu.memref_slice %arg3[%sub3A_22, %dma_wait3A_25] : memref<128x32768xi32, #tpu.memory_space<hbm>> -> memref<1x32768xi32, #tpu.memory_space<hbm>>
    %dma_wait3A_27 = tpu.memref_squeeze %dma_wait3A_26 : memref<1x32768xi32, #tpu.memory_space<hbm>> -> memref<32768xi32, #tpu.memory_space<hbm>>
    tpu.wait_dma2 semaphore(%arg9 : memref<!tpu.dma_semaphore, #tpu.memory_space<semaphore_mem>>) src(%arg5 : memref<32768xi32, #tpu.memory_space<vmem>>) dst(%dma_wait3A_27 : memref<32768xi32, #tpu.memory_space<hbm>>)
    return
  }
}

</mosaic_0001>

<sc_bundles>
// kernel: kernel.3.cloned.1.call-start
scs
__scs_entry_jumppad:
0x0: {  	(pc) =	sbr.rel $0x88, $3  }
0x1: {  	(tag) =	ssettag $0x0;
	lr =	simm.s32 $0x1  }
0x2: {  	[smem:$0x3FA0] =	sst lr;
	_ =	strace $0xD0000000  }
0x3: {  	_ = 	snop  }
0x4: {  	_ = 	snop  }
0x5: {  	_ = 	snop  }
0x6: {  	_ = 	snop  }
0x7: {  	_ = 	snop  }
__scs_overlays_trampoline_lowered:
0x8: {  	[smem:$0x3FAF] =	sst s0  }
0x9: {  	[smem:$0x3FB0] =	sst s1  }
0xa: {  	[smem:$0x3FB1] =	sst s2  }
0xb: {  	[smem:$0x3FB2] =	sst s3  }
0xc: {  	[smem:$0x3FB3] =	sst s4  }
0xd: {  	[smem:$0x3FB4] =	sst s5  }
0xe: {  	[smem:$0x3FB5] =	sst s6  }
0xf: {  	[smem:$0x3FB6] =	sst s7  }
0x10: {  	[smem:$0x3FB7] =	sst s8  }
0x11: {  	[smem:$0x3FB8] =	sst s9;
	s0 =	simm.s32 @!p0 $0x0  }
0x12: {  	s1 =	sld [smem:$0x3F9E];
	s0 =	simm.s32 @p0 $0x1  }
0x13: {  	[smem:$0x3FB9] =	sst s0;
	s0 =	simm.s32 @!p1 $0x0  }
0x14: {  	s2 =	sld [smem:$0x3F9D];
	s0 =	simm.s32 @p1 $0x1  }
0x15: {  	[smem:$0x3FBA] =	sst s0;
	s0 =	simm.s32 @!p2 $0x0  }
0x16: {  	s3 =	sld [smem:$0x3FDB];
	s0 =	simm.s32 @p2 $0x1  }
0x17: {  	s4 =	simm.s32 $0x1BF5;
	[smem:$0x3FBC] =	sst s0  }
0x18: {  	s0 =	sld [smem:$0x3F9F];
	_ =	swait.ge [sflag:s4], $0x0  }
0x19: {  	s7 =	sld [smem:$0x3FA0]  }
0x1a: {  	s8 =	sadd.s32 $0xFFFFE003, lr  }
0x1b: {  	s9 =	sadd.s32 $0xFFFFFEF7, lr;
	s5 =	simm.s32 $0xFFFFFFFF;
	p2 =	slt.u32 s8, $0xFFFFF086  }
0x1c: {  	p1 =	slt.u32 s9, $0xF7A;
	s5 =	simm.s32 @!p2 $0x0  }
0x1d: {  	s5 =	simm.s32 @p1 $0x1;
	p0 =	seq.s32 s7, s2  }
0x1e: {  	s7 =	smul.u32 @!p0 $0xF7A, s2;
	p2 =	seq.s32 @!p0 s5, $0x0  }
0x1f: {  	s9 =	smul.u32 $0xF7A, s1;
	s8 =	simm.s32 @!p0 $0x1BF5;
	p2 =	por !p2, p0  }
0x20: {  	[sflag:s8] =	ssyncset.s32 @!p0 $0xFFFFF086;
	s6 =	sadd.s32 @!p0 s3, s7;
	s7 =	simm.s32 @!p0 $0x108  }
0x21: {  	s3 =	sadd.s32 s3, s9;
	s6 =	sadd.s32 @!p0 $0x88, s6;
	s7 =	simm.s32 @p2 $0x1082  }
0x22: {  	[simem:s7], [sflag:s8] =	dma.local @!p0 [hbm:s6], $0xF7A  }
0x23: {  	s9 =	sor.u32 $0xD0000000, s2;
	s6 =	simm.s32 $0x108;
	_ =	swait.ge @!p0 [sflag:s8], $0x0  }
0x24: {  	s3 =	sadd.s32 $0x88, s3;
	s6 =	simm.s32 @!p1 $0x1082;
	[sflag:s4] =	ssyncset.s32 $0xFFFFF086  }
0x25: {  	[simem:s6], [sflag:s4] =	dma.local [hbm:s3], $0xF7A  }
0x26: {  	[smem:$0x3FA0] =	sst s1;
	(tag) =	ssettag s2;
	_ =	strace s9  }
0x27: {  	s1 =	sld [smem:$0x3FB0]  }
0x28: {  	s2 =	sld [smem:$0x3FB1]  }
0x29: {  	s4 =	sld [smem:$0x3FB3]  }
0x2a: {  	p0 =	seq.s32 s5, $0x0;
	s5 =	sld [smem:$0x3FB4]  }
0x2b: {  	s6 =	sld [smem:$0x3FB5]  }
0x2c: {  	s7 =	sld [smem:$0x3FB6]  }
0x2d: {  	s3 =	simm.s32 $0x108;
	s8 =	sld [smem:$0x3FB7]  }
0x2e: {  	s3 =	simm.s32 @!p0 $0x1082;
	s9 =	sld [smem:$0x3FB8]  }
0x2f: {  	lr =	sadd.s32 s0, s3;
	s0 =	sld [smem:$0x3FAF]  }
0x30: {  	s3 =	sld [smem:$0x3FB2]  }
0x31: {  	[smem:$0x3FBB] =	sst s10  }
0x32: {  	s10 =	sld [smem:$0x3FB9];
	_ =	sdelay $0x3  }
0x33: {  	p0 =	seq.s32 s10, $0x1;
	s10 =	sld [smem:$0x3FBB];
	_ =	sdelay $0x3  }
0x34: {  	[smem:$0x3FBB] =	sst s10  }
0x35: {  	s10 =	sld [smem:$0x3FBA];
	_ =	sdelay $0x3  }
0x36: {  	p1 =	seq.s32 s10, $0x1;
	s10 =	sld [smem:$0x3FBB];
	_ =	sdelay $0x3  }
0x37: {  	[smem:$0x3FBB] =	sst s10  }
0x38: {  	s10 =	sld [smem:$0x3FBC]  }
0x39: {  	_ = 	snop;
	(pc) =	sbr.ind lr, $3  }
0x3a: {  	_ = 	snop  }
0x3b: {  	_ = 	snop  }
0x3c: {  	p2 =	seq.s32 s10, $0x1;
	s10 =	sld [smem:$0x3FBB]  }
0x3d: {  	_ =	shalt  }
0x3e: {  	_ =	shalt  }
0x3f: {  	_ =	shalt  }
0x40: {  	_ =	shalt  }
0x41: {  	_ =	shalt  }
0x42: {  	_ =	shalt  }
0x43: {  	_ =	shalt  }
0x44: {  	_ =	shalt  }
0x45: {  	_ =	shalt  }
0x46: {  	_ =	shalt  }
0x47: {  	_ =	shalt  }
0x48: {  	_ =	shalt  }
0x49: {  	_ =	shalt  }
0x4a: {  	_ =	shalt  }
0x4b: {  	_ =	shalt  }
0x4c: {  	_ =	shalt  }
0x4d: {  	_ =	shalt  }
0x4e: {  	_ =	shalt  }
0x4f: {  	_ =	shalt  }
0x50: {  	_ =	shalt  }
0x51: {  	_ =	shalt  }
0x52: {  	_ =	shalt  }
0x53: {  	_ =	shalt  }
0x54: {  	_ =	shalt  }
0x55: {  	_ =	shalt  }
0x56: {  	_ =	shalt  }
0x57: {  	_ =	shalt  }
0x58: {  	_ =	shalt  }
0x59: {  	_ =	shalt  }
0x5a: {  	_ =	shalt  }
0x5b: {  	_ =	shalt  }
0x5c: {  	_ =	shalt  }
0x5d: {  	_ =	shalt  }
0x5e: {  	_ =	shalt  }
0x5f: {  	_ =	shalt  }
0x60: {  	_ =	shalt  }
0x61: {  	_ =	shalt  }
0x62: {  	_ =	shalt  }
0x63: {  	_ =	shalt  }
0x64: {  	_ =	shalt  }
0x65: {  	_ =	shalt  }
0x66: {  	_ =	shalt  }
0x67: {  	_ =	shalt  }
0x68: {  	_ =	shalt  }
0x69: {  	_ =	shalt  }
0x6a: {  	_ =	shalt  }
0x6b: {  	_ =	shalt  }
0x6c: {  	_ =	shalt  }
0x6d: {  	_ =	shalt  }
0x6e: {  	_ =	shalt  }
0x6f: {  	_ =	shalt  }
0x70: {  	_ =	shalt  }
0x71: {  	_ =	shalt  }
0x72: {  	_ =	shalt  }
0x73: {  	_ =	shalt  }
0x74: {  	_ =	shalt  }
0x75: {  	_ =	shalt  }
0x76: {  	_ =	shalt  }
0x77: {  	_ =	shalt  }
0x78: {  	_ =	shalt  }
0x79: {  	_ =	shalt  }
0x7a: {  	_ =	shalt  }
0x7b: {  	_ =	shalt  }
0x7c: {  	_ =	shalt  }
0x7d: {  	_ =	shalt  }
0x7e: {  	_ =	shalt  }
0x7f: {  	_ =	shalt  }
0x80: {  	_ =	shalt  }
0x81: {  	_ =	shalt  }
0x82: {  	_ =	shalt  }
0x83: {  	_ =	shalt  }
0x84: {  	_ =	shalt  }
0x85: {  	_ =	shalt  }
0x86: {  	_ =	shalt  }
0x87: {  	_ =	shalt  }
.Lfunc_end0:
.L_simem_size_0:
called_computation_lowered:
.L_overlay_start_0:
0x88: {  	s2 =	sld [smem:$0x3FD9]  }
0x89: {  	s3 =	sld [smem:$0x3FFE];
	_ =	sdelay $0x1  }
0x8a: {  	s1 =	srdreg.scid  }
0x8b: {  	s0 =	sand.u32 $0x1, s1  }
0x8c: {  	s17 =	sshll.u32 s0, $0xA;
	s2 =	sadd.s32 s3, s2  }
0x8d: {  	s2 =	sadd.s32 s2, s17  }
0x8e: {  	[smem:$0x3FC7] =	sst s2  }
0x8f: {  	_ = 	snop  }
0x90: {  	s2 =	sld [smem:$0x3FD0];
	(tm) =	ssettm $0x1  }
0x91: {  	s18 =	sld [smem:$0x3FFB];
	_ =	sdelay $0x3  }
0x92: {  	_ =	strace s18  }
0x93: {  	s3 =	sld [smem:$0x3FFC];
	_ =	sdelay $0x3  }
0x94: {  	_ =	strace s3  }
0x95: {  	s3 =	sld [smem:$0x3FFD];
	_ =	sdelay $0x3  }
0x96: {  	_ =	strace s3  }
0x97: {  	_ =	strace $0x8FFFFFFF  }
0x98: {  	s19 =	sld [smem:$0x3FDB];
	_ =	sdelay $0x1  }
0x99: {  	s4 =	simm.s32 $_scs_section_size  }
0x9a: {  	s5 =	simm.s32 $_size__tile_overlayer_lowered;
	s6 =	simm.s32 $_tile_overlayer_lowered  }
0x9b: {  	s22 =	simm.s32 $0x1BFF;
	s21 =	sshll.u32 s6, $0x1;
	s3 =	sadd.s32 s4, s19  }
0x9c: {  	s7 =	simm.s32 $0x0;
	s20 =	sshll.u32 s5, $0x1;
	s5 =	sadd.s32 s21, s3  }
0x9d: {  	[timem:s7], [sflag:s22] =	dma.local [hbm:s5], s20  }
0x9e: {  	_ =	swait.ge [sflag:s22], s20  }
0x9f: {  	s4 =	ssub.s32 $0x0, s20;
	[sflag:s22] =	ssyncset.done $0x0  }
0xa0: {  	[sflag:s22] =	ssyncadd.s32 s4;
	_ =	sdelay $0x1  }
0xa1: {  	s23 =	simm.s32 $0x1B8B  }
0xa2: {  	_ =	swait.ge [sflag:s23], $0x1  }
0xa3: {  	[sflag:s23] =	ssyncset.done $0x0  }
0xa4: {  	s25 =	simm.s32 $0x1B8E;
	s24 =	sld [smem:$0x3FFE];
	[sflag:s23] =	ssyncadd.s32 $0xFFFFFFFF  }
0xa5: {  	s26 =	simm.s32 $execute0_lowered;
	[smem:$0x3FD2] =	sst s25  }
0xa6: {  	s5 =	sshll.u32 s26, $0x1;
	_ =	strace $0x80000046;
	[dreg:$0x1] =	wrdreg $0xFFFFFFFF  }
0xa7: {  	s28 =	simm.s32 $_size_execute0_lowered;
	s3 =	sadd.s32 s3, s5;
	[dreg:$0x0] =	wrdreg $0x0  }
0xa8: {  	s5 =	sshll.u32 s28, $0x1;
	[dreg:$0x2] =	wrdreg s3  }
0xa9: {  	[dreg:$0x3] =	wrdreg s5  }
0xaa: {  	[dreg:$0x4] =	wrdreg $0xC0  }
0xab: {  	_ =	task [dreg:s7], $0x5FFFF  }
0xac: {  	[dreg:$0x1] =	wrdreg $0xFFFFFFFF  }
0xad: {  	[dreg:$0x0] =	wrdreg $0x60  }
0xae: {  	[dreg:$0x2] =	wrdreg s2  }
0xaf: {  	[dreg:$0x3] =	wrdreg s24  }
0xb0: {  	[dreg:$0x4] =	wrdreg $0x9  }
0xb1: {  	_ =	task.clear_ibuf [dreg:s7], $0x5FFFF;
	_ =	strace $0x90000046  }
0xb2: {  	s29 =	simm.s32 $0x9;
	_ =	strace $0x80000048  }
0xb3: {  	_ =	swait.ge [sflag:s29], $0x1  }
0xb4: {  	[sflag:s29] =	ssyncadd.s32 $0xFFFFFFFF  }
0xb5: {  	_ =	strace $0x90000048  }
0xb6: {  	_ =	sfence  }
0xb7: {  	s30 =	sld [smem:$0x0];
	_ =	sdelay $0x2  }
0xb8: {  	s31 =	sshll.u32 s1, $0xD;
	s1 =	sshrl.u32 s1, $0x2  }
0xb9: {  	s3 =	sand.u32 $0x4000, s31;
	s1 =	sadd.s32 s1, s30  }
0xba: {  	s0 =	sor.u32 s3, s0;
	s1 =	sshll.u32 s1, $0x11  }
0xbb: {  	s0 =	sor.u32 s1, s0  }
0xbc: {  	s0 =	sadd.s32 $0x8F2B, s0  }
0xbd: {  	[sflag:s0] =	ssyncadd.remote.s32 $0x1  }
0xbe: {  	_ =	sfence.sel $0xFFFF  }
0xbf: {  	[dreg:$0x0] =	wrdreg $0xFFFFFFFF;
	(pc) =	sbr.abs _section_cstart, $3  }
0xc0: {  	[dreg:$0x1] =	wrdreg $0xFFFFFFFF  }
0xc1: {  	_ =	task.clear_ibuf [dreg:s7], $0x2FFFF;
	_ =	strace $0x9FFFFFFF  }
0xc2: {  	(tm) =	ssettm $0x7FFFFFFF  }
0xc3: {  	_ =	shalt  }
tec
execute0_lowered:
.L_overlay_start_1:
0x0: {  	(tag) =	ssettag $0x1  }
0x1: {  	s8 =	rddreg [dreg:$0x0]  }
0x2: {  	s0 =	rddreg [dreg:$0x1];
	s1 =	srdreg.scid  }
0x3: {  	s3 =	simm.s32 $0x0;
	s6 =	stileid.u32;
	s9 =	simm.s32 $0x80  }
0x4: {  	s10 =	simm.s32 $0x400;
	s11 =	simm.s32 $0x10000;
	s13 =	simm.s32 $0x10800  }
0x5: {  	s12 =	simm.s32 $0x11000;
	s14 =	simm.s32 $0x11800;
	s15 =	simm.s32 $0x12000  }
0x6: {  	s16 =	simm.s32 $0x12800;
	s17 =	simm.s32 $0x13000;
	s18 =	simm.s32 $0x13800  }
0x7: {  	s19 =	simm.s32 $0x14000;
	s20 =	simm.s32 $0x8000;
	s21 =	simm.s32 $0x14800  }
0x8: {  	s22 =	simm.s32 $0x15000;
	s23 =	simm.s32 $0x15800;
	s24 =	simm.s32 $0x16000  }
0x9: {  	s28 =	simm.s32 $0x17800;
	s29 =	simm.s32 $0x14400;
	s30 =	simm.s32 $0x14C00  }
0xa: {  	s31 =	simm.s32 $0x15400;
	s1 =	sand.u32 $0x1, s1;
	[smem:$0x7FF] =	sst s3  }
0xb: {  	s2 =	sshll.u32 s6, $0xF;
	s6 =	sshll.u32 s6, $0x3;
	s4 =	ssub.s32 $0x2, s1  }
0xc: {  	_ =	strace $0x80000047;
	s0 =	sadd.s32 s2, s0;
	s7 =	sshll.u32 s1, $0x2  }
0xd: {  	s1 =	sshll.u32 s1, $0x6;
	s5 =	sshrl.u32 s4, $0x1;
	s25 =	sor.u32 s7, s6  }
0xe: {  	s1 =	sadd.s32 s8, s1;
	s0 =	sadd.s32 $0x400, s0;
	s7 =	simm.s32 $0x17400  }
.Ltmp0:
0xf: {  	s8 =	simm.s32 $0x0;
	[dreg:$0x3] =	wrdreg s25;
	(pc) =	sbr.rel .LBB2_1-.Ltmp0, $4  }
0x10: {  	s4 =	ssub.s32 s4, s5;
	s1 =	sadd.s32 s2, s1;
	[dreg:$0x5] =	wrdreg s0  }
0x11: {  	s25 =	simm.s32 $0x16800;
	s0 =	simm.s32 $0x15C00;
	s2 =	simm.s32 $0x16400  }
0x12: {  	s5 =	simm.s32 $0x16C00;
	[dreg:$0x4] =	wrdreg s1;
	s26 =	smax.u32 s4, $0x1  }
0x13: {  	v0 =	vimm.s32 $0x0;
	v1 =	vimm.s32 $0x1;
	v2 =	vimm.s32 $0x80000000;
	s1 =	simm.s32 $0x17C00;
	[dreg:$0x6] =	wrdreg s26;
	s26 =	simm.s32 $0x17000  }
.LBB2_20:
0x14: {  	s6 =	simm.s32 $0x2  }
0x15: {  	_ =	swait.ge [sflag:s6], $0x8000  }
0x16: {  	s8 =	rddreg [dreg:$0x7]  }
0x17: {  	s4 =	rddreg [dreg:$0x6];
	s8 =	sadd.s32 $0x1, s8  }
0x18: {  	p0 =	sne.s32 s8, s4  }
.Ltmp1:
0x19: {  	_ = 	snop;
	(pc) =	sbr.rel @!p0 .LBB2_21-.Ltmp1, $3  }
0x1a: {  	_ =	sdelay $0x1  }
0x1b: {  	[sflag:s6] =	ssyncset.done $0x0  }
0x1c: {  	[sflag:s6] =	ssyncadd.s32 $0xFFFF8000  }
.LBB2_1:
0x1d: {  	s4 =	rddreg [dreg:$0x4]  }
0x1e: {  	[tilespmem:s3], [sflag:$0x1] =	stream.strided.gather [hbm4b:s4+s9], $0x8000, s10, s9, $0x38;
	[tilespmem:$0x18000] =	vst v63  }
0x1f: {  	[dreg:$0x7] =	wrdreg s8;
	s6 =	simm.s32 $0x200;
	s4 =	simm.s32 $0x0  }
.LBB2_2:
0x20: {  	p0 =	sne.s32 s6, $0xFE00;
	[tilespmem:s4+$0x10070] =	vst v0  }
0x21: {  	[tilespmem:s4+$0x10000] =	vst v0  }
0x22: {  	[tilespmem:s4+$0x10010] =	vst v0  }
.Ltmp2:
0x23: {  	[tilespmem:s4+$0x10020] =	vst v0;
	(pc) =	sbr.rel @p0 .LBB2_2-.Ltmp2, $4  }
0x24: {  	[tilespmem:s4+$0x10030] =	vst v0  }
0x25: {  	[tilespmem:s4+$0x10040] =	vst v0  }
0x26: {  	[tilespmem:s4+$0x10050] =	vst v0  }
0x27: {  	[tilespmem:s4+$0x10060] =	vst v0;
	s4 =	sshra.s32 s6, $0x2;
	s6 =	sadd.s32 $0x200, s6  }
0x28: {  	[tilespmem:s4+$0x10070] =	vst v0  }
0x29: {  	[tilespmem:s4+$0x10000] =	vst v0  }
0x2a: {  	[tilespmem:s4+$0x10010] =	vst v0  }
0x2b: {  	[tilespmem:s4+$0x10020] =	vst v0  }
0x2c: {  	[tilespmem:s4+$0x10030] =	vst v0  }
0x2d: {  	[tilespmem:s4+$0x10040] =	vst v0  }
0x2e: {  	[tilespmem:s4+$0x10050] =	vst v0;
	s10 =	simm.s32 $0x0  }
0x2f: {  	[tilespmem:s4+$0x10060] =	vst v0;
	[dreg:$0x8] =	wrdreg s10  }
.LBB2_4:
0x30: {  	s4 =	simm.s32 $0x1  }
0x31: {  	_ =	swait.ge [sflag:s4], $0x8000  }
0x32: {  	[sflag:s4] =	ssyncset.done $0x0  }
0x33: {  	s6 =	simm.s32 $0x0;
	[sflag:s4] =	ssyncadd.s32 $0xFFFF8000  }
0x34: {  	v3 =	vld [tilespmem:s6+$0x0]  }
0x35: {  	s10 =	simm.s32 $0x0  }
0x36: {  	s4 =	sand.u32 $0xFE0, s10  }
0x37: {  	v4 =	vld [tilespmem:s4+$0x2000]  }
0x38: {  	v5 =	vld [tilespmem:s4+$0x7000]  }
0x39: {  	v7 =	vld [tilespmem:s4+$0x1000];
	v6 =	vshra.s32 v3, $0x1F  }
0x3a: {  	v3 =	vxor.u32 v3, v6  }
0x3b: {  	v8 =	vld [tilespmem:s4+$0x3000];
	v3 =	vand.u32 $0x7FF, v3  }
0x3c: {  	v6 =	vshra.s32 v4, $0x1F  }
0x3d: {  	v4 =	vxor.u32 v4, v6;
	v6 =	vshra.s32 v5, $0x1F  }
0x3e: {  	v10 =	vld [tilespmem:s4+$0x5000];
	v9 =	vshra.s32 v7, $0x1F;
	v4 =	vand.u32 $0x7FF, v4;
	v5 =	vxor.u32 v5, v6  }
0x3f: {  	v7 =	vxor.u32 v7, v9;
	v6 =	vld [tilespmem:s4+$0x4000];
	v5 =	vand.u32 $0x7FF, v5  }
0x40: {  	v9 =	vshra.s32 v8, $0x1F;
	[tilespmem:v3+s11+$0x0] =	vst.idx.add.s32.msk $0xffff, v1;
	v3 =	vand.u32 $0x7FF, v7  }
0x41: {  	v8 =	vxor.u32 v8, v9;
	v9 =	vld [tilespmem:s4+$0x6000]  }
0x42: {  	v7 =	vld [tilespmem:s6+$0x10]  }
0x43: {  	[tilespmem:v4+s12+$0x0] =	vst.idx.add.s32.msk $0xffff, v1;
	v4 =	vand.u32 $0x7FF, v8;
	v8 =	vshra.s32 v10, $0x1F  }
0x44: {  	v8 =	vxor.u32 v10, v8;
	[tilespmem:v5+s18+$0x0] =	vst.idx.add.s32.msk $0xffff, v1  }
0x45: {  	v11 =	vshra.s32 v6, $0x1F;
	[tilespmem:v3+s13+$0x0] =	vst.idx.add.s32.msk $0xffff, v1;
	v3 =	vand.u32 $0x7FF, v8  }
0x46: {  	v5 =	vxor.u32 v6, v11;
	v6 =	vld [tilespmem:s6+$0x2010]  }
0x47: {  	v5 =	vand.u32 $0x7FF, v5;
	v8 =	vld [tilespmem:s6+$0x1010]  }
0x48: {  	v10 =	vshra.s32 v9, $0x1F;
	[tilespmem:v4+s14+$0x0] =	vst.idx.add.s32.msk $0xffff, v1  }
0x49: {  	v4 =	vxor.u32 v9, v10;
	v9 =	vld [tilespmem:s6+$0x7010]  }
0x4a: {  	v10 =	vand.u32 $0x7FF, v4;
	[tilespmem:v3+s16+$0x0] =	vst.idx.add.s32.msk $0xffff, v1;
	v3 =	vshra.s32 v7, $0x1F  }
0x4b: {  	v4 =	vld [tilespmem:s6+$0x3010];
	v3 =	vxor.u32 v7, v3  }
0x4c: {  	[tilespmem:v5+s15+$0x0] =	vst.idx.add.s32.msk $0xffff, v1;
	v7 =	vand.u32 $0x7FF, v3  }
0x4d: {  	v11 =	vshra.s32 v6, $0x1F;
	v5 =	vshra.s32 v8, $0x1F;
	v3 =	vld [tilespmem:s6+$0x5010]  }
0x4e: {  	v6 =	vxor.u32 v6, v11;
	v11 =	vshra.s32 v9, $0x1F;
	v12 =	vxor.u32 v8, v5;
	v5 =	vld [tilespmem:s6+$0x4010]  }
0x4f: {  	s10 =	simm.s32 $0x80;
	s4 =	simm.s32 $0x20;
	v8 =	vand.u32 $0x7FF, v6;
	[tilespmem:v10+s17+$0x0] =	vst.idx.add.s32.msk $0xffff, v1;
	v9 =	vxor.u32 v9, v11;
	v6 =	vand.u32 $0x7FF, v12  }
.LBB2_5:
0x50: {  	s8 =	smov.u32 s10  }
0x51: {  	s12 =	sshra.s32 s10, $0x2;
	s9 =	sand.u32 $0xFE0, s4;
	[tilespmem:v7+s11+$0x0] =	vst.idx.add.s32.msk $0xffff, v1;
	v7 =	vand.u32 $0x7FF, v9;
	s8 =	sadd.s32 $0x80, s10  }
0x52: {  	p0 =	sne.s32 s10, $0x3F80;
	v9 =	vshra.s32 v4, $0x1F;
	v10 =	vld [tilespmem:s6+$0x6010];
	s6 =	smov.u32 s12;
	s12 =	simm.s32 $0x11000  }
0x53: {  	v4 =	vxor.u32 v4, v9;
	v9 =	vshra.s32 v3, $0x1F;
	v11 =	vld [tilespmem:s6+$0x0]  }
0x54: {  	v4 =	vand.u32 $0x7FF, v4;
	v3 =	vxor.u32 v3, v9;
	[tilespmem:v8+s12+$0x0] =	vst.idx.add.s32.msk $0xffff, v1;
	v8 =	vshra.s32 v5, $0x1F  }
0x55: {  	[tilespmem:v6+s13+$0x0] =	vst.idx.add.s32.msk $0xffff, v1;
	v5 =	vxor.u32 v5, v8  }
0x56: {  	v5 =	vand.u32 $0x7FF, v5;
	[tilespmem:v7+s18+$0x0] =	vst.idx.add.s32.msk $0xffff, v1  }
0x57: {  	v6 =	vld [tilespmem:s9+$0x7000];
	v7 =	vshra.s32 v10, $0x1F  }
0x58: {  	v3 =	vand.u32 $0x7FF, v3;
	v8 =	vld [tilespmem:s9+$0x2000];
	v7 =	vxor.u32 v10, v7  }
0x59: {  	v9 =	vshra.s32 v11, $0x1F;
	[tilespmem:v4+s14+$0x0] =	vst.idx.add.s32.msk $0xffff, v1  }
0x5a: {  	v4 =	vxor.u32 v11, v9;
	v7 =	vand.u32 $0x7FF, v7;
	v9 =	vld [tilespmem:s9+$0x1000]  }
0x5b: {  	v4 =	vand.u32 $0x7FF, v4;
	[tilespmem:v5+s15+$0x0] =	vst.idx.add.s32.msk $0xffff, v1  }
0x5c: {  	v5 =	vld [tilespmem:s9+$0x4000]  }
0x5d: {  	v10 =	vshra.s32 v8, $0x1F;
	v11 =	vld [tilespmem:s9+$0x3000]  }
0x5e: {  	v8 =	vxor.u32 v8, v10;
	v10 =	vshra.s32 v6, $0x1F;
	[tilespmem:v3+s16+$0x0] =	vst.idx.add.s32.msk $0xffff, v1  }
0x5f: {  	v3 =	vshra.s32 v9, $0x1F;
	v8 =	vand.u32 $0x7FF, v8;
	v12 =	vld [tilespmem:s9+$0x5000];
	v6 =	vxor.u32 v6, v10  }
0x60: {  	[tilespmem:v4+s11+$0x0] =	vst.idx.add.s32.msk $0xffff, v1;
	v3 =	vxor.u32 v9, v3;
	v4 =	vand.u32 $0x7FF, v6  }
0x61: {  	v3 =	vand.u32 $0x7FF, v3;
	[tilespmem:v7+s17+$0x0] =	vst.idx.add.s32.msk $0xffff, v1  }
0x62: {  	v9 =	vshra.s32 v5, $0x1F;
	v6 =	vld [tilespmem:s6+$0x10];
	v7 =	vshra.s32 v11, $0x1F  }
0x63: {  	v5 =	vxor.u32 v5, v9;
	v7 =	vxor.u32 v11, v7;
	v9 =	vld [tilespmem:s9+$0x6000]  }
0x64: {  	v5 =	vand.u32 $0x7FF, v5;
	[tilespmem:v8+s12+$0x0] =	vst.idx.add.s32.msk $0xffff, v1;
	v7 =	vand.u32 $0x7FF, v7;
	v8 =	vshra.s32 v12, $0x1F  }
0x65: {  	v8 =	vxor.u32 v12, v8;
	[tilespmem:v4+s18+$0x0] =	vst.idx.add.s32.msk $0xffff, v1  }
0x66: {  	[tilespmem:v3+s13+$0x0] =	vst.idx.add.s32.msk $0xffff, v1;
	v3 =	vand.u32 $0x7FF, v8  }
0x67: {  	v4 =	vshra.s32 v6, $0x1F;
	v8 =	vld [tilespmem:s6+$0x2010]  }
0x68: {  	v4 =	vxor.u32 v6, v4;
	v6 =	vld [tilespmem:s6+$0x1010];
	v10 =	vshra.s32 v9, $0x1F  }
0x69: {  	[tilespmem:v7+s14+$0x0] =	vst.idx.add.s32.msk $0xffff, v1;
	v7 =	vxor.u32 v9, v10  }
0x6a: {  	v9 =	vand.u32 $0x7FF, v7;
	v10 =	vld [tilespmem:s6+$0x7010]  }
0x6b: {  	[tilespmem:v3+s16+$0x0] =	vst.idx.add.s32.msk $0xffff, v1  }
.Ltmp3:
0x6c: {  	v7 =	vand.u32 $0x7FF, v4;
	[tilespmem:v5+s15+$0x0] =	vst.idx.add.s32.msk $0xffff, v1;
	(pc) =	sbr.rel @p0 .LBB2_5-.Ltmp3, $4  }
0x6d: {  	v5 =	vshra.s32 v8, $0x1F;
	v3 =	vshra.s32 v6, $0x1F;
	v4 =	vld [tilespmem:s6+$0x3010]  }
0x6e: {  	v5 =	vxor.u32 v8, v5;
	v6 =	vxor.u32 v6, v3;
	v3 =	vld [tilespmem:s6+$0x5010]  }
0x6f: {  	v8 =	vand.u32 $0x7FF, v5;
	v5 =	vld [tilespmem:s6+$0x4010];
	v11 =	vshra.s32 v10, $0x1F  }
0x70: {  	s4 =	sadd.s32 $0x20, s4;
	s10 =	smov.u32 s8;
	v6 =	vand.u32 $0x7FF, v6;
	[tilespmem:v9+s17+$0x0] =	vst.idx.add.s32.msk $0xffff, v1;
	v9 =	vxor.u32 v10, v11  }
0x71: {  	v10 =	vld [tilespmem:s6+$0x6010];
	_ =	sdelay $0x1  }
0x72: {  	v11 =	vshra.s32 v4, $0x1F  }
0x73: {  	v9 =	vand.u32 $0x7FF, v9;
	v4 =	vxor.u32 v4, v11;
	v12 =	vshra.s32 v3, $0x1F  }
0x74: {  	v11 =	vshra.s32 v5, $0x1F;
	v4 =	vand.u32 $0x7FF, v4;
	v3 =	vxor.u32 v3, v12  }
0x75: {  	[tilespmem:v7+s11+$0x0] =	vst.idx.add.s32.msk $0xffff, v1;
	v5 =	vxor.u32 v5, v11;
	v3 =	vand.u32 $0x7FF, v3;
	v7 =	vshra.s32 v10, $0x1F  }
0x76: {  	[tilespmem:v8+s12+$0x0] =	vst.idx.add.s32.msk $0xffff, v1;
	v5 =	vand.u32 $0x7FF, v5;
	v7 =	vxor.u32 v10, v7  }
0x77: {  	[tilespmem:v6+s13+$0x0] =	vst.idx.add.s32.msk $0xffff, v1;
	v6 =	vand.u32 $0x7FF, v7  }
0x78: {  	[tilespmem:v9+s18+$0x0] =	vst.idx.add.s32.msk $0xffff, v1  }
0x79: {  	[tilespmem:v4+s14+$0x0] =	vst.idx.add.s32.msk $0xffff, v1  }
0x7a: {  	[tilespmem:v3+s16+$0x0] =	vst.idx.add.s32.msk $0xffff, v1  }
0x7b: {  	[tilespmem:v5+s15+$0x0] =	vst.idx.add.s32.msk $0xffff, v1  }
0x7c: {  	s4 =	simm.s32 $0xFFFFF800;
	[tilespmem:v6+s17+$0x0] =	vst.idx.add.s32.msk $0xffff, v1  }
0x7d: {  	v10 =	vld [tilespmem:s4+$0x10800]  }
0x7e: {  	v11 =	vld [tilespmem:s4+$0x11000]  }
0x7f: {  	v12 =	vld [tilespmem:s4+$0x11800]  }
0x80: {  	v13 =	vld [tilespmem:s4+$0x12000]  }
0x81: {  	v14 =	vld [tilespmem:s4+$0x12800]  }
0x82: {  	v15 =	vld [tilespmem:s4+$0x13000]  }
0x83: {  	v16 =	vld [tilespmem:s4+$0x13800];
	v3 =	vadd.s32 v10, v11  }
0x84: {  	v6 =	vld [tilespmem:s4+$0x14000];
	v3 =	vadd.s32 v12, v3  }
0x85: {  	[tilespmem:s4+$0x10800] =	vst v0;
	v3 =	vadd.s32 v13, v3  }
0x86: {  	[tilespmem:s4+$0x11000] =	vst v0;
	v3 =	vadd.s32 v14, v3  }
0x87: {  	[tilespmem:s4+$0x11800] =	vst v0;
	v3 =	vadd.s32 v15, v3  }
0x88: {  	[tilespmem:s4+$0x12000] =	vst v0;
	v3 =	vadd.s32 v16, v3  }
0x89: {  	[tilespmem:s4+$0x12800] =	vst v0;
	v9 =	vadd.s32 v6, v3  }
0x8a: {  	[tilespmem:s4+$0x13000] =	vst v0;
	(xrf0) =	vadd.scan.msk.s32 $0xffff, v9  }
0x8b: {  	[tilespmem:s4+$0x13800] =	vst v0  }
0x8c: {  	s6 =	simm.s32 $0xFFFFF810;
	[tilespmem:s4+$0x14000] =	vst v0  }
0x8d: {  	v4 =	vld [tilespmem:s6+$0x10800];
	[tilespmem:s6+$0x10800] =	vst v0  }
0x8e: {  	v5 =	vld [tilespmem:s6+$0x11000];
	[tilespmem:s6+$0x11000] =	vst v0  }
0x8f: {  	v7 =	vld [tilespmem:s6+$0x11800];
	[tilespmem:s6+$0x11800] =	vst v0  }
0x90: {  	v8 =	vld [tilespmem:s6+$0x12000];
	[tilespmem:s6+$0x12000] =	vst v0;
	v17, _, _ =	vpop (xrf0)  }
0x91: {  	s10 =	simm.s32 $0xFFFFFFFF;
	v19 =	vld [tilespmem:s6+$0x14000];
	[tilespmem:s6+$0x14000] =	vst v0;
	v18 =	vsub.s32 v17, v9  }
0x92: {  	v6 =	vld [tilespmem:s6+$0x12800];
	[tilespmem:s6+$0x12800] =	vst v0;
	v18 =	vadd.s32 s10, v18  }
0x93: {  	v3 =	vld [tilespmem:s6+$0x13000];
	[tilespmem:s6+$0x13000] =	vst v0;
	v10 =	vadd.s32 v10, v18  }
0x94: {  	v9 =	vld [tilespmem:s6+$0x13800];
	[tilespmem:s6+$0x13800] =	vst v0;
	(v2sf) =	vpush v17, $0xF;
	v11 =	vadd.s32 v11, v10  }
0x95: {  	[tilespmem:s4+$0x15800] =	vst v11;
	v11 =	vadd.s32 v12, v11  }
0x96: {  	v12 =	vadd.s32 v4, v5;
	[tilespmem:s4+$0x16000] =	vst v11;
	v11 =	vadd.s32 v13, v11  }
0x97: {  	v12 =	vadd.s32 v7, v12;
	[tilespmem:s4+$0x16800] =	vst v11;
	v11 =	vadd.s32 v14, v11  }
0x98: {  	v12 =	vadd.s32 v8, v12;
	[tilespmem:s4+$0x17000] =	vst v11;
	v11 =	vadd.s32 v15, v11  }
0x99: {  	v12 =	vadd.s32 v6, v12;
	[tilespmem:s4+$0x17800] =	vst v11;
	v11 =	vadd.s32 v16, v11  }
0x9a: {  	[tilespmem:s4+$0x18000] =	vst v11;
	v11 =	vadd.s32 v3, v12  }
0x9b: {  	[tilespmem:s4+$0x15000] =	vst v10;
	v10 =	vadd.s32 v9, v11  }
0x9c: {  	v14 =	vadd.s32 v19, v10  }
0x9d: {  	(xrf0) =	vadd.scan.msk.s32 $0xffff, v14  }
0x9e: {  	s8 =	simm.s32 $0xFFFFF820;
	[tilespmem:s4+$0x14800] =	vst v18  }
0x9f: {  	v13 =	vld [tilespmem:s8+$0x10800]  }
0xa0: {  	[tilespmem:s8+$0x10800] =	vst v0;
	v12 =	vld [tilespmem:s8+$0x11000]  }
0xa1: {  	[tilespmem:s8+$0x11000] =	vst v0;
	v11 =	vld [tilespmem:s8+$0x12000]  }
0xa2: {  	s9 =	simm.s32 $0xFFFFE100;
	[tilespmem:s8+$0x12000] =	vst v0;
	v10 =	vld [tilespmem:s8+$0x11800]  }
0xa3: {  	s12 =	simm.s32 $0xFFFFE140;
	s4 =	simm.s32 $0xFFFFE0C0;
	[tilespmem:s8+$0x11800] =	vst v0;
	s13 =	spop (v2sf);
	v15, _, _ =	vpop (xrf0)  }
.LBB2_7:
0xa4: {  	p0 =	sne.s32 s12, $0xFFFFFFC0;
	v16 =	vld [tilespmem:s8+$0x12800];
	[tilespmem:s8+$0x12800] =	vst v0;
	v14 =	vsub.s32 v15, v14;
	(v2sf) =	vpush v15, $0xF;
	s10 =	sadd.s32 s10, s13  }
0xa5: {  	v15 =	vld [tilespmem:s8+$0x13000];
	[tilespmem:s8+$0x13000] =	vst v0;
	v17 =	vadd.s32 s10, v14  }
0xa6: {  	v18 =	vld [tilespmem:s8+$0x13800];
	v14 =	vadd.s32 v13, v12;
	[tilespmem:s8+$0x13800] =	vst v0;
	v19 =	vadd.s32 v4, v17;
	v4 =	vmov v13  }
0xa7: {  	v13 =	vld [tilespmem:s8+$0x14000];
	v14 =	vadd.s32 v10, v14;
	[tilespmem:s8+$0x14000] =	vst v0;
	v20 =	vadd.s32 v5, v19;
	v5 =	vmov v12  }
0xa8: {  	v12 =	vadd.s32 v11, v14;
	[tilespmem:s6+$0x15800] =	vst v20;
	v14 =	vadd.s32 v7, v20;
	v7 =	vmov v10  }
0xa9: {  	v10 =	vadd.s32 v16, v12;
	[tilespmem:s6+$0x16000] =	vst v14;
	v12 =	vadd.s32 v8, v14;
	v8 =	vmov v11  }
0xaa: {  	v10 =	vadd.s32 v15, v10;
	[tilespmem:s6+$0x16800] =	vst v12;
	v11 =	vadd.s32 v6, v12;
	v6 =	vmov v16  }
0xab: {  	v10 =	vadd.s32 v18, v10;
	[tilespmem:s6+$0x17000] =	vst v11;
	v11 =	vadd.s32 v3, v11;
	v3 =	vmov v15  }
0xac: {  	v14 =	vadd.s32 v13, v10;
	[tilespmem:s6+$0x17800] =	vst v11;
	v10 =	vadd.s32 v9, v11;
	v9 =	vmov v18  }
0xad: {  	(xrf0) =	vadd.scan.msk.s32 $0xffff, v14;
	[tilespmem:s6+$0x18000] =	vst v10  }
0xae: {  	[tilespmem:s6+$0x15000] =	vst v19  }
.Ltmp4:
0xaf: {  	[tilespmem:s6+$0x14800] =	vst v17;
	s6 =	smov.u32 s8;
	s8 =	sshra.s32 s4, $0x2;
	(pc) =	sbr.rel @p0 .LBB2_7-.Ltmp4, $4  }
0xb0: {  	s4 =	smov.u32 s9;
	s9 =	smov.u32 s12;
	v13 =	vld [tilespmem:s8+$0x10800];
	[tilespmem:s8+$0x10800] =	vst v0  }
0xb1: {  	v12 =	vld [tilespmem:s8+$0x11000];
	[tilespmem:s8+$0x11000] =	vst v0  }
0xb2: {  	v10 =	vld [tilespmem:s8+$0x11800];
	[tilespmem:s8+$0x11800] =	vst v0  }
0xb3: {  	s12 =	sadd.s32 $0x40, s12;
	v11 =	vld [tilespmem:s8+$0x12000];
	[tilespmem:s8+$0x12000] =	vst v0;
	v15, _, _ =	vpop (xrf0);
	s13 =	spop (v2sf)  }
0xb4: {  	v16 =	vld [tilespmem:s8+$0x12800];
	[tilespmem:s8+$0x12800] =	vst v0  }
0xb5: {  	v17 =	vld [tilespmem:s8+$0x13000];
	[tilespmem:s8+$0x13000] =	vst v0  }
0xb6: {  	v14 =	vsub.s32 v15, v14;
	s10 =	sadd.s32 s10, s13;
	v18 =	vld [tilespmem:s8+$0x13800];
	(v2sf) =	vpush v15, $0xF;
	[tilespmem:s8+$0x13800] =	vst v0  }
0xb7: {  	v15 =	vld [tilespmem:s8+$0x14000];
	[tilespmem:s8+$0x14000] =	vst v0;
	v14 =	vadd.s32 s10, v14  }
0xb8: {  	v4 =	vadd.s32 v4, v14;
	v19 =	vadd.s32 v13, v12;
	[tilespmem:s6+$0x14800] =	vst v14  }
0xb9: {  	v5 =	vadd.s32 v5, v4;
	v19 =	vadd.s32 v10, v19;
	[tilespmem:s6+$0x15000] =	vst v4  }
0xba: {  	[tilespmem:s6+$0x15800] =	vst v5;
	v5 =	vadd.s32 v7, v5;
	v7 =	vadd.s32 v11, v19  }
0xbb: {  	[tilespmem:s6+$0x16000] =	vst v5;
	v5 =	vadd.s32 v8, v5;
	v7 =	vadd.s32 v16, v7  }
0xbc: {  	[tilespmem:s6+$0x16800] =	vst v5;
	v5 =	vadd.s32 v6, v5;
	v6 =	vadd.s32 v17, v7  }
0xbd: {  	[tilespmem:s6+$0x17000] =	vst v5;
	v3 =	vadd.s32 v3, v5;
	v5 =	vadd.s32 v18, v6  }
0xbe: {  	[tilespmem:s6+$0x17800] =	vst v3;
	v3 =	vadd.s32 v9, v3;
	v5 =	vadd.s32 v15, v5  }
0xbf: {  	s4 =	sshra.s32 s4, $0x2;
	[tilespmem:s6+$0x18000] =	vst v3;
	(xrf0) =	vadd.scan.msk.s32 $0xffff, v5  }
0xc0: {  	v3 =	vld [tilespmem:s4+$0x10800];
	[tilespmem:s4+$0x10800] =	vst v0  }
0xc1: {  	v4 =	vld [tilespmem:s4+$0x11000];
	[tilespmem:s4+$0x11000] =	vst v0  }
0xc2: {  	v6 =	vld [tilespmem:s4+$0x11800];
	[tilespmem:s4+$0x11800] =	vst v0  }
0xc3: {  	v7 =	vld [tilespmem:s4+$0x12000];
	[tilespmem:s4+$0x12000] =	vst v0  }
0xc4: {  	v9 =	vld [tilespmem:s4+$0x12800];
	[tilespmem:s4+$0x12800] =	vst v0  }
0xc5: {  	v14 =	vld [tilespmem:s4+$0x13000];
	[tilespmem:s4+$0x13000] =	vst v0;
	v8, _, _ =	vpop (xrf0);
	s13 =	spop (v2sf)  }
0xc6: {  	v15 =	vld [tilespmem:s4+$0x13800];
	[tilespmem:s4+$0x13800] =	vst v0;
	v5 =	vsub.s32 v8, v5;
	s10 =	sadd.s32 s10, s13  }
0xc7: {  	v19 =	vld [tilespmem:s4+$0x14000];
	[tilespmem:s4+$0x14000] =	vst v0;
	v5 =	vadd.s32 s10, v5  }
0xc8: {  	v13 =	vadd.s32 v13, v5;
	[tilespmem:s8+$0x14800] =	vst v5  }
0xc9: {  	v12 =	vadd.s32 v12, v13;
	[tilespmem:s8+$0x15000] =	vst v13  }
0xca: {  	[tilespmem:s8+$0x15800] =	vst v12;
	v10 =	vadd.s32 v10, v12  }
0xcb: {  	[tilespmem:s8+$0x16000] =	vst v10;
	v10 =	vadd.s32 v11, v10;
	v11 =	vadd.s32 v3, v4  }
0xcc: {  	[tilespmem:s8+$0x16800] =	vst v10;
	v10 =	vadd.s32 v16, v10;
	v11 =	vadd.s32 v6, v11  }
0xcd: {  	[tilespmem:s8+$0x17000] =	vst v10;
	v10 =	vadd.s32 v17, v10;
	v11 =	vadd.s32 v7, v11  }
0xce: {  	[tilespmem:s8+$0x17800] =	vst v10;
	v10 =	vadd.s32 v18, v10;
	v11 =	vadd.s32 v9, v11  }
0xcf: {  	s6 =	sshra.s32 s9, $0x2;
	[tilespmem:s8+$0x18000] =	vst v10;
	v10 =	vadd.s32 v14, v11  }
0xd0: {  	(v2sf) =	vpush v8, $0xF;
	v10 =	vadd.s32 v15, v10;
	v8 =	vld [tilespmem:s6+$0x10800]  }
0xd1: {  	v5 =	vadd.s32 v19, v10;
	v10 =	vld [tilespmem:s6+$0x11000]  }
0xd2: {  	v11 =	vld [tilespmem:s6+$0x11800]  }
0xd3: {  	v12 =	vld [tilespmem:s6+$0x12000];
	(xrf0) =	vadd.scan.msk.s32 $0xffff, v5  }
0xd4: {  	v13 =	vld [tilespmem:s6+$0x12800]  }
0xd5: {  	v16 =	vld [tilespmem:s6+$0x13000]  }
0xd6: {  	v17 =	vld [tilespmem:s6+$0x13800];
	v18 =	vadd.s32 v8, v10  }
0xd7: {  	v20 =	vld [tilespmem:s6+$0x14000];
	v18 =	vadd.s32 v11, v18  }
0xd8: {  	v18 =	vadd.s32 v12, v18  }
0xd9: {  	v19, _, _ =	vpop (xrf0);
	v18 =	vadd.s32 v13, v18  }
0xda: {  	(v2sf) =	vpush v19, $0xF;
	v18 =	vadd.s32 v16, v18  }
0xdb: {  	v18 =	vadd.s32 v17, v18  }
0xdc: {  	[tilespmem:s6+$0x10800] =	vst v0;
	v18 =	vadd.s32 v20, v18  }
0xdd: {  	[tilespmem:s6+$0x11800] =	vst v0;
	(xrf0) =	vadd.scan.msk.s32 $0xffff, v18  }
0xde: {  	[tilespmem:s6+$0x12000] =	vst v0  }
0xdf: {  	[tilespmem:s6+$0x12800] =	vst v0  }
0xe0: {  	[tilespmem:s6+$0x13000] =	vst v0  }
0xe1: {  	[tilespmem:s6+$0x13800] =	vst v0;
	s12 =	spop (v2sf)  }
0xe2: {  	[tilespmem:s6+$0x14000] =	vst v0;
	s8 =	sadd.s32 s10, s12;
	v5 =	vsub.s32 v19, v5  }
0xe3: {  	[tilespmem:s6+$0x11000] =	vst v0;
	v5 =	vadd.s32 s8, v5;
	v19, _, _ =	vpop (xrf0)  }
0xe4: {  	v3 =	vadd.s32 v3, v5;
	[tilespmem:s4+$0x14800] =	vst v5;
	(v2sf) =	vpush v19, $0xF  }
0xe5: {  	v4 =	vadd.s32 v4, v3;
	[tilespmem:s4+$0x15000] =	vst v3  }
0xe6: {  	[tilespmem:s4+$0x15800] =	vst v4;
	v4 =	vadd.s32 v6, v4  }
0xe7: {  	[tilespmem:s4+$0x16000] =	vst v4;
	v4 =	vadd.s32 v7, v4  }
0xe8: {  	[tilespmem:s4+$0x16800] =	vst v4;
	v4 =	vadd.s32 v9, v4  }
0xe9: {  	[tilespmem:s4+$0x17000] =	vst v4;
	v4 =	vadd.s32 v14, v4;
	s13 =	spop (v2sf)  }
0xea: {  	[tilespmem:s4+$0x17800] =	vst v4;
	v4 =	vadd.s32 v15, v4;
	v6 =	vsub.s32 v19, v18;
	s8 =	sadd.s32 s8, s13  }
0xeb: {  	[tilespmem:s4+$0x18000] =	vst v4;
	v4 =	vadd.s32 s8, v6  }
0xec: {  	v3 =	vadd.s32 v8, v4;
	[tilespmem:s6+$0x14800] =	vst v4  }
0xed: {  	v5 =	vadd.s32 v10, v3;
	[tilespmem:s6+$0x15000] =	vst v3  }
0xee: {  	[tilespmem:s6+$0x15800] =	vst v5;
	v5 =	vadd.s32 v11, v5  }
0xef: {  	[tilespmem:s6+$0x16000] =	vst v5;
	v5 =	vadd.s32 v12, v5  }
0xf0: {  	[tilespmem:s6+$0x16800] =	vst v5;
	v5 =	vadd.s32 v13, v5  }
0xf1: {  	s8 =	rddreg [dreg:$0x8];
	[tilespmem:s6+$0x17000] =	vst v5;
	v5 =	vadd.s32 v16, v5  }
0xf2: {  	p0 =	seq.s32 s8, $0x0;
	[tilespmem:s6+$0x17800] =	vst v5;
	v5 =	vadd.s32 v17, v5  }
0xf3: {  	s4 =	simm.s32 @!p0 $0x2;
	[tilespmem:s6+$0x18000] =	vst v5;
	s9 =	spop (v2sf)  }
0xf4: {  	_ =	swait.ge @!p0 [sflag:s4], $0x8000  }
0xf5: {  	[sflag:s4] =	ssyncset.done @!p0 $0x0  }
0xf6: {  	s10 =	simm.s32 $0x0;
	[sflag:s4] =	ssyncadd.s32 @!p0 $0xFFFF8000  }
0xf7: {  	v3 =	vld [tilespmem:s10+$0x0];
	_ =	sdelay $0x4  }
0xf8: {  	s9 =	simm.s32 $0x0;
	v4 =	vshra.s32 v3, $0x1F  }
0xf9: {  	s12 =	sand.u32 $0xFE0, s9;
	v4 =	vor.u32 $0x80000000, v4  }
0xfa: {  	v3 =	vxor.u32 v3, v4;
	v4 =	vld [tilespmem:s12+$0x7000]  }
0xfb: {  	v5 =	vand.u32 $0x7FF, v3  }
0xfc: {  	(xrf1) =	vunique.msk.u32 $0xffff, v5;
	_ =	sdelay $0x2  }
0xfd: {  	v7 =	vld [tilespmem:s12+$0x4000];
	v6 =	vshra.s32 v4, $0x1F  }
0xfe: {  	v6 =	vor.u32 $0x80000000, v6  }
0xff: {  	v4 =	vxor.u32 v4, v6  }
0x100: {  	v6 =	vand.u32 $0x7FF, v4  }
0x101: {  	v8 =	vld [tilespmem:s12+$0x3000];
	(xrf1) =	vunique.msk.u32 $0xffff, v6  }
0x102: {  	v11 =	vld [tilespmem:s12+$0x1000];
	v10 =	vshra.s32 v7, $0x1F  }
0x103: {  	v15 =	vld [tilespmem:s12+$0x5000];
	v10 =	vor.u32 $0x80000000, v10  }
0x104: {  	v7 =	vxor.u32 v7, v10;
	v9 =	vld.idx.msk [tilespmem:v5+s19+$0x0], $0xffff  }
0x105: {  	v10 =	vand.u32 $0x7FF, v7  }
0x106: {  	(xrf1) =	vunique.msk.u32 $0xffff, v10  }
0x107: {  	v12 =	vshra.s32 v8, $0x1F  }
0x108: {  	v16 =	vshra.s32 v11, $0x1F;
	v19 =	vshra.s32 v15, $0x1F;
	v12 =	vor.u32 $0x80000000, v12;
	_, v14, vm0 =	vpop (xrf1)  }
0x109: {  	v16 =	vor.u32 $0x80000000, v16;
	v8 =	vxor.u32 v8, v12;
	v9 =	vadd.s32 v9, v14  }
0x10a: {  	v20 =	vld [tilespmem:s12+$0x2000];
	v11 =	vxor.u32 v11, v16;
	v13 =	vshrl.u32 v3, $0xB;
	v12 =	vshrl.u32 v9, $0x1  }
0x10b: {  	v17 =	vand.u32 $0x7FF, v8;
	v13 =	vand.u32 $0x7FF, v13;
	v16 =	vld.idx.msk [tilespmem:v6+s28+$0x0], $0xffff;
	v12 =	vand.u32 $0x7FFFF800, v12  }
0x10c: {  	v18 =	vld [tilespmem:s12+$0x6000];
	(xrf1) =	vunique.msk.u32 $0xffff, v17;
	v12 =	vor.u32 v13, v12;
	v13 =	vand.u32 $0x7FF, v11  }
0x10d: {  	(xrf1) =	vunique.msk.u32 $0xffff, v13;
	_ =	sdelay $0x1  }
0x10e: {  	[tilespmem:v9+s20+$0x0] =	vst.idx.msk $0xffff, v3;
	v3 =	vld.idx.msk [tilespmem:v10+s24+$0x0], $0xffff;
	v9 =	vor.u32 $0x80000000, v19;
	_, v19, vm1 =	vpop (xrf1)  }
0x10f: {  	v22 =	vshra.s32 v20, $0x1F;
	[tilespmem:v5+s19+$0x0] =	vst.idx.add.s32.msk vm0, v14;
	v5 =	vadd.s32 v16, v19  }
0x110: {  	v14 =	vshrl.u32 v4, $0xB;
	v16 =	vshra.s32 v18, $0x1F;
	[tilespmem:v12+s11+$0x0] =	vst.idx.add.s32.msk $0xffff, v1;
	v12 =	vshrl.u32 v5, $0x1  }
0x111: {  	v14 =	vand.u32 $0x7FF, v14;
	v16 =	vor.u32 $0x80000000, v16;
	v12 =	vand.u32 $0x7FFFF800, v12  }
0x112: {  	v12 =	vor.u32 v14, v12;
	v14 =	vxor.u32 v18, v16;
	v16 =	vor.u32 $0x80000000, v22  }
0x113: {  	v9 =	vxor.u32 v15, v9;
	v21 =	vld [tilespmem:s10+$0x10];
	v16 =	vxor.u32 v20, v16;
	_, v20, vm12 =	vpop (xrf1)  }
0x114: {  	v15 =	vand.u32 $0x7FF, v9;
	v18 =	vld.idx.msk [tilespmem:v17+s23+$0x0], $0xffff;
	[tilespmem:v5+s20+$0x0] =	vst.idx.msk $0xffff, v4;
	v3 =	vadd.s32 v3, v20  }
0x115: {  	(xrf1) =	vunique.msk.u32 $0xffff, v15;
	[tilespmem:v6+s28+$0x0] =	vst.idx.add.s32.msk vm1, v19;
	v6 =	vshrl.u32 v3, $0x1  }
0x116: {  	v23 =	vld.idx.msk [tilespmem:v13+s21+$0x0], $0xffff;
	v6 =	vand.u32 $0x7FFFF800, v6  }
0x117: {  	v22 =	vand.u32 $0x7FF, v14;
	[tilespmem:v12+s11+$0x0] =	vst.idx.add.s32.msk $0xffff, v1  }
0x118: {  	(xrf1) =	vunique.msk.u32 $0xffff, v22;
	v24 =	vand.u32 $0x7FF, v16;
	v5 =	vshrl.u32 v7, $0xB;
	v12 =	vld [tilespmem:s10+$0x7010]  }
0x119: {  	(xrf1) =	vunique.msk.u32 $0xffff, v24;
	v5 =	vand.u32 $0x7FF, v5;
	_, v19, vm1 =	vpop (xrf1);
	v4 =	vshra.s32 v21, $0x1F  }
0x11a: {  	v4 =	vor.u32 $0x80000000, v4;
	v5 =	vor.u32 v5, v6;
	v18 =	vadd.s32 v18, v19;
	_, v6, vm2 =	vpop (xrf1)  }
0x11b: {  	v4 =	vxor.u32 v21, v4;
	[tilespmem:v3+s20+$0x0] =	vst.idx.msk $0xffff, v7;
	v3 =	vadd.s32 v23, v6  }
0x11c: {  	v21 =	vand.u32 $0x7FF, v4;
	[tilespmem:v10+s24+$0x0] =	vst.idx.add.s32.msk vm12, v20;
	v23 =	vshrl.u32 v11, $0xB;
	v10 =	vshrl.u32 v3, $0x1  }
0x11d: {  	(xrf1) =	vunique.msk.u32 $0xffff, v21;
	v23 =	vand.u32 $0x7FF, v23;
	v10 =	vand.u32 $0x7FFFF800, v10;
	v26 =	vshra.s32 v12, $0x1F  }
0x11e: {  	v7 =	vshrl.u32 v8, $0xB;
	v10 =	vor.u32 v23, v10;
	v23 =	vor.u32 $0x80000000, v26  }
0x11f: {  	v25 =	vld.idx.msk [tilespmem:v15+s25+$0x0], $0xffff;
	v7 =	vand.u32 $0x7FF, v7;
	v23 =	vxor.u32 v12, v23  }
0x120: {  	v28 =	vld.idx.msk [tilespmem:v24+s22+$0x0], $0xffff;
	v61 =	vand.u32 $0x7FF, v23  }
0x121: {  	v27 =	vshrl.u32 v18, $0x1;
	[tilespmem:v5+s11+$0x0] =	vst.idx.add.s32.msk $0xffff, v1;
	(xrf1) =	vunique.msk.u32 $0xffff, v61  }
0x122: {  	v60 =	vand.u32 $0x7FFFF800, v27;
	v20 =	vld.idx.msk [tilespmem:v22+s26+$0x0], $0xffff;
	[tilespmem:v18+s20+$0x0] =	vst.idx.msk $0xffff, v8  }
0x123: {  	v5 =	vor.u32 v7, v60;
	[tilespmem:v17+s23+$0x0] =	vst.idx.add.s32.msk vm1, v19;
	_, v7, vm3 =	vpop (xrf1)  }
0x124: {  	v8 =	vld.idx.msk [tilespmem:v21+s19+$0x0], $0xffff;
	v12 =	vadd.s32 v25, v7  }
0x125: {  	[tilespmem:v3+s20+$0x0] =	vst.idx.msk $0xffff, v11;
	v3 =	vld [tilespmem:s10+$0x4010]  }
0x126: {  	v11 =	vshrl.u32 v12, $0x1;
	[tilespmem:v13+s21+$0x0] =	vst.idx.add.s32.msk vm2, v6;
	v6 =	vshrl.u32 v9, $0xB;
	_, v18, vm13 =	vpop (xrf1)  }
0x127: {  	v6 =	vand.u32 $0x7FF, v6;
	[tilespmem:v10+s11+$0x0] =	vst.idx.add.s32.msk $0xffff, v1;
	v10 =	vand.u32 $0x7FFFF800, v11;
	v11 =	vadd.s32 v20, v18;
	_, v13, vm2 =	vpop (xrf1)  }
0x128: {  	[tilespmem:v5+s11+$0x0] =	vst.idx.add.s32.msk $0xffff, v1;
	v6 =	vor.u32 v6, v10;
	v10 =	vadd.s32 v28, v13  }
0x129: {  	v5 =	vshrl.u32 v16, $0xB;
	[tilespmem:v12+s20+$0x0] =	vst.idx.msk $0xffff, v9;
	v12 =	vld [tilespmem:s10+$0x3010];
	v9 =	vshrl.u32 v10, $0x1  }
0x12a: {  	v5 =	vand.u32 $0x7FF, v5;
	v19 =	vld [tilespmem:s10+$0x1010];
	v9 =	vand.u32 $0x7FFFF800, v9  }
0x12b: {  	[tilespmem:v15+s25+$0x0] =	vst.idx.add.s32.msk vm3, v7;
	v17 =	vshra.s32 v3, $0x1F;
	v5 =	vor.u32 v5, v9;
	v9 =	vshrl.u32 v14, $0xB;
	_, v7, vm14 =	vpop (xrf1)  }
0x12c: {  	v15 =	vld.idx.msk [tilespmem:v61+s28+$0x0], $0xffff;
	[tilespmem:v11+s20+$0x0] =	vst.idx.msk $0xffff, v14;
	v14 =	vadd.s32 v8, v7;
	v8 =	vshrl.u32 v11, $0x1;
	v11 =	vor.u32 $0x80000000, v17  }
0x12d: {  	v9 =	vand.u32 $0x7FF, v9;
	[tilespmem:v6+s11+$0x0] =	vst.idx.add.s32.msk $0xffff, v1;
	v6 =	vand.u32 $0x7FFFF800, v8;
	v8 =	vxor.u32 v3, v11  }
0x12e: {  	[tilespmem:v22+s26+$0x0] =	vst.idx.add.s32.msk vm13, v18;
	v6 =	vor.u32 v9, v6;
	v9 =	vand.u32 $0x7FF, v8  }
0x12f: {  	[tilespmem:v10+s20+$0x0] =	vst.idx.msk $0xffff, v16;
	v3 =	vld [tilespmem:s10+$0x5010];
	_, v63, vm15 =	vpop (xrf1);
	(xrf1) =	vunique.msk.u32 $0xffff, v9  }
0x130: {  	v20 =	vshrl.u32 v4, $0xB;
	v16 =	vshra.s32 v12, $0x1F;
	[tilespmem:v24+s22+$0x0] =	vst.idx.add.s32.msk vm2, v13;
	v10 =	vshrl.u32 v14, $0x1  }
0x131: {  	v16 =	vor.u32 $0x80000000, v16;
	[tilespmem:v5+s11+$0x0] =	vst.idx.add.s32.msk $0xffff, v1;
	v5 =	vand.u32 $0x7FFFF800, v10;
	v10 =	vand.u32 $0x7FF, v20  }
0x132: {  	v62 =	vor.u32 v10, v5;
	v10 =	vxor.u32 v12, v16;
	[tilespmem:v14+s20+$0x0] =	vst.idx.msk $0xffff, v4;
	v14 =	vld [tilespmem:s10+$0x2010]  }
0x133: {  	v11 =	vshrl.u32 v23, $0xB;
	v4 =	vshra.s32 v19, $0x1F;
	[tilespmem:v21+s19+$0x0] =	vst.idx.add.s32.msk vm14, v7;
	v7 =	vand.u32 $0x7FF, v10  }
0x134: {  	v13 =	vshrl.u32 v8, $0xB;
	v16 =	vshrl.u32 v10, $0xB;
	v4 =	vor.u32 $0x80000000, v4;
	(xrf1) =	vunique.msk.u32 $0xffff, v7  }
0x135: {  	v5 =	vshra.s32 v3, $0x1F;
	v17 =	vadd.s32 v15, v63;
	v4 =	vxor.u32 v19, v4;
	[tilespmem:v6+s11+$0x0] =	vst.idx.add.s32.msk $0xffff, v1  }
0x136: {  	v5 =	vor.u32 $0x80000000, v5;
	v6 =	vand.u32 $0x7FF, v4;
	v12 =	vshrl.u32 v17, $0x1;
	v20 =	vld [tilespmem:s10+$0x6010]  }
0x137: {  	s13 =	rddreg [dreg:$0x3];
	v15 =	vand.u32 $0x7FF, v11;
	v12 =	vand.u32 $0x7FFFF800, v12;
	(xrf1) =	vunique.msk.u32 $0xffff, v6;
	v19 =	vshra.s32 v14, $0x1F  }
0x138: {  	s4 =	sadd.s32 s13, s8;
	v21 =	vld.idx.msk [tilespmem:v9+s24+$0x0], $0xffff;
	v11 =	vxor.u32 v3, v5;
	v18 =	vor.u32 v15, v12;
	v3 =	vor.u32 $0x80000000, v19  }
0x139: {  	[dreg:$0x9] =	wrdreg s4;
	s4 =	sshll.u32 s4, $0x4;
	[tilespmem:v62+s11+$0x0] =	vst.idx.add.s32.msk $0xffff, v1;
	v12 =	vand.u32 $0x7FF, v11;
	v15 =	vshrl.u32 v11, $0xB;
	v5 =	vxor.u32 v14, v3  }
0x13a: {  	s4 =	sand.u32 $0x70, s4;
	v19 =	vld.idx.msk [tilespmem:v7+s23+$0x0], $0xffff;
	(xrf1) =	vunique.msk.u32 $0xffff, v12;
	[tilespmem:v17+s20+$0x0] =	vst.idx.msk $0xffff, v23;
	v17 =	vshrl.u32 v4, $0xB;
	v3 =	vand.u32 $0x7FF, v5  }
0x13b: {  	[dreg:$0xa] =	wrdreg s4;
	s4 =	simm.s32 $0x80;
	[tilespmem:v61+s28+$0x0] =	vst.idx.add.s32.msk vm15, v63;
	v14 =	vshrl.u32 v5, $0xB;
	v22 =	vshra.s32 v20, $0x1F;
	(xrf1) =	vunique.msk.u32 $0xffff, v3  }
.LBB2_9:
0x13c: {  	s8 =	sshra.s32 s4, $0x2  }
0x13d: {  	v22 =	vor.u32 $0x80000000, v22;
	s9 =	sadd.s32 $0x20, s9;
	_, v23, vm1 =	vpop (xrf1);
	s6 =	smov.u32 s4;
	s10 =	sadd.s32 $0x80, s4  }
0x13e: {  	p0 =	sne.s32 s4, $0x3F80;
	v24 =	vld [tilespmem:s8+$0x0];
	v21 =	vadd.s32 v21, v23;
	v20 =	vxor.u32 v20, v22  }
0x13f: {  	v22 =	vshrl.u32 v21, $0x1;
	v25 =	vand.u32 $0x7FF, v20;
	v26 =	vshrl.u32 v20, $0xB  }
0x140: {  	v13 =	vand.u32 $0x7FF, v13;
	v27 =	vld.idx.msk [tilespmem:v6+s21+$0x0], $0xffff;
	v22 =	vand.u32 $0x7FFFF800, v22;
	(xrf1) =	vunique.msk.u32 $0xffff, v25  }
0x141: {  	v13 =	vor.u32 v13, v22;
	[tilespmem:v18+s11+$0x0] =	vst.idx.add.s32.msk $0xffff, v1  }
0x142: {  	_, v18, vm0 =	vpop (xrf1)  }
0x143: {  	v22 =	vshra.s32 v24, $0x1F;
	v19 =	vadd.s32 v19, v18;
	[tilespmem:v21+s20+$0x0] =	vst.idx.msk $0xffff, v8;
	v8 =	vld.idx.msk [tilespmem:v12+s25+$0x0], $0xffff  }
0x144: {  	v21 =	vor.u32 $0x80000000, v22;
	v22 =	vshrl.u32 v19, $0x1;
	[tilespmem:v9+s24+$0x0] =	vst.idx.add.s32.msk vm1, v23  }
0x145: {  	v16 =	vand.u32 $0x7FF, v16;
	v9 =	vxor.u32 v24, v21;
	v21 =	vld.idx.msk [tilespmem:v3+s22+$0x0], $0xffff;
	v22 =	vand.u32 $0x7FFFF800, v22;
	_, v23, vm1 =	vpop (xrf1)  }
0x146: {  	v24 =	vand.u32 $0x7FF, v9;
	v28 =	vshrl.u32 v9, $0xB;
	v16 =	vor.u32 v16, v22;
	[tilespmem:v13+s11+$0x0] =	vst.idx.add.s32.msk $0xffff, v1  }
0x147: {  	s4 =	sand.u32 $0xFE0, s9;
	v13 =	vadd.s32 v27, v23;
	(xrf1) =	vunique.msk.u32 $0xffff, v24;
	v22 =	vld.idx.msk [tilespmem:v25+s26+$0x0], $0xffff  }
0x148: {  	v29 =	vshrl.u32 v13, $0x1;
	v27 =	vld [tilespmem:s4+$0x7000];
	[tilespmem:v19+s20+$0x0] =	vst.idx.msk $0xffff, v10;
	_, v10, vm2 =	vpop (xrf1)  }
0x149: {  	v17 =	vand.u32 $0x7FF, v17;
	v29 =	vand.u32 $0x7FFFF800, v29;
	v19 =	vld [tilespmem:s4+$0x4000];
	v8 =	vadd.s32 v8, v10  }
0x14a: {  	v17 =	vor.u32 v17, v29;
	[tilespmem:v7+s23+$0x0] =	vst.idx.add.s32.msk vm0, v18;
	v7 =	vshrl.u32 v8, $0x1;
	_, v18, vm0 =	vpop (xrf1)  }
0x14b: {  	v15 =	vand.u32 $0x7FF, v15;
	v21 =	vadd.s32 v21, v18;
	[tilespmem:v16+s11+$0x0] =	vst.idx.add.s32.msk $0xffff, v1;
	v7 =	vand.u32 $0x7FFFF800, v7  }
0x14c: {  	v16 =	vld [tilespmem:s4+$0x3000];
	[tilespmem:v13+s20+$0x0] =	vst.idx.msk $0xffff, v4;
	v4 =	vshrl.u32 v21, $0x1;
	v7 =	vor.u32 v15, v7  }
0x14d: {  	v15 =	vand.u32 $0x7FF, v14;
	v13 =	vshra.s32 v27, $0x1F;
	[tilespmem:v6+s21+$0x0] =	vst.idx.add.s32.msk vm1, v23;
	v4 =	vand.u32 $0x7FFFF800, v4  }
0x14e: {  	v14 =	vld.idx.msk [tilespmem:v24+s19+$0x0], $0xffff;
	v13 =	vor.u32 $0x80000000, v13;
	v4 =	vor.u32 v15, v4;
	[tilespmem:v8+s20+$0x0] =	vst.idx.msk $0xffff, v11;
	_, v6, vm1 =	vpop (xrf1)  }
0x14f: {  	v11 =	vand.u32 $0x7FF, v26;
	v8 =	vxor.u32 v27, v13;
	[tilespmem:v12+s25+$0x0] =	vst.idx.add.s32.msk vm2, v10;
	v10 =	vadd.s32 v22, v6  }
0x150: {  	v12 =	vand.u32 $0x7FF, v8;
	v13 =	vshrl.u32 v8, $0xB;
	[tilespmem:v17+s11+$0x0] =	vst.idx.add.s32.msk $0xffff, v1;
	v15 =	vshrl.u32 v10, $0x1  }
0x151: {  	v17 =	vshra.s32 v19, $0x1F;
	(xrf1) =	vunique.msk.u32 $0xffff, v12;
	v15 =	vand.u32 $0x7FFFF800, v15  }
0x152: {  	v17 =	vor.u32 $0x80000000, v17;
	v22 =	vld [tilespmem:s4+$0x1000];
	[tilespmem:v21+s20+$0x0] =	vst.idx.msk $0xffff, v5;
	v5 =	vor.u32 v11, v15  }
0x153: {  	v11 =	vxor.u32 v19, v17;
	[tilespmem:v7+s11+$0x0] =	vst.idx.add.s32.msk $0xffff, v1  }
0x154: {  	v7 =	vand.u32 $0x7FF, v11;
	v15 =	vshrl.u32 v11, $0xB;
	v17 =	vld [tilespmem:s4+$0x5000];
	[tilespmem:v10+s20+$0x0] =	vst.idx.msk $0xffff, v20  }
0x155: {  	v10 =	vshra.s32 v16, $0x1F;
	_, v19, vm2 =	vpop (xrf1);
	(xrf1) =	vunique.msk.u32 $0xffff, v7;
	[tilespmem:v3+s22+$0x0] =	vst.idx.add.s32.msk vm0, v18  }
0x156: {  	v3 =	vor.u32 $0x80000000, v10;
	[tilespmem:v4+s11+$0x0] =	vst.idx.add.s32.msk $0xffff, v1  }
0x157: {  	v10 =	vadd.s32 v14, v19;
	v16 =	vxor.u32 v16, v3;
	v14 =	vshra.s32 v22, $0x1F;
	[tilespmem:v25+s26+$0x0] =	vst.idx.add.s32.msk vm1, v6  }
0x158: {  	v3 =	vshrl.u32 v10, $0x1;
	v4 =	vand.u32 $0x7FF, v16;
	v6 =	vshrl.u32 v16, $0xB;
	[tilespmem:v5+s11+$0x0] =	vst.idx.add.s32.msk $0xffff, v1  }
0x159: {  	v3 =	vand.u32 $0x7FFFF800, v3;
	v5 =	vand.u32 $0x7FF, v28;
	v14 =	vor.u32 $0x80000000, v14;
	(xrf1) =	vunique.msk.u32 $0xffff, v4  }
0x15a: {  	v3 =	vor.u32 v5, v3;
	v5 =	vxor.u32 v22, v14;
	v14 =	vld.idx.msk [tilespmem:v12+s28+$0x0], $0xffff  }
0x15b: {  	v21 =	vshra.s32 v17, $0x1F;
	v18 =	vand.u32 $0x7FF, v5;
	v20 =	vshrl.u32 v5, $0xB;
	v22 =	vld [tilespmem:s4+$0x6000]  }
0x15c: {  	[tilespmem:v10+s20+$0x0] =	vst.idx.msk $0xffff, v9;
	v9 =	vld.idx.msk [tilespmem:v7+s24+$0x0], $0xffff;
	v10 =	vor.u32 $0x80000000, v21;
	(xrf1) =	vunique.msk.u32 $0xffff, v18  }
0x15d: {  	v21 =	vld [tilespmem:s4+$0x2000];
	v10 =	vxor.u32 v17, v10  }
0x15e: {  	[tilespmem:v24+s19+$0x0] =	vst.idx.add.s32.msk vm2, v19;
	v17 =	vand.u32 $0x7FF, v10;
	v19 =	vshrl.u32 v10, $0xB  }
0x15f: {  	[tilespmem:v3+s11+$0x0] =	vst.idx.add.s32.msk $0xffff, v1;
	(xrf1) =	vunique.msk.u32 $0xffff, v17;
	_, v23, vm1 =	vpop (xrf1)  }
0x160: {  	v3 =	vshra.s32 v22, $0x1F;
	v14 =	vadd.s32 v14, v23  }
0x161: {  	v13 =	vand.u32 $0x7FF, v13;
	v24 =	vld.idx.msk [tilespmem:v4+s23+$0x0], $0xffff;
	v3 =	vor.u32 $0x80000000, v3;
	v29 =	vshrl.u32 v14, $0x1  }
0x162: {  	v26 =	vld [tilespmem:s8+$0x10];
	v27 =	vshra.s32 v21, $0x1F;
	v22 =	vxor.u32 v22, v3;
	v28 =	vand.u32 $0x7FFFF800, v29  }
0x163: {  	v27 =	vor.u32 $0x80000000, v27;
	v3 =	vand.u32 $0x7FF, v22;
	v13 =	vor.u32 v13, v28;
	_, v25, vm0 =	vpop (xrf1)  }
0x164: {  	v21 =	vxor.u32 v21, v27;
	v9 =	vadd.s32 v9, v25;
	v27 =	vshrl.u32 v22, $0xB;
	(xrf1) =	vunique.msk.u32 $0xffff, v3  }
0x165: {  	v28 =	vld.idx.msk [tilespmem:v18+s21+$0x0], $0xffff;
	v29 =	vand.u32 $0x7FF, v21;
	v30 =	vshrl.u32 v21, $0xB;
	v31 =	vshrl.u32 v9, $0x1;
	[tilespmem:v14+s20+$0x0] =	vst.idx.msk $0xffff, v8  }
0x166: {  	v14 =	vand.u32 $0x7FF, v15;
	v8 =	vand.u32 $0x7FFFF800, v31;
	[tilespmem:v12+s28+$0x0] =	vst.idx.add.s32.msk vm1, v23;
	(xrf1) =	vunique.msk.u32 $0xffff, v29  }
0x167: {  	v12 =	vshra.s32 v26, $0x1F;
	v8 =	vor.u32 v14, v8;
	v14 =	vld.idx.msk [tilespmem:v17+s25+$0x0], $0xffff;
	_, v15, vm1 =	vpop (xrf1)  }
0x168: {  	v12 =	vor.u32 $0x80000000, v12;
	v23 =	vadd.s32 v24, v15;
	[tilespmem:v13+s11+$0x0] =	vst.idx.add.s32.msk $0xffff, v1  }
0x169: {  	v12 =	vxor.u32 v26, v12;
	v13 =	vshrl.u32 v23, $0x1;
	[tilespmem:v9+s20+$0x0] =	vst.idx.msk $0xffff, v11;
	v9 =	vld [tilespmem:s8+$0x7010]  }
0x16a: {  	v6 =	vand.u32 $0x7FF, v6;
	v11 =	vand.u32 $0x7FF, v12;
	v13 =	vand.u32 $0x7FFFF800, v13;
	[tilespmem:v7+s24+$0x0] =	vst.idx.add.s32.msk vm0, v25;
	_, v7, vm0 =	vpop (xrf1)  }
0x16b: {  	v24 =	vshrl.u32 v12, $0xB;
	v25 =	vadd.s32 v28, v7;
	v6 =	vor.u32 v6, v13;
	(xrf1) =	vunique.msk.u32 $0xffff, v11  }
0x16c: {  	v13 =	vshrl.u32 v25, $0x1;
	v26 =	vld.idx.msk [tilespmem:v3+s26+$0x0], $0xffff  }
0x16d: {  	v20 =	vand.u32 $0x7FF, v20;
	v13 =	vand.u32 $0x7FFFF800, v13;
	v28 =	vld.idx.msk [tilespmem:v29+s22+$0x0], $0xffff;
	[tilespmem:v23+s20+$0x0] =	vst.idx.msk $0xffff, v16;
	_, v16, vm2 =	vpop (xrf1)  }
0x16e: {  	v13 =	vor.u32 v20, v13;
	[tilespmem:v8+s11+$0x0] =	vst.idx.add.s32.msk $0xffff, v1;
	v8 =	vadd.s32 v14, v16;
	v14 =	vshra.s32 v9, $0x1F  }
0x16f: {  	v20 =	vld.idx.msk [tilespmem:v11+s19+$0x0], $0xffff;
	v23 =	vshrl.u32 v8, $0x1;
	v14 =	vor.u32 $0x80000000, v14  }
0x170: {  	v19 =	vand.u32 $0x7FF, v19;
	[tilespmem:v25+s20+$0x0] =	vst.idx.msk $0xffff, v5;
	v5 =	vand.u32 $0x7FFFF800, v23;
	v14 =	vxor.u32 v9, v14  }
0x171: {  	v9 =	vld [tilespmem:s8+$0x4010];
	v5 =	vor.u32 v19, v5;
	v23 =	vand.u32 $0x7FF, v14;
	v19 =	vshrl.u32 v14, $0xB  }
0x172: {  	[tilespmem:v18+s21+$0x0] =	vst.idx.add.s32.msk vm0, v7;
	_, v18, vm0 =	vpop (xrf1);
	(xrf1) =	vunique.msk.u32 $0xffff, v23  }
0x173: {  	[tilespmem:v8+s20+$0x0] =	vst.idx.msk $0xffff, v10;
	v7 =	vadd.s32 v26, v18  }
0x174: {  	[tilespmem:v13+s11+$0x0] =	vst.idx.add.s32.msk $0xffff, v1;
	v8 =	vshrl.u32 v7, $0x1;
	_, v10, vm3 =	vpop (xrf1)  }
0x175: {  	v13 =	vadd.s32 v28, v10;
	[tilespmem:v4+s23+$0x0] =	vst.idx.add.s32.msk vm1, v15;
	v4 =	vand.u32 $0x7FFFF800, v8;
	v8 =	vand.u32 $0x7FF, v27  }
0x176: {  	v15 =	vshrl.u32 v13, $0x1;
	[tilespmem:v6+s11+$0x0] =	vst.idx.add.s32.msk $0xffff, v1;
	v25 =	vor.u32 v8, v4  }
0x177: {  	v6 =	vand.u32 $0x7FF, v30;
	v8 =	vshra.s32 v9, $0x1F;
	v4 =	vand.u32 $0x7FFFF800, v15;
	v15 =	vld [tilespmem:s8+$0x3010]  }
0x178: {  	v4 =	vor.u32 v6, v4;
	v6 =	vor.u32 $0x80000000, v8;
	[tilespmem:v17+s25+$0x0] =	vst.idx.add.s32.msk vm2, v16  }
0x179: {  	v8 =	vxor.u32 v9, v6;
	[tilespmem:v7+s20+$0x0] =	vst.idx.msk $0xffff, v22;
	v6 =	vld.idx.msk [tilespmem:v23+s28+$0x0], $0xffff;
	_, v17, vm1 =	vpop (xrf1)  }
0x17a: {  	v7 =	vadd.s32 v20, v17;
	v20 =	vld [tilespmem:s8+$0x1010];
	[tilespmem:v13+s20+$0x0] =	vst.idx.msk $0xffff, v21;
	v9 =	vand.u32 $0x7FF, v8;
	v13 =	vshrl.u32 v8, $0xB  }
0x17b: {  	v16 =	vshrl.u32 v7, $0x1;
	[tilespmem:v5+s11+$0x0] =	vst.idx.add.s32.msk $0xffff, v1;
	(xrf1) =	vunique.msk.u32 $0xffff, v9  }
0x17c: {  	v5 =	vand.u32 $0x7FFFF800, v16;
	v16 =	vand.u32 $0x7FF, v24;
	v21 =	vshra.s32 v15, $0x1F;
	v22 =	vld [tilespmem:s8+$0x5010]  }
0x17d: {  	v24 =	vor.u32 v16, v5;
	[tilespmem:v29+s22+$0x0] =	vst.idx.add.s32.msk vm3, v10;
	v5 =	vor.u32 $0x80000000, v21  }
0x17e: {  	[tilespmem:v4+s11+$0x0] =	vst.idx.add.s32.msk $0xffff, v1;
	v10 =	vxor.u32 v15, v5  }
0x17f: {  	[tilespmem:v7+s20+$0x0] =	vst.idx.msk $0xffff, v12;
	v4 =	vshra.s32 v20, $0x1F;
	v5 =	vld [tilespmem:s8+$0x2010];
	v7 =	vand.u32 $0x7FF, v10;
	v16 =	vshrl.u32 v10, $0xB  }
0x180: {  	[tilespmem:v11+s19+$0x0] =	vst.idx.add.s32.msk vm1, v17;
	v4 =	vor.u32 $0x80000000, v4;
	(xrf1) =	vunique.msk.u32 $0xffff, v7;
	_, v26, vm1 =	vpop (xrf1)  }
0x181: {  	v4 =	vxor.u32 v20, v4;
	[tilespmem:v3+s26+$0x0] =	vst.idx.add.s32.msk vm0, v18;
	v3 =	vadd.s32 v6, v26  }
0x182: {  	v11 =	vshra.s32 v22, $0x1F;
	v6 =	vand.u32 $0x7FF, v4;
	[tilespmem:v25+s11+$0x0] =	vst.idx.add.s32.msk $0xffff, v1;
	v12 =	vshrl.u32 v3, $0x1  }
0x183: {  	v15 =	vand.u32 $0x7FF, v19;
	v11 =	vor.u32 $0x80000000, v11;
	v20 =	vld [tilespmem:s8+$0x6010];
	v12 =	vand.u32 $0x7FFFF800, v12;
	(xrf1) =	vunique.msk.u32 $0xffff, v6  }
.Ltmp5:
0x184: {  	v11 =	vxor.u32 v22, v11;
	v17 =	vshra.s32 v5, $0x1F;
	v21 =	vld.idx.msk [tilespmem:v9+s24+$0x0], $0xffff;
	v18 =	vor.u32 v15, v12;
	(pc) =	sbr.rel @p0 .LBB2_9-.Ltmp5, $4  }
0x185: {  	v12 =	vand.u32 $0x7FF, v11;
	v15 =	vshrl.u32 v11, $0xB;
	v22 =	vor.u32 $0x80000000, v17;
	v19 =	vld.idx.msk [tilespmem:v7+s23+$0x0], $0xffff  }
0x186: {  	v17 =	vshrl.u32 v4, $0xB;
	v5 =	vxor.u32 v5, v22;
	[tilespmem:v3+s20+$0x0] =	vst.idx.msk $0xffff, v14;
	(xrf1) =	vunique.msk.u32 $0xffff, v12  }
0x187: {  	v3 =	vand.u32 $0x7FF, v5;
	v14 =	vshrl.u32 v5, $0xB;
	[tilespmem:v23+s28+$0x0] =	vst.idx.add.s32.msk vm1, v26  }
0x188: {  	s4 =	smov.u32 s10;
	[tilespmem:v24+s11+$0x0] =	vst.idx.add.s32.msk $0xffff, v1;
	v22 =	vshra.s32 v20, $0x1F;
	(xrf1) =	vunique.msk.u32 $0xffff, v3  }
0x189: {  	v22 =	vor.u32 $0x80000000, v22  }
0x18a: {  	_, v57, vm0 =	vpop (xrf1);
	v20 =	vxor.u32 v20, v22  }
0x18b: {  	v21 =	vadd.s32 v21, v57;
	v23 =	vand.u32 $0x7FF, v20  }
0x18c: {  	(xrf1) =	vunique.msk.u32 $0xffff, v23  }
0x18d: {  	v24 =	vshrl.u32 v21, $0x1  }
0x18e: {  	v25 =	vld.idx.msk [tilespmem:v6+s21+$0x0], $0xffff;
	v13 =	vand.u32 $0x7FF, v13;
	v24 =	vand.u32 $0x7FFFF800, v24;
	_, v26, vm1 =	vpop (xrf1)  }
0x18f: {  	v13 =	vor.u32 v13, v24;
	v19 =	vadd.s32 v19, v26  }
0x190: {  	[tilespmem:v21+s20+$0x0] =	vst.idx.msk $0xffff, v8;
	v8 =	vld.idx.msk [tilespmem:v12+s25+$0x0], $0xffff;
	v58 =	vshrl.u32 v19, $0x1  }
0x191: {  	[tilespmem:v18+s11+$0x0] =	vst.idx.add.s32.msk $0xffff, v1;
	v16 =	vand.u32 $0x7FF, v16;
	v59 =	vand.u32 $0x7FFFF800, v58  }
0x192: {  	[tilespmem:v9+s24+$0x0] =	vst.idx.add.s32.msk vm0, v57;
	_, v9, vm0 =	vpop (xrf1);
	v16 =	vor.u32 v16, v59  }
0x193: {  	v60 =	vld.idx.msk [tilespmem:v3+s22+$0x0], $0xffff;
	v17 =	vand.u32 $0x7FF, v17;
	v61 =	vadd.s32 v25, v9  }
0x194: {  	[tilespmem:v13+s11+$0x0] =	vst.idx.add.s32.msk $0xffff, v1;
	_, v13, vm2 =	vpop (xrf1)  }
0x195: {  	v62 =	vld.idx.msk [tilespmem:v23+s26+$0x0], $0xffff;
	[tilespmem:v19+s20+$0x0] =	vst.idx.msk $0xffff, v10;
	v10 =	vshrl.u32 v61, $0x1;
	v8 =	vadd.s32 v8, v13  }
0x196: {  	v10 =	vand.u32 $0x7FFFF800, v10;
	[tilespmem:v7+s23+$0x0] =	vst.idx.add.s32.msk vm1, v26  }
0x197: {  	v7 =	vor.u32 v17, v10;
	v10 =	vshrl.u32 v8, $0x1;
	_, v17, vm15 =	vpop (xrf1);
	[tilespmem:v16+s11+$0x0] =	vst.idx.add.s32.msk $0xffff, v1  }
0x198: {  	v15 =	vand.u32 $0x7FF, v15;
	v16 =	vadd.s32 v60, v17;
	v10 =	vand.u32 $0x7FFFF800, v10;
	[tilespmem:v61+s20+$0x0] =	vst.idx.msk $0xffff, v4  }
0x199: {  	v4 =	vor.u32 v15, v10;
	[tilespmem:v6+s21+$0x0] =	vst.idx.add.s32.msk vm0, v9;
	v9 =	vshrl.u32 v16, $0x1  }
0x19a: {  	v10 =	vand.u32 $0x7FF, v14;
	v9 =	vand.u32 $0x7FFFF800, v9;
	_, v6, vm0 =	vpop (xrf1);
	[tilespmem:v8+s20+$0x0] =	vst.idx.msk $0xffff, v11  }
0x19b: {  	v9 =	vor.u32 v10, v9;
	v8 =	vadd.s32 v62, v6;
	[tilespmem:v12+s25+$0x0] =	vst.idx.add.s32.msk vm2, v13  }
0x19c: {  	v11 =	vshrl.u32 v20, $0xB;
	[tilespmem:v7+s11+$0x0] =	vst.idx.add.s32.msk $0xffff, v1;
	v7 =	vshrl.u32 v8, $0x1  }
0x19d: {  	v10 =	vand.u32 $0x7FF, v11;
	[tilespmem:v16+s20+$0x0] =	vst.idx.msk $0xffff, v5;
	v7 =	vand.u32 $0x7FFFF800, v7  }
0x19e: {  	[tilespmem:v4+s11+$0x0] =	vst.idx.add.s32.msk $0xffff, v1;
	v5 =	vor.u32 v10, v7  }
0x19f: {  	[tilespmem:v3+s22+$0x0] =	vst.idx.add.s32.msk vm15, v17  }
0x1a0: {  	[tilespmem:v9+s11+$0x0] =	vst.idx.add.s32.msk $0xffff, v1  }
0x1a1: {  	[tilespmem:v8+s20+$0x0] =	vst.idx.msk $0xffff, v20  }
0x1a2: {  	[tilespmem:v23+s26+$0x0] =	vst.idx.add.s32.msk vm0, v6  }
0x1a3: {  	s4 =	simm.s32 $0xFFFFF800;
	[tilespmem:v5+s11+$0x0] =	vst.idx.add.s32.msk $0xffff, v1  }
0x1a4: {  	v10 =	vld [tilespmem:s4+$0x10800]  }
0x1a5: {  	v11 =	vld [tilespmem:s4+$0x11000]  }
0x1a6: {  	v12 =	vld [tilespmem:s4+$0x11800]  }
0x1a7: {  	v13 =	vld [tilespmem:s4+$0x12000]  }
0x1a8: {  	v14 =	vld [tilespmem:s4+$0x12800]  }
0x1a9: {  	v15 =	vld [tilespmem:s4+$0x13000]  }
0x1aa: {  	v16 =	vld [tilespmem:s4+$0x13800];
	v3 =	vadd.s32 v10, v11  }
0x1ab: {  	v6 =	vld [tilespmem:s4+$0x14000];
	v3 =	vadd.s32 v12, v3  }
0x1ac: {  	[tilespmem:s4+$0x10800] =	vst v0;
	v3 =	vadd.s32 v13, v3  }
0x1ad: {  	[tilespmem:s4+$0x11000] =	vst v0;
	v3 =	vadd.s32 v14, v3  }
0x1ae: {  	[tilespmem:s4+$0x11800] =	vst v0;
	v3 =	vadd.s32 v15, v3  }
0x1af: {  	[tilespmem:s4+$0x12000] =	vst v0;
	v3 =	vadd.s32 v16, v3  }
0x1b0: {  	[tilespmem:s4+$0x12800] =	vst v0;
	v9 =	vadd.s32 v6, v3  }
0x1b1: {  	[tilespmem:s4+$0x13000] =	vst v0;
	(xrf0) =	vadd.scan.msk.s32 $0xffff, v9  }
0x1b2: {  	[tilespmem:s4+$0x13800] =	vst v0  }
0x1b3: {  	s6 =	simm.s32 $0xFFFFF810;
	[tilespmem:s4+$0x14000] =	vst v0  }
0x1b4: {  	v4 =	vld [tilespmem:s6+$0x10800];
	[tilespmem:s6+$0x10800] =	vst v0  }
0x1b5: {  	v5 =	vld [tilespmem:s6+$0x11000];
	[tilespmem:s6+$0x11000] =	vst v0  }
0x1b6: {  	v7 =	vld [tilespmem:s6+$0x11800];
	[tilespmem:s6+$0x11800] =	vst v0  }
0x1b7: {  	v8 =	vld [tilespmem:s6+$0x12000];
	[tilespmem:s6+$0x12000] =	vst v0;
	v17, _, _ =	vpop (xrf0)  }
0x1b8: {  	s10 =	simm.s32 $0xFFFFFFFF;
	v19 =	vld [tilespmem:s6+$0x14000];
	[tilespmem:s6+$0x14000] =	vst v0;
	v63 =	vsub.s32 v17, v9  }
0x1b9: {  	v6 =	vld [tilespmem:s6+$0x12800];
	[tilespmem:s6+$0x12800] =	vst v0;
	v18 =	vadd.s32 s10, v63  }
0x1ba: {  	v3 =	vld [tilespmem:s6+$0x13000];
	[tilespmem:s6+$0x13000] =	vst v0;
	v10 =	vadd.s32 v10, v18  }
0x1bb: {  	v9 =	vld [tilespmem:s6+$0x13800];
	[tilespmem:s6+$0x13800] =	vst v0;
	(v2sf) =	vpush v17, $0xF;
	v11 =	vadd.s32 v11, v10  }
0x1bc: {  	[tilespmem:s4+$0x15800] =	vst v11;
	v11 =	vadd.s32 v12, v11  }
0x1bd: {  	v12 =	vadd.s32 v4, v5;
	[tilespmem:s4+$0x16000] =	vst v11;
	v11 =	vadd.s32 v13, v11  }
0x1be: {  	v12 =	vadd.s32 v7, v12;
	[tilespmem:s4+$0x16800] =	vst v11;
	v11 =	vadd.s32 v14, v11  }
0x1bf: {  	v12 =	vadd.s32 v8, v12;
	[tilespmem:s4+$0x17000] =	vst v11;
	v11 =	vadd.s32 v15, v11  }
0x1c0: {  	v12 =	vadd.s32 v6, v12;
	[tilespmem:s4+$0x17800] =	vst v11;
	v11 =	vadd.s32 v16, v11  }
0x1c1: {  	[tilespmem:s4+$0x18000] =	vst v11;
	v11 =	vadd.s32 v3, v12  }
0x1c2: {  	[tilespmem:s4+$0x15000] =	vst v10;
	v10 =	vadd.s32 v9, v11  }
0x1c3: {  	v14 =	vadd.s32 v19, v10  }
0x1c4: {  	(xrf0) =	vadd.scan.msk.s32 $0xffff, v14;
	_ =	sdelay $0x1  }
0x1c5: {  	s8 =	simm.s32 $0xFFFFF820;
	[tilespmem:s4+$0x14800] =	vst v18  }
0x1c6: {  	v13 =	vld [tilespmem:s8+$0x10800];
	[tilespmem:s8+$0x10800] =	vst v0  }
0x1c7: {  	v12 =	vld [tilespmem:s8+$0x11000];
	[tilespmem:s8+$0x11000] =	vst v0  }
0x1c8: {  	s9 =	simm.s32 $0xFFFFE100;
	v11 =	vld [tilespmem:s8+$0x11800];
	[tilespmem:s8+$0x11800] =	vst v0  }
0x1c9: {  	s12 =	simm.s32 $0xFFFFE140;
	s4 =	simm.s32 $0xFFFFE0C0;
	v10 =	vld [tilespmem:s8+$0x12000];
	[tilespmem:s8+$0x12000] =	vst v0;
	s13 =	spop (v2sf);
	v15, _, _ =	vpop (xrf0)  }
.LBB2_11:
0x1ca: {  	p0 =	sne.s32 s12, $0xFFFFFFC0;
	v16 =	vld [tilespmem:s8+$0x12800];
	[tilespmem:s8+$0x12800] =	vst v0;
	v14 =	vsub.s32 v15, v14;
	(v2sf) =	vpush v15, $0xF;
	s10 =	sadd.s32 s10, s13  }
0x1cb: {  	v15 =	vld [tilespmem:s8+$0x13000];
	[tilespmem:s8+$0x13000] =	vst v0;
	v17 =	vadd.s32 s10, v14  }
0x1cc: {  	v18 =	vld [tilespmem:s8+$0x13800];
	v14 =	vadd.s32 v13, v12;
	[tilespmem:s8+$0x13800] =	vst v0;
	v19 =	vadd.s32 v4, v17;
	v4 =	vmov v13  }
0x1cd: {  	v13 =	vld [tilespmem:s8+$0x14000];
	v14 =	vadd.s32 v11, v14;
	[tilespmem:s8+$0x14000] =	vst v0;
	v20 =	vadd.s32 v5, v19;
	v5 =	vmov v12  }
0x1ce: {  	v12 =	vadd.s32 v10, v14;
	[tilespmem:s6+$0x15800] =	vst v20;
	v14 =	vadd.s32 v7, v20;
	v7 =	vmov v11  }
0x1cf: {  	v11 =	vadd.s32 v16, v12;
	[tilespmem:s6+$0x16000] =	vst v14;
	v12 =	vadd.s32 v8, v14;
	v8 =	vmov v10  }
0x1d0: {  	v10 =	vadd.s32 v15, v11;
	[tilespmem:s6+$0x16800] =	vst v12;
	v11 =	vadd.s32 v6, v12;
	v6 =	vmov v16  }
0x1d1: {  	v10 =	vadd.s32 v18, v10;
	[tilespmem:s6+$0x17000] =	vst v11;
	v11 =	vadd.s32 v3, v11;
	v3 =	vmov v15  }
0x1d2: {  	v14 =	vadd.s32 v13, v10;
	[tilespmem:s6+$0x17800] =	vst v11;
	v10 =	vadd.s32 v9, v11;
	v9 =	vmov v18  }
0x1d3: {  	(xrf0) =	vadd.scan.msk.s32 $0xffff, v14;
	[tilespmem:s6+$0x18000] =	vst v10  }
0x1d4: {  	[tilespmem:s6+$0x15000] =	vst v19  }
.Ltmp6:
0x1d5: {  	[tilespmem:s6+$0x14800] =	vst v17;
	s6 =	smov.u32 s8;
	s8 =	sshra.s32 s4, $0x2;
	(pc) =	sbr.rel @p0 .LBB2_11-.Ltmp6, $4  }
0x1d6: {  	s4 =	smov.u32 s9;
	s9 =	smov.u32 s12;
	v13 =	vld [tilespmem:s8+$0x10800];
	[tilespmem:s8+$0x10800] =	vst v0  }
0x1d7: {  	v12 =	vld [tilespmem:s8+$0x11000];
	[tilespmem:s8+$0x11000] =	vst v0  }
0x1d8: {  	v11 =	vld [tilespmem:s8+$0x11800];
	[tilespmem:s8+$0x11800] =	vst v0  }
0x1d9: {  	s12 =	sadd.s32 $0x40, s12;
	v10 =	vld [tilespmem:s8+$0x12000];
	[tilespmem:s8+$0x12000] =	vst v0;
	v15, _, _ =	vpop (xrf0);
	s13 =	spop (v2sf)  }
0x1da: {  	v16 =	vld [tilespmem:s8+$0x12800];
	[tilespmem:s8+$0x12800] =	vst v0  }
0x1db: {  	v17 =	vld [tilespmem:s8+$0x13000];
	[tilespmem:s8+$0x13000] =	vst v0;
	v14 =	vsub.s32 v15, v14;
	s10 =	sadd.s32 s10, s13;
	(v2sf) =	vpush v15, $0xF  }
0x1dc: {  	v18 =	vld [tilespmem:s8+$0x13800];
	[tilespmem:s8+$0x13800] =	vst v0;
	v14 =	vadd.s32 s10, v14  }
0x1dd: {  	v15 =	vld [tilespmem:s8+$0x14000];
	[tilespmem:s8+$0x14000] =	vst v0;
	v4 =	vadd.s32 v4, v14;
	v19 =	vadd.s32 v13, v12  }
0x1de: {  	[tilespmem:s6+$0x14800] =	vst v14;
	v5 =	vadd.s32 v5, v4;
	v19 =	vadd.s32 v11, v19  }
0x1df: {  	[tilespmem:s6+$0x15800] =	vst v5;
	v5 =	vadd.s32 v7, v5;
	v7 =	vadd.s32 v10, v19  }
0x1e0: {  	[tilespmem:s6+$0x16000] =	vst v5;
	v5 =	vadd.s32 v8, v5;
	v7 =	vadd.s32 v16, v7  }
0x1e1: {  	[tilespmem:s6+$0x16800] =	vst v5;
	v5 =	vadd.s32 v6, v5;
	v6 =	vadd.s32 v17, v7  }
0x1e2: {  	[tilespmem:s6+$0x17000] =	vst v5;
	v3 =	vadd.s32 v3, v5;
	v5 =	vadd.s32 v18, v6  }
0x1e3: {  	[tilespmem:s6+$0x15000] =	vst v4;
	v5 =	vadd.s32 v15, v5  }
0x1e4: {  	[tilespmem:s6+$0x17800] =	vst v3;
	v3 =	vadd.s32 v9, v3;
	(xrf0) =	vadd.scan.msk.s32 $0xffff, v5  }
0x1e5: {  	s4 =	sshra.s32 s4, $0x2;
	[tilespmem:s6+$0x18000] =	vst v3  }
0x1e6: {  	v3 =	vld [tilespmem:s4+$0x10800];
	[tilespmem:s4+$0x10800] =	vst v0  }
0x1e7: {  	v4 =	vld [tilespmem:s4+$0x11000];
	[tilespmem:s4+$0x11000] =	vst v0  }
0x1e8: {  	v6 =	vld [tilespmem:s4+$0x11800];
	[tilespmem:s4+$0x11800] =	vst v0  }
0x1e9: {  	v7 =	vld [tilespmem:s4+$0x12000];
	[tilespmem:s4+$0x12000] =	vst v0  }
0x1ea: {  	v9 =	vld [tilespmem:s4+$0x12800];
	[tilespmem:s4+$0x12800] =	vst v0;
	v8, _, _ =	vpop (xrf0);
	s12 =	spop (v2sf)  }
0x1eb: {  	v14 =	vld [tilespmem:s4+$0x13000];
	[tilespmem:s4+$0x13000] =	vst v0;
	v5 =	vsub.s32 v8, v5;
	s10 =	sadd.s32 s10, s12  }
0x1ec: {  	v15 =	vld [tilespmem:s4+$0x13800];
	[tilespmem:s4+$0x13800] =	vst v0;
	v19 =	vadd.s32 v3, v4;
	v5 =	vadd.s32 s10, v5  }
0x1ed: {  	v20 =	vld [tilespmem:s4+$0x14000];
	[tilespmem:s4+$0x14000] =	vst v0;
	v19 =	vadd.s32 v6, v19;
	v13 =	vadd.s32 v13, v5  }
0x1ee: {  	v19 =	vadd.s32 v7, v19;
	[tilespmem:s8+$0x14800] =	vst v5;
	v12 =	vadd.s32 v12, v13  }
0x1ef: {  	[tilespmem:s8+$0x15800] =	vst v12;
	v11 =	vadd.s32 v11, v12;
	v12 =	vadd.s32 v9, v19  }
0x1f0: {  	[tilespmem:s8+$0x16000] =	vst v11;
	v10 =	vadd.s32 v10, v11;
	v11 =	vadd.s32 v14, v12  }
0x1f1: {  	[tilespmem:s8+$0x15000] =	vst v13;
	v11 =	vadd.s32 v15, v11  }
0x1f2: {  	(v2sf) =	vpush v8, $0xF;
	[tilespmem:s8+$0x16800] =	vst v10;
	v10 =	vadd.s32 v16, v10;
	v8 =	vadd.s32 v20, v11  }
0x1f3: {  	[tilespmem:s8+$0x17000] =	vst v10;
	v10 =	vadd.s32 v17, v10;
	(xrf0) =	vadd.scan.msk.s32 $0xffff, v8  }
0x1f4: {  	[tilespmem:s8+$0x17800] =	vst v10;
	v10 =	vadd.s32 v18, v10  }
0x1f5: {  	s13 =	sshra.s32 s9, $0x2;
	[tilespmem:s8+$0x18000] =	vst v10  }
0x1f6: {  	v5 =	vld [tilespmem:s13+$0x10800]  }
0x1f7: {  	v10 =	vld [tilespmem:s13+$0x11000]  }
0x1f8: {  	v11 =	vld [tilespmem:s13+$0x11800]  }
0x1f9: {  	v12 =	vld [tilespmem:s13+$0x12000];
	v13, _, _ =	vpop (xrf0)  }
0x1fa: {  	v16 =	vld [tilespmem:s13+$0x12800];
	(v2sf) =	vpush v13, $0xF  }
0x1fb: {  	v17 =	vld [tilespmem:s13+$0x13000]  }
0x1fc: {  	v18 =	vld [tilespmem:s13+$0x13800];
	[tilespmem:s13+$0x10800] =	vst v0;
	v19 =	vadd.s32 v5, v10  }
0x1fd: {  	v20 =	vld [tilespmem:s13+$0x14000];
	[tilespmem:s13+$0x11000] =	vst v0;
	v19 =	vadd.s32 v11, v19  }
0x1fe: {  	[tilespmem:s13+$0x11800] =	vst v0;
	v19 =	vadd.s32 v12, v19  }
0x1ff: {  	[tilespmem:s13+$0x12000] =	vst v0;
	v19 =	vadd.s32 v16, v19  }
0x200: {  	[tilespmem:s13+$0x12800] =	vst v0;
	v19 =	vadd.s32 v17, v19  }
0x201: {  	[tilespmem:s13+$0x13000] =	vst v0;
	s9 =	spop (v2sf);
	v19 =	vadd.s32 v18, v19  }
0x202: {  	[tilespmem:s13+$0x13800] =	vst v0;
	v8 =	vsub.s32 v13, v8;
	s8 =	sadd.s32 s10, s9;
	v13 =	vadd.s32 v20, v19  }
0x203: {  	[tilespmem:s13+$0x14000] =	vst v0;
	v8 =	vadd.s32 s8, v8;
	(xrf0) =	vadd.scan.msk.s32 $0xffff, v13  }
0x204: {  	v3 =	vadd.s32 v3, v8;
	[tilespmem:s4+$0x14800] =	vst v8  }
0x205: {  	v4 =	vadd.s32 v4, v3;
	[tilespmem:s4+$0x15000] =	vst v3  }
0x206: {  	[tilespmem:s4+$0x15800] =	vst v4;
	v4 =	vadd.s32 v6, v4  }
0x207: {  	[tilespmem:s4+$0x16000] =	vst v4;
	v4 =	vadd.s32 v7, v4  }
0x208: {  	[tilespmem:s4+$0x16800] =	vst v4;
	v4 =	vadd.s32 v9, v4  }
0x209: {  	[tilespmem:s4+$0x17000] =	vst v4;
	v4 =	vadd.s32 v14, v4;
	v14, _, _ =	vpop (xrf0);
	s10 =	spop (v2sf)  }
0x20a: {  	[tilespmem:s4+$0x17800] =	vst v4;
	v4 =	vadd.s32 v15, v4;
	v6 =	vsub.s32 v14, v13;
	s8 =	sadd.s32 s8, s10  }
0x20b: {  	[tilespmem:s4+$0x18000] =	vst v4;
	v4 =	vadd.s32 s8, v6  }
0x20c: {  	v3 =	vadd.s32 v5, v4;
	[tilespmem:s13+$0x14800] =	vst v4  }
0x20d: {  	v5 =	vadd.s32 v10, v3;
	[tilespmem:s13+$0x15000] =	vst v3  }
0x20e: {  	[tilespmem:s13+$0x15800] =	vst v5;
	v5 =	vadd.s32 v11, v5  }
0x20f: {  	[tilespmem:s13+$0x16000] =	vst v5;
	v5 =	vadd.s32 v12, v5  }
0x210: {  	[tilespmem:s13+$0x16800] =	vst v5;
	v5 =	vadd.s32 v16, v5  }
0x211: {  	[tilespmem:s13+$0x17000] =	vst v5;
	v5 =	vadd.s32 v17, v5  }
0x212: {  	s12 =	simm.s32 $0x0;
	[tilespmem:s13+$0x17800] =	vst v5;
	v5 =	vadd.s32 v18, v5  }
0x213: {  	s4 =	sand.u32 $0xFE0, s12;
	[tilespmem:s13+$0x18000] =	vst v5  }
0x214: {  	v3 =	vld [tilespmem:s4+$0xC000]  }
0x215: {  	v4 =	vld [tilespmem:s4+$0xD000];
	_ =	sdelay $0x3  }
0x216: {  	v6 =	vld [tilespmem:s4+$0x9000];
	v5 =	vshrl.u32 v3, $0xB  }
0x217: {  	v7 =	vshrl.u32 v4, $0xB;
	v5 =	vand.u32 $0x7FF, v5  }
0x218: {  	v7 =	vand.u32 $0x7FF, v7;
	(xrf1) =	vunique.msk.u32 $0xffff, v5  }
0x219: {  	(xrf1) =	vunique.msk.u32 $0xffff, v7;
	_ =	sdelay $0x1  }
0x21a: {  	v9 =	vshrl.u32 v6, $0xB  }
0x21b: {  	v8 =	vld [tilespmem:s4+$0xB000];
	v9 =	vand.u32 $0x7FF, v9  }
0x21c: {  	(xrf1) =	vunique.msk.u32 $0xffff, v9  }
0x21d: {  	v10 =	vld [tilespmem:s4+$0xA000];
	_ =	sdelay $0x2  }
0x21e: {  	v12 =	vld [tilespmem:s4+$0xF000];
	v11 =	vshrl.u32 v8, $0xB  }
0x21f: {  	v11 =	vand.u32 $0x7FF, v11;
	v13 =	vld.idx.msk [tilespmem:v5+s24+$0x0], $0xffff  }
0x220: {  	v15 =	vshrl.u32 v10, $0xB;
	(xrf1) =	vunique.msk.u32 $0xffff, v11;
	v16 =	vld.idx.msk [tilespmem:v7+s25+$0x0], $0xffff  }
0x221: {  	v15 =	vand.u32 $0x7FF, v15  }
0x222: {  	(xrf1) =	vunique.msk.u32 $0xffff, v15  }
0x223: {  	v18 =	vshrl.u32 v12, $0xB;
	_, v17, vm0 =	vpop (xrf1)  }
0x224: {  	s9 =	simm.s32 $0x0;
	v18 =	vand.u32 $0x7FF, v18;
	v21 =	vld.idx.msk [tilespmem:v9+s21+$0x0], $0xffff;
	v13 =	vadd.s32 v13, v17;
	_, v23, vm1 =	vpop (xrf1)  }
0x225: {  	v25 =	vld [tilespmem:s9+$0x8000];
	(xrf1) =	vunique.msk.u32 $0xffff, v18;
	v19 =	vshrl.u32 v13, $0x1;
	v16 =	vadd.s32 v16, v23  }
0x226: {  	v20 =	vld [tilespmem:s4+$0xE000];
	v22 =	vshrl.u32 v3, $0x16;
	v19 =	vand.u32 $0x7FFFFC00, v19  }
0x227: {  	v19 =	vor.u32 v22, v19  }
0x228: {  	v24 =	vld.idx.msk [tilespmem:v11+s23+$0x0], $0xffff;
	_, v28, vm2 =	vpop (xrf1)  }
0x229: {  	v26 =	vld.idx.msk [tilespmem:v15+s22+$0x0], $0xffff;
	v21 =	vadd.s32 v21, v28;
	v22 =	vshrl.u32 v16, $0x1;
	[tilespmem:v13+s3+$0x0] =	vst.idx.msk $0xffff, v3  }
0x22a: {  	v27 =	vshrl.u32 v4, $0x16;
	v22 =	vand.u32 $0x7FFFFC00, v22;
	v13 =	vld.idx.msk [tilespmem:v18+s28+$0x0], $0xffff;
	[tilespmem:v16+s3+$0x0] =	vst.idx.msk $0xffff, v4;
	v4 =	vshrl.u32 v25, $0xB  }
0x22b: {  	v29 =	vshrl.u32 v20, $0xB;
	v3 =	vor.u32 v27, v22;
	[tilespmem:v5+s24+$0x0] =	vst.idx.add.s32.msk vm0, v17;
	v5 =	vshrl.u32 v21, $0x1  }
0x22c: {  	v17 =	vand.u32 $0x7FF, v29;
	v22 =	vand.u32 $0x7FFFFC00, v5;
	[tilespmem:v19+s11+$0x0] =	vst.idx.add.s32.msk $0xffff, v1;
	v19 =	vshrl.u32 v6, $0x16  }
0x22d: {  	(xrf1) =	vunique.msk.u32 $0xffff, v17;
	[tilespmem:v7+s25+$0x0] =	vst.idx.add.s32.msk vm1, v23;
	v16 =	vor.u32 v19, v22;
	v22 =	vand.u32 $0x7FF, v4  }
0x22e: {  	[tilespmem:v21+s3+$0x0] =	vst.idx.msk $0xffff, v6;
	v5 =	vld [tilespmem:s9+$0xC010];
	_, v4, vm0 =	vpop (xrf1);
	(xrf1) =	vunique.msk.u32 $0xffff, v22  }
0x22f: {  	[tilespmem:v9+s21+$0x0] =	vst.idx.add.s32.msk vm2, v28;
	v19 =	vadd.s32 v24, v4  }
0x230: {  	[tilespmem:v3+s11+$0x0] =	vst.idx.add.s32.msk $0xffff, v1;
	_, v3, vm1 =	vpop (xrf1);
	v6 =	vshrl.u32 v19, $0x1  }
0x231: {  	v7 =	vshrl.u32 v8, $0x16;
	v21 =	vld.idx.msk [tilespmem:v17+s26+$0x0], $0xffff;
	v23 =	vadd.s32 v26, v3;
	v6 =	vand.u32 $0x7FFFFC00, v6  }
0x232: {  	v26 =	vshrl.u32 v23, $0x1;
	v61 =	vor.u32 v7, v6;
	v6 =	vld [tilespmem:s9+$0xD010]  }
0x233: {  	(v2sf) =	vpush v14, $0xF;
	v7 =	vshrl.u32 v5, $0xB;
	[tilespmem:v16+s11+$0x0] =	vst.idx.add.s32.msk $0xffff, v1;
	_, v16, vm2 =	vpop (xrf1);
	v14 =	vand.u32 $0x7FFFFC00, v26  }
0x234: {  	v9 =	vand.u32 $0x7FF, v7;
	v7 =	vld [tilespmem:s9+$0x9010];
	[tilespmem:v19+s3+$0x0] =	vst.idx.msk $0xffff, v8;
	v8 =	vadd.s32 v13, v16;
	v13 =	vshrl.u32 v10, $0x16  }
0x235: {  	(xrf1) =	vunique.msk.u32 $0xffff, v9;
	[tilespmem:v11+s23+$0x0] =	vst.idx.add.s32.msk vm0, v4;
	v11 =	vor.u32 v13, v14  }
0x236: {  	v14 =	vld.idx.msk [tilespmem:v22+s19+$0x0], $0xffff;
	[tilespmem:v23+s3+$0x0] =	vst.idx.msk $0xffff, v10  }
0x237: {  	v4 =	vshrl.u32 v8, $0x1;
	[tilespmem:v15+s22+$0x0] =	vst.idx.add.s32.msk vm1, v3  }
0x238: {  	v10 =	vshrl.u32 v12, $0x16;
	v4 =	vand.u32 $0x7FFFFC00, v4;
	[tilespmem:v61+s11+$0x0] =	vst.idx.add.s32.msk $0xffff, v1  }
0x239: {  	v3 =	vor.u32 v10, v4;
	v4 =	vld [tilespmem:s9+$0xB010]  }
0x23a: {  	[tilespmem:v11+s11+$0x0] =	vst.idx.add.s32.msk $0xffff, v1;
	v11 =	vshrl.u32 v6, $0xB  }
0x23b: {  	[tilespmem:v8+s3+$0x0] =	vst.idx.msk $0xffff, v12;
	v8 =	vshrl.u32 v7, $0xB;
	_, v12, vm0 =	vpop (xrf1);
	v11 =	vand.u32 $0x7FF, v11  }
0x23c: {  	[tilespmem:v18+s28+$0x0] =	vst.idx.add.s32.msk vm2, v16;
	v13 =	vand.u32 $0x7FF, v8;
	v10 =	vadd.s32 v21, v12;
	_, v21, vm1 =	vpop (xrf1);
	(xrf1) =	vunique.msk.u32 $0xffff, v11  }
0x23d: {  	v8 =	vld [tilespmem:s9+$0xA010];
	v23 =	vadd.s32 v14, v21;
	(xrf1) =	vunique.msk.u32 $0xffff, v13  }
0x23e: {  	v18 =	vld.idx.msk [tilespmem:v9+s24+$0x0], $0xffff;
	v16 =	vshrl.u32 v23, $0x1  }
0x23f: {  	[tilespmem:v3+s11+$0x0] =	vst.idx.add.s32.msk $0xffff, v1;
	v62 =	vand.u32 $0x7FFFFC00, v16;
	v16 =	vshrl.u32 v4, $0xB  }
0x240: {  	v15 =	vshrl.u32 v10, $0x1;
	v3 =	vld [tilespmem:s9+$0xF010]  }
0x241: {  	v19 =	vand.u32 $0x7FFFFC00, v15;
	v14 =	vshrl.u32 v5, $0x16;
	v15 =	vld.idx.msk [tilespmem:v13+s21+$0x0], $0xffff;
	[tilespmem:v10+s3+$0x0] =	vst.idx.msk $0xffff, v20  }
0x242: {  	v20 =	vshrl.u32 v20, $0x16;
	v63 =	vshrl.u32 v8, $0xB;
	v10 =	vand.u32 $0x7FF, v16;
	[tilespmem:v17+s26+$0x0] =	vst.idx.add.s32.msk vm0, v12  }
0x243: {  	v19 =	vor.u32 v20, v19;
	v20 =	vshrl.u32 v25, $0x16;
	v17 =	vld.idx.msk [tilespmem:v11+s25+$0x0], $0xffff;
	v12 =	vand.u32 $0x7FF, v63;
	_, v16, vm0 =	vpop (xrf1)  }
0x244: {  	v20 =	vor.u32 v20, v62;
	[tilespmem:v23+s3+$0x0] =	vst.idx.msk $0xffff, v25;
	(xrf1) =	vunique.msk.u32 $0xffff, v10;
	v18 =	vadd.s32 v18, v16  }
0x245: {  	s8 =	simm.s32 $0x20;
	s4 =	simm.s32 $0x80;
	s13 =	spop (v2sf);
	[tilespmem:v22+s19+$0x0] =	vst.idx.add.s32.msk vm1, v21;
	v21 =	vshrl.u32 v3, $0xB;
	(xrf1) =	vunique.msk.u32 $0xffff, v12;
	v22 =	vshrl.u32 v18, $0x1  }
.LBB2_13:
0x246: {  	s10 =	smov.u32 s4  }
0x247: {  	s12 =	sshra.s32 s4, $0x2;
	s6 =	sand.u32 $0xFE0, s8;
	v22 =	vand.u32 $0x7FFFFC00, v22;
	s10 =	sadd.s32 $0x80, s4  }
0x248: {  	p0 =	sne.s32 s4, $0x3F80;
	v22 =	vor.u32 v14, v22;
	[tilespmem:v19+s11+$0x0] =	vst.idx.add.s32.msk $0xffff, v1  }
0x249: {  	v19 =	vld [tilespmem:s9+$0xE010]  }
0x24a: {  	[tilespmem:v20+s11+$0x0] =	vst.idx.add.s32.msk $0xffff, v1;
	_, v20, vm1 =	vpop (xrf1)  }
0x24b: {  	v14 =	vld [tilespmem:s9+$0x8010];
	[tilespmem:v18+s3+$0x0] =	vst.idx.msk $0xffff, v5;
	v17 =	vadd.s32 v17, v20;
	v18 =	vand.u32 $0x7FF, v21;
	_, v21, vm2 =	vpop (xrf1);
	s9 =	smov.u32 s12  }
0x24c: {  	v5 =	vshrl.u32 v6, $0x16;
	v15 =	vadd.s32 v15, v21;
	v23 =	vld.idx.msk [tilespmem:v10+s23+$0x0], $0xffff;
	v24 =	vshrl.u32 v17, $0x1;
	(xrf1) =	vunique.msk.u32 $0xffff, v18  }
0x24d: {  	v25 =	vshrl.u32 v7, $0x16;
	v26 =	vshrl.u32 v15, $0x1;
	v27 =	vld.idx.msk [tilespmem:v12+s22+$0x0], $0xffff;
	v24 =	vand.u32 $0x7FFFFC00, v24  }
0x24e: {  	v26 =	vand.u32 $0x7FFFFC00, v26;
	[tilespmem:v9+s24+$0x0] =	vst.idx.add.s32.msk vm0, v16;
	v9 =	vor.u32 v5, v24;
	v5 =	vshrl.u32 v19, $0xB  }
0x24f: {  	v16 =	vor.u32 v25, v26;
	[tilespmem:v22+s11+$0x0] =	vst.idx.add.s32.msk $0xffff, v1;
	v22 =	vand.u32 $0x7FF, v5  }
0x250: {  	v5 =	vld [tilespmem:s6+$0xC000];
	[tilespmem:v17+s3+$0x0] =	vst.idx.msk $0xffff, v6;
	(xrf1) =	vunique.msk.u32 $0xffff, v22  }
0x251: {  	v6 =	vshrl.u32 v14, $0xB;
	[tilespmem:v15+s3+$0x0] =	vst.idx.msk $0xffff, v7;
	v7 =	vld.idx.msk [tilespmem:v18+s28+$0x0], $0xffff  }
0x252: {  	v15 =	vand.u32 $0x7FF, v6;
	[tilespmem:v13+s21+$0x0] =	vst.idx.add.s32.msk vm2, v21;
	_, v13, vm0 =	vpop (xrf1)  }
0x253: {  	v6 =	vshrl.u32 v4, $0x16;
	v17 =	vadd.s32 v23, v13;
	[tilespmem:v11+s25+$0x0] =	vst.idx.add.s32.msk vm1, v20;
	_, v11, vm1 =	vpop (xrf1)  }
0x254: {  	v21 =	vshrl.u32 v8, $0x16;
	v20 =	vadd.s32 v27, v11;
	v23 =	vshrl.u32 v17, $0x1;
	[tilespmem:v9+s11+$0x0] =	vst.idx.add.s32.msk $0xffff, v1  }
0x255: {  	v9 =	vshrl.u32 v5, $0xB;
	v24 =	vld [tilespmem:s6+$0xD000];
	v25 =	vshrl.u32 v20, $0x1;
	v23 =	vand.u32 $0x7FFFFC00, v23  }
0x256: {  	[tilespmem:v16+s11+$0x0] =	vst.idx.add.s32.msk $0xffff, v1;
	v16 =	vand.u32 $0x7FFFFC00, v25;
	v23 =	vor.u32 v6, v23;
	(xrf1) =	vunique.msk.u32 $0xffff, v15  }
0x257: {  	v6 =	vld [tilespmem:s6+$0x9000];
	v16 =	vor.u32 v21, v16  }
0x258: {  	v9 =	vand.u32 $0x7FF, v9;
	v21 =	vld.idx.msk [tilespmem:v15+s19+$0x0], $0xffff;
	[tilespmem:v17+s3+$0x0] =	vst.idx.msk $0xffff, v4  }
0x259: {  	(xrf1) =	vunique.msk.u32 $0xffff, v9;
	[tilespmem:v20+s3+$0x0] =	vst.idx.msk $0xffff, v8;
	v8 =	vld.idx.msk [tilespmem:v22+s26+$0x0], $0xffff  }
0x25a: {  	v4 =	vshrl.u32 v24, $0xB;
	[tilespmem:v10+s23+$0x0] =	vst.idx.add.s32.msk vm0, v13;
	_, v10, vm0 =	vpop (xrf1)  }
0x25b: {  	[tilespmem:v12+s22+$0x0] =	vst.idx.add.s32.msk vm1, v11;
	v7 =	vadd.s32 v7, v10;
	v11 =	vshrl.u32 v3, $0x16  }
0x25c: {  	v13 =	vand.u32 $0x7FF, v4;
	v12 =	vshrl.u32 v6, $0xB;
	[tilespmem:v16+s11+$0x0] =	vst.idx.add.s32.msk $0xffff, v1;
	v4 =	vshrl.u32 v7, $0x1  }
0x25d: {  	v12 =	vand.u32 $0x7FF, v12;
	(xrf1) =	vunique.msk.u32 $0xffff, v13;
	[tilespmem:v23+s11+$0x0] =	vst.idx.add.s32.msk $0xffff, v1;
	v17 =	vand.u32 $0x7FFFFC00, v4  }
0x25e: {  	v4 =	vld [tilespmem:s6+$0xA000];
	(xrf1) =	vunique.msk.u32 $0xffff, v12;
	v11 =	vor.u32 v11, v17;
	_, v16, vm1 =	vpop (xrf1)  }
0x25f: {  	v17 =	vld [tilespmem:s6+$0xB000];
	v8 =	vadd.s32 v8, v16  }
0x260: {  	v20 =	vld.idx.msk [tilespmem:v9+s24+$0x0], $0xffff;
	v23 =	vshrl.u32 v8, $0x1;
	[tilespmem:v7+s3+$0x0] =	vst.idx.msk $0xffff, v3  }
0x261: {  	v3 =	vshrl.u32 v19, $0x16;
	v7 =	vand.u32 $0x7FFFFC00, v23;
	[tilespmem:v18+s28+$0x0] =	vst.idx.add.s32.msk vm0, v10  }
0x262: {  	v10 =	vld.idx.msk [tilespmem:v13+s25+$0x0], $0xffff;
	v3 =	vor.u32 v3, v7  }
0x263: {  	v7 =	vshrl.u32 v4, $0xB;
	[tilespmem:v11+s11+$0x0] =	vst.idx.add.s32.msk $0xffff, v1  }
0x264: {  	v11 =	vshrl.u32 v17, $0xB;
	v18 =	vld [tilespmem:s6+$0xF000];
	[tilespmem:v8+s3+$0x0] =	vst.idx.msk $0xffff, v19;
	_, v8, vm2 =	vpop (xrf1)  }
0x265: {  	v23 =	vshrl.u32 v14, $0x16;
	v19 =	vld.idx.msk [tilespmem:v12+s21+$0x0], $0xffff;
	v11 =	vand.u32 $0x7FF, v11;
	v21 =	vadd.s32 v21, v8  }
0x266: {  	v25 =	vand.u32 $0x7FF, v7;
	(xrf1) =	vunique.msk.u32 $0xffff, v11;
	v7 =	vshrl.u32 v21, $0x1;
	[tilespmem:v22+s26+$0x0] =	vst.idx.add.s32.msk vm1, v16  }
0x267: {  	(xrf1) =	vunique.msk.u32 $0xffff, v25;
	_, v16, vm1 =	vpop (xrf1);
	v7 =	vand.u32 $0x7FFFFC00, v7;
	[tilespmem:v3+s11+$0x0] =	vst.idx.add.s32.msk $0xffff, v1  }
0x268: {  	v3 =	vadd.s32 v20, v16;
	v7 =	vor.u32 v23, v7  }
0x269: {  	v20 =	vshrl.u32 v3, $0x1;
	v22 =	vld [tilespmem:s6+$0xE000];
	v23 =	vshrl.u32 v18, $0xB  }
0x26a: {  	v26 =	vld.idx.msk [tilespmem:v11+s23+$0x0], $0xffff;
	v20 =	vand.u32 $0x7FFFFC00, v20;
	v23 =	vand.u32 $0x7FF, v23;
	[tilespmem:v21+s3+$0x0] =	vst.idx.msk $0xffff, v14  }
0x26b: {  	v28 =	vshrl.u32 v5, $0x16;
	v14 =	vld.idx.msk [tilespmem:v25+s22+$0x0], $0xffff;
	_, v27, vm3 =	vpop (xrf1);
	(xrf1) =	vunique.msk.u32 $0xffff, v23  }
0x26c: {  	v20 =	vor.u32 v28, v20;
	v10 =	vadd.s32 v10, v27;
	_, v21, vm0 =	vpop (xrf1);
	[tilespmem:v15+s19+$0x0] =	vst.idx.add.s32.msk vm2, v8  }
0x26d: {  	v15 =	vshrl.u32 v24, $0x16;
	v8 =	vadd.s32 v19, v21;
	v19 =	vshrl.u32 v10, $0x1;
	[tilespmem:v7+s11+$0x0] =	vst.idx.add.s32.msk $0xffff, v1  }
0x26e: {  	v28 =	vld [tilespmem:s9+$0x8000];
	v7 =	vshrl.u32 v8, $0x1;
	v19 =	vand.u32 $0x7FFFFC00, v19;
	v29 =	vshrl.u32 v22, $0xB  }
0x26f: {  	v30 =	vshrl.u32 v6, $0x16;
	v7 =	vand.u32 $0x7FFFFC00, v7;
	[tilespmem:v3+s3+$0x0] =	vst.idx.msk $0xffff, v5;
	v3 =	vor.u32 v15, v19;
	v15 =	vld.idx.msk [tilespmem:v23+s28+$0x0], $0xffff  }
0x270: {  	v7 =	vor.u32 v30, v7;
	[tilespmem:v9+s24+$0x0] =	vst.idx.add.s32.msk vm1, v16  }
0x271: {  	v16 =	vand.u32 $0x7FF, v29;
	[tilespmem:v10+s3+$0x0] =	vst.idx.msk $0xffff, v24  }
0x272: {  	[tilespmem:v20+s11+$0x0] =	vst.idx.add.s32.msk $0xffff, v1;
	(xrf1) =	vunique.msk.u32 $0xffff, v16  }
0x273: {  	v9 =	vshrl.u32 v28, $0xB;
	v5 =	vld [tilespmem:s9+$0xC010]  }
0x274: {  	v24 =	vand.u32 $0x7FF, v9;
	[tilespmem:v13+s25+$0x0] =	vst.idx.add.s32.msk vm3, v27;
	_, v10, vm2 =	vpop (xrf1)  }
0x275: {  	v13 =	vadd.s32 v26, v10;
	[tilespmem:v3+s11+$0x0] =	vst.idx.add.s32.msk $0xffff, v1;
	(xrf1) =	vunique.msk.u32 $0xffff, v24;
	_, v3, vm1 =	vpop (xrf1)  }
0x276: {  	v9 =	vshrl.u32 v4, $0x16;
	[tilespmem:v8+s3+$0x0] =	vst.idx.msk $0xffff, v6;
	v8 =	vadd.s32 v14, v3;
	v6 =	vshrl.u32 v13, $0x1;
	v19 =	vld.idx.msk [tilespmem:v16+s26+$0x0], $0xffff  }
0x277: {  	v14 =	vshrl.u32 v17, $0x16;
	[tilespmem:v12+s21+$0x0] =	vst.idx.add.s32.msk vm0, v21;
	v12 =	vshrl.u32 v8, $0x1;
	v6 =	vand.u32 $0x7FFFFC00, v6  }
0x278: {  	v12 =	vand.u32 $0x7FFFFC00, v12;
	v20 =	vor.u32 v14, v6;
	v14 =	vshrl.u32 v5, $0xB;
	v6 =	vld [tilespmem:s9+$0xD010]  }
0x279: {  	[tilespmem:v7+s11+$0x0] =	vst.idx.add.s32.msk $0xffff, v1;
	v12 =	vor.u32 v9, v12;
	v9 =	vand.u32 $0x7FF, v14;
	v14 =	vshrl.u32 v5, $0x16;
	_, v21, vm0 =	vpop (xrf1)  }
0x27a: {  	v7 =	vld [tilespmem:s9+$0x9010];
	[tilespmem:v13+s3+$0x0] =	vst.idx.msk $0xffff, v17;
	v13 =	vadd.s32 v15, v21;
	(xrf1) =	vunique.msk.u32 $0xffff, v9  }
0x27b: {  	[tilespmem:v11+s23+$0x0] =	vst.idx.add.s32.msk vm2, v10;
	v10 =	vshrl.u32 v13, $0x1  }
0x27c: {  	v15 =	vld.idx.msk [tilespmem:v24+s19+$0x0], $0xffff;
	[tilespmem:v8+s3+$0x0] =	vst.idx.msk $0xffff, v4;
	v4 =	vshrl.u32 v18, $0x16;
	v8 =	vand.u32 $0x7FFFFC00, v10  }
0x27d: {  	[tilespmem:v20+s11+$0x0] =	vst.idx.add.s32.msk $0xffff, v1;
	v10 =	vshrl.u32 v6, $0xB;
	v17 =	vor.u32 v4, v8  }
0x27e: {  	[tilespmem:v25+s22+$0x0] =	vst.idx.add.s32.msk vm1, v3  }
0x27f: {  	v11 =	vand.u32 $0x7FF, v10;
	v3 =	vshrl.u32 v7, $0xB;
	v4 =	vld [tilespmem:s9+$0xB010];
	[tilespmem:v13+s3+$0x0] =	vst.idx.msk $0xffff, v18  }
0x280: {  	v13 =	vand.u32 $0x7FF, v3;
	[tilespmem:v23+s28+$0x0] =	vst.idx.add.s32.msk vm0, v21;
	(xrf1) =	vunique.msk.u32 $0xffff, v11;
	_, v18, vm0 =	vpop (xrf1)  }
0x281: {  	[tilespmem:v12+s11+$0x0] =	vst.idx.add.s32.msk $0xffff, v1;
	v10 =	vadd.s32 v19, v18;
	(xrf1) =	vunique.msk.u32 $0xffff, v13  }
0x282: {  	v8 =	vld [tilespmem:s9+$0xA010];
	v3 =	vshrl.u32 v10, $0x1  }
0x283: {  	v21 =	vld.idx.msk [tilespmem:v9+s24+$0x0], $0xffff;
	v12 =	vand.u32 $0x7FFFFC00, v3;
	_, v23, vm1 =	vpop (xrf1)  }
0x284: {  	v20 =	vadd.s32 v15, v23;
	[tilespmem:v17+s11+$0x0] =	vst.idx.add.s32.msk $0xffff, v1  }
0x285: {  	v15 =	vshrl.u32 v20, $0x1;
	v3 =	vld [tilespmem:s9+$0xF010]  }
.Ltmp7:
0x286: {  	v19 =	vshrl.u32 v22, $0x16;
	v17 =	vshrl.u32 v4, $0xB;
	v25 =	vand.u32 $0x7FFFFC00, v15;
	v15 =	vld.idx.msk [tilespmem:v13+s21+$0x0], $0xffff;
	[tilespmem:v10+s3+$0x0] =	vst.idx.msk $0xffff, v22;
	(pc) =	sbr.rel @p0 .LBB2_13-.Ltmp7, $4  }
0x287: {  	v19 =	vor.u32 v19, v12;
	v10 =	vand.u32 $0x7FF, v17;
	v22 =	vshrl.u32 v8, $0xB;
	[tilespmem:v16+s26+$0x0] =	vst.idx.add.s32.msk vm0, v18  }
0x288: {  	v18 =	vshrl.u32 v28, $0x16;
	v12 =	vand.u32 $0x7FF, v22;
	v17 =	vld.idx.msk [tilespmem:v11+s25+$0x0], $0xffff;
	(xrf1) =	vunique.msk.u32 $0xffff, v10;
	_, v16, vm0 =	vpop (xrf1)  }
0x289: {  	[tilespmem:v20+s3+$0x0] =	vst.idx.msk $0xffff, v28;
	v20 =	vor.u32 v18, v25;
	v18 =	vadd.s32 v21, v16;
	(xrf1) =	vunique.msk.u32 $0xffff, v12  }
0x28a: {  	s8 =	sadd.s32 $0x20, s8;
	s4 =	smov.u32 s10;
	[tilespmem:v24+s19+$0x0] =	vst.idx.add.s32.msk vm1, v23;
	v22 =	vshrl.u32 v18, $0x1;
	v21 =	vshrl.u32 v3, $0xB  }
0x28b: {  	_ =	sdelay $0x3  }
0x28c: {  	[tilespmem:v19+s11+$0x0] =	vst.idx.add.s32.msk $0xffff, v1  }
0x28d: {  	v19 =	vld [tilespmem:s9+$0xE010]  }
0x28e: {  	[tilespmem:v20+s11+$0x0] =	vst.idx.add.s32.msk $0xffff, v1  }
0x28f: {  	v21 =	vand.u32 $0x7FF, v21;
	v20 =	vld [tilespmem:s9+$0x8010]  }
0x290: {  	v22 =	vand.u32 $0x7FFFFC00, v22;
	(xrf1) =	vunique.msk.u32 $0xffff, v21  }
0x291: {  	v14 =	vor.u32 v14, v22  }
0x292: {  	_, v63, vm1 =	vpop (xrf1);
	v23 =	vshrl.u32 v19, $0xB  }
0x293: {  	v25 =	vld.idx.msk [tilespmem:v10+s23+$0x0], $0xffff;
	v17 =	vadd.s32 v17, v63;
	_, v24, vm2 =	vpop (xrf1);
	v23 =	vand.u32 $0x7FF, v23  }
0x294: {  	[tilespmem:v18+s3+$0x0] =	vst.idx.msk $0xffff, v5;
	v18 =	vld.idx.msk [tilespmem:v12+s22+$0x0], $0xffff;
	v15 =	vadd.s32 v15, v24;
	v26 =	vshrl.u32 v20, $0xB;
	(xrf1) =	vunique.msk.u32 $0xffff, v23  }
0x295: {  	v27 =	vshrl.u32 v6, $0x16;
	[tilespmem:v9+s24+$0x0] =	vst.idx.add.s32.msk vm0, v16;
	v5 =	vshrl.u32 v17, $0x1;
	v26 =	vand.u32 $0x7FF, v26  }
0x296: {  	v5 =	vand.u32 $0x7FFFFC00, v5;
	[tilespmem:v14+s11+$0x0] =	vst.idx.add.s32.msk $0xffff, v1;
	v14 =	vshrl.u32 v7, $0x16;
	(xrf1) =	vunique.msk.u32 $0xffff, v26  }
0x297: {  	v9 =	vshrl.u32 v15, $0x1;
	v5 =	vor.u32 v27, v5  }
0x298: {  	v9 =	vand.u32 $0x7FFFFC00, v9;
	[tilespmem:v17+s3+$0x0] =	vst.idx.msk $0xffff, v6  }
0x299: {  	v9 =	vor.u32 v14, v9;
	[tilespmem:v15+s3+$0x0] =	vst.idx.msk $0xffff, v7;
	v7 =	vld.idx.msk [tilespmem:v21+s28+$0x0], $0xffff;
	_, v6, vm13 =	vpop (xrf1)  }
0x29a: {  	[tilespmem:v13+s21+$0x0] =	vst.idx.add.s32.msk vm2, v24;
	v13 =	vadd.s32 v25, v6;
	_, v14, vm14 =	vpop (xrf1)  }
0x29b: {  	[tilespmem:v11+s25+$0x0] =	vst.idx.add.s32.msk vm1, v63;
	v11 =	vadd.s32 v18, v14  }
0x29c: {  	[tilespmem:v5+s11+$0x0] =	vst.idx.add.s32.msk $0xffff, v1;
	v5 =	vshrl.u32 v11, $0x1  }
0x29d: {  	v15 =	vshrl.u32 v8, $0x16;
	v17 =	vld.idx.msk [tilespmem:v23+s26+$0x0], $0xffff;
	v16 =	vshrl.u32 v13, $0x1;
	v5 =	vand.u32 $0x7FFFFC00, v5  }
0x29e: {  	v18 =	vshrl.u32 v4, $0x16;
	[tilespmem:v9+s11+$0x0] =	vst.idx.add.s32.msk $0xffff, v1;
	v16 =	vand.u32 $0x7FFFFC00, v16;
	_, v9, vm15 =	vpop (xrf1);
	v5 =	vor.u32 v15, v5  }
0x29f: {  	v15 =	vor.u32 v18, v16;
	[tilespmem:v13+s3+$0x0] =	vst.idx.msk $0xffff, v4;
	v4 =	vadd.s32 v7, v9  }
0x2a0: {  	v7 =	vld.idx.msk [tilespmem:v26+s19+$0x0], $0xffff;
	[tilespmem:v11+s3+$0x0] =	vst.idx.msk $0xffff, v8;
	v8 =	vshrl.u32 v4, $0x1  }
0x2a1: {  	[tilespmem:v10+s23+$0x0] =	vst.idx.add.s32.msk vm13, v6;
	v6 =	vshrl.u32 v3, $0x16;
	v8 =	vand.u32 $0x7FFFFC00, v8  }
0x2a2: {  	[tilespmem:v12+s22+$0x0] =	vst.idx.add.s32.msk vm14, v14;
	v6 =	vor.u32 v6, v8;
	_, v10, vm0 =	vpop (xrf1)  }
0x2a3: {  	[tilespmem:v5+s11+$0x0] =	vst.idx.add.s32.msk $0xffff, v1;
	v8 =	vadd.s32 v17, v10  }
0x2a4: {  	[tilespmem:v15+s11+$0x0] =	vst.idx.add.s32.msk $0xffff, v1;
	_, v12, vm2 =	vpop (xrf1);
	v5 =	vshrl.u32 v8, $0x1  }
0x2a5: {  	v11 =	vshrl.u32 v19, $0x16;
	[tilespmem:v4+s3+$0x0] =	vst.idx.msk $0xffff, v3;
	v4 =	vadd.s32 v7, v12;
	v5 =	vand.u32 $0x7FFFFC00, v5  }
0x2a6: {  	[tilespmem:v21+s28+$0x0] =	vst.idx.add.s32.msk vm15, v9;
	v3 =	vor.u32 v11, v5;
	v5 =	vshrl.u32 v4, $0x1  }
0x2a7: {  	[tilespmem:v6+s11+$0x0] =	vst.idx.add.s32.msk $0xffff, v1;
	v6 =	vshrl.u32 v20, $0x16;
	v5 =	vand.u32 $0x7FFFFC00, v5  }
0x2a8: {  	[tilespmem:v8+s3+$0x0] =	vst.idx.msk $0xffff, v19;
	v5 =	vor.u32 v6, v5  }
0x2a9: {  	[tilespmem:v23+s26+$0x0] =	vst.idx.add.s32.msk vm0, v10  }
0x2aa: {  	[tilespmem:v4+s3+$0x0] =	vst.idx.msk $0xffff, v20  }
0x2ab: {  	[tilespmem:v26+s19+$0x0] =	vst.idx.add.s32.msk vm2, v12  }
0x2ac: {  	[tilespmem:v3+s11+$0x0] =	vst.idx.add.s32.msk $0xffff, v1  }
0x2ad: {  	s9 =	simm.s32 $0xFFFFFC00;
	[tilespmem:v5+s11+$0x0] =	vst.idx.add.s32.msk $0xffff, v1  }
0x2ae: {  	v3 =	vld [tilespmem:s9+$0x10400]  }
0x2af: {  	v4 =	vld [tilespmem:s9+$0x10800]  }
0x2b0: {  	v17 =	vld [tilespmem:s9+$0x10C00]  }
0x2b1: {  	v18 =	vld [tilespmem:s9+$0x11000]  }
0x2b2: {  	v19 =	vld [tilespmem:s9+$0x11400]  }
0x2b3: {  	v14 =	vld [tilespmem:s9+$0x11800]  }
0x2b4: {  	v11 =	vld [tilespmem:s9+$0x11C00];
	v5 =	vadd.s32 v3, v4  }
0x2b5: {  	v12 =	vld [tilespmem:s9+$0x12000];
	v5 =	vadd.s32 v17, v5  }
0x2b6: {  	v10 =	vld [tilespmem:s9+$0x12400];
	v5 =	vadd.s32 v18, v5  }
0x2b7: {  	v8 =	vld [tilespmem:s9+$0x12800];
	v5 =	vadd.s32 v19, v5  }
0x2b8: {  	v6 =	vld [tilespmem:s9+$0x12C00];
	v5 =	vadd.s32 v14, v5  }
0x2b9: {  	v9 =	vld [tilespmem:s9+$0x13000];
	v5 =	vadd.s32 v11, v5  }
0x2ba: {  	v13 =	vld [tilespmem:s9+$0x13400];
	v5 =	vadd.s32 v12, v5  }
0x2bb: {  	v16 =	vld [tilespmem:s9+$0x13800];
	v5 =	vadd.s32 v10, v5  }
0x2bc: {  	[tilespmem:s9+$0x10400] =	vst v0;
	v15 =	vld [tilespmem:s9+$0x13C00];
	v5 =	vadd.s32 v8, v5  }
0x2bd: {  	[tilespmem:s9+$0x10800] =	vst v0;
	v7 =	vld [tilespmem:s9+$0x14000];
	v5 =	vadd.s32 v6, v5  }
0x2be: {  	[tilespmem:s9+$0x10C00] =	vst v0;
	v5 =	vadd.s32 v9, v5  }
0x2bf: {  	[tilespmem:s9+$0x11000] =	vst v0;
	v5 =	vadd.s32 v13, v5  }
0x2c0: {  	[tilespmem:s9+$0x11400] =	vst v0;
	v5 =	vadd.s32 v16, v5  }
0x2c1: {  	[tilespmem:s9+$0x11800] =	vst v0;
	v5 =	vadd.s32 v15, v5  }
0x2c2: {  	[tilespmem:s9+$0x11C00] =	vst v0;
	v5 =	vadd.s32 v7, v5  }
0x2c3: {  	[tilespmem:s9+$0x12000] =	vst v0;
	(xrf0) =	vadd.scan.msk.s32 $0xffff, v5  }
0x2c4: {  	[tilespmem:s9+$0x12400] =	vst v0  }
0x2c5: {  	[tilespmem:s9+$0x12800] =	vst v0  }
0x2c6: {  	[tilespmem:s9+$0x12C00] =	vst v0  }
0x2c7: {  	[tilespmem:s9+$0x13000] =	vst v0  }
0x2c8: {  	[tilespmem:s9+$0x13400] =	vst v0  }
0x2c9: {  	[tilespmem:s9+$0x13800] =	vst v0;
	v20, _, _ =	vpop (xrf0)  }
0x2ca: {  	s10 =	simm.s32 $0xFFFFFFFF;
	[tilespmem:s9+$0x13C00] =	vst v0;
	v5 =	vsub.s32 v20, v5;
	(v2sf) =	vpush v20, $0xF  }
0x2cb: {  	[tilespmem:s9+$0x14000] =	vst v0;
	v5 =	vadd.s32 s10, v5  }
0x2cc: {  	[tilespmem:s9+$0x14400] =	vst v5;
	v3 =	vadd.s32 v3, v5  }
0x2cd: {  	s8 =	simm.s32 $0xFFFFFC10;
	[tilespmem:s9+$0x14800] =	vst v3;
	v7 =	vadd.s32 v4, v3  }
0x2ce: {  	v5 =	vld [tilespmem:s8+$0x10400];
	[tilespmem:s8+$0x10400] =	vst v0;
	v17 =	vadd.s32 v17, v7  }
0x2cf: {  	v3 =	vld [tilespmem:s8+$0x10800];
	[tilespmem:s8+$0x10800] =	vst v0;
	v18 =	vadd.s32 v18, v17  }
0x2d0: {  	s6 =	simm.s32 $0xFFFFF080;
	s4 =	simm.s32 $0xFFFFF0C0;
	s13 =	simm.s32 $0x10800;
	v4 =	vld [tilespmem:s8+$0x10C00];
	[tilespmem:s8+$0x10C00] =	vst v0;
	v19 =	vadd.s32 v19, v18  }
.LBB2_15:
0x2d1: {  	p0 =	sne.s32 s4, $0xFFFFFFC0;
	v20 =	vld [tilespmem:s8+$0x11000];
	[tilespmem:s8+$0x11000] =	vst v0;
	v21 =	vadd.s32 v14, v19  }
0x2d2: {  	v22 =	vld [tilespmem:s8+$0x11400];
	[tilespmem:s8+$0x11400] =	vst v0;
	v23 =	vadd.s32 v11, v21  }
0x2d3: {  	v14 =	vld [tilespmem:s8+$0x11800];
	[tilespmem:s8+$0x11800] =	vst v0;
	v24 =	vadd.s32 v12, v23  }
0x2d4: {  	v11 =	vld [tilespmem:s8+$0x11C00];
	v25 =	vadd.s32 v5, v3;
	[tilespmem:s8+$0x11C00] =	vst v0;
	v26 =	vadd.s32 v10, v24  }
0x2d5: {  	v12 =	vld [tilespmem:s8+$0x12000];
	v25 =	vadd.s32 v4, v25;
	[tilespmem:s8+$0x12000] =	vst v0;
	v27 =	vadd.s32 v8, v26  }
0x2d6: {  	v10 =	vld [tilespmem:s8+$0x12400];
	v25 =	vadd.s32 v20, v25;
	[tilespmem:s8+$0x12400] =	vst v0;
	v28 =	vadd.s32 v6, v27  }
0x2d7: {  	v8 =	vld [tilespmem:s8+$0x12800];
	v25 =	vadd.s32 v22, v25;
	[tilespmem:s8+$0x12800] =	vst v0;
	v29 =	vadd.s32 v9, v28  }
0x2d8: {  	v6 =	vld [tilespmem:s8+$0x12C00];
	v25 =	vadd.s32 v14, v25;
	[tilespmem:s8+$0x12C00] =	vst v0;
	v30 =	vadd.s32 v13, v29  }
0x2d9: {  	v9 =	vld [tilespmem:s8+$0x13000];
	v25 =	vadd.s32 v11, v25;
	[tilespmem:s8+$0x13000] =	vst v0;
	v31 =	vadd.s32 v16, v30;
	s12 =	spop (v2sf)  }
0x2da: {  	v13 =	vld [tilespmem:s8+$0x13400];
	v25 =	vadd.s32 v12, v25;
	[tilespmem:s8+$0x13400] =	vst v0;
	v32 =	vadd.s32 v15, v31;
	s10 =	sadd.s32 s10, s12  }
0x2db: {  	v16 =	vld [tilespmem:s8+$0x13800];
	v25 =	vadd.s32 v10, v25;
	[tilespmem:s8+$0x13800] =	vst v0  }
0x2dc: {  	v15 =	vld [tilespmem:s8+$0x13C00];
	v25 =	vadd.s32 v8, v25;
	[tilespmem:s8+$0x13C00] =	vst v0  }
0x2dd: {  	v33 =	vld [tilespmem:s8+$0x14000];
	v25 =	vadd.s32 v6, v25;
	[tilespmem:s8+$0x14000] =	vst v0  }
0x2de: {  	v25 =	vadd.s32 v9, v25;
	[tilespmem:s9+$0x18000] =	vst v32  }
0x2df: {  	v25 =	vadd.s32 v13, v25;
	[tilespmem:s9+$0x17C00] =	vst v31  }
0x2e0: {  	v25 =	vadd.s32 v16, v25;
	[tilespmem:s9+$0x17800] =	vst v30  }
0x2e1: {  	v25 =	vadd.s32 v15, v25;
	[tilespmem:s9+$0x17400] =	vst v29  }
0x2e2: {  	v25 =	vadd.s32 v33, v25;
	[tilespmem:s9+$0x17000] =	vst v28  }
0x2e3: {  	(xrf0) =	vadd.scan.msk.s32 $0xffff, v25;
	[tilespmem:s9+$0x16C00] =	vst v27  }
0x2e4: {  	[tilespmem:s9+$0x16800] =	vst v26  }
0x2e5: {  	[tilespmem:s9+$0x16400] =	vst v24  }
0x2e6: {  	[tilespmem:s9+$0x16000] =	vst v23  }
0x2e7: {  	[tilespmem:s9+$0x15C00] =	vst v21  }
0x2e8: {  	[tilespmem:s9+$0x15800] =	vst v19  }
0x2e9: {  	v19, _, _ =	vpop (xrf0);
	[tilespmem:s9+$0x15400] =	vst v18  }
0x2ea: {  	v18 =	vsub.s32 v19, v25;
	(v2sf) =	vpush v19, $0xF;
	[tilespmem:s9+$0x15000] =	vst v17  }
0x2eb: {  	v17 =	vadd.s32 s10, v18;
	[tilespmem:s9+$0x14C00] =	vst v7;
	s9 =	smov.u32 s8  }
.Ltmp8:
0x2ec: {  	[tilespmem:s9+$0x14400] =	vst v17;
	v5 =	vadd.s32 v5, v17;
	(pc) =	sbr.rel @p0 .LBB2_15-.Ltmp8, $4  }
0x2ed: {  	s8 =	sshra.s32 s6, $0x2;
	s6 =	smov.u32 s4;
	[tilespmem:s9+$0x14800] =	vst v5;
	v7 =	vadd.s32 v3, v5  }
0x2ee: {  	v5 =	vld [tilespmem:s8+$0x10400];
	[tilespmem:s8+$0x10400] =	vst v0;
	v17 =	vadd.s32 v4, v7  }
0x2ef: {  	v3 =	vld [tilespmem:s8+$0x10800];
	[tilespmem:s8+$0x10800] =	vst v0;
	v18 =	vadd.s32 v20, v17  }
0x2f0: {  	s4 =	sadd.s32 $0x40, s4;
	v4 =	vld [tilespmem:s8+$0x10C00];
	[tilespmem:s8+$0x10C00] =	vst v0;
	v19 =	vadd.s32 v22, v18  }
0x2f1: {  	v20 =	vld [tilespmem:s8+$0x11000];
	[tilespmem:s8+$0x11000] =	vst v0  }
0x2f2: {  	v21 =	vld [tilespmem:s8+$0x11400];
	[tilespmem:s8+$0x11400] =	vst v0  }
0x2f3: {  	v22 =	vld [tilespmem:s8+$0x11800];
	[tilespmem:s8+$0x11800] =	vst v0  }
0x2f4: {  	v23 =	vld [tilespmem:s8+$0x11C00];
	[tilespmem:s8+$0x11C00] =	vst v0;
	v28 =	vadd.s32 v5, v3  }
0x2f5: {  	v24 =	vld [tilespmem:s8+$0x12000];
	[tilespmem:s8+$0x12000] =	vst v0;
	v14 =	vadd.s32 v14, v19;
	v28 =	vadd.s32 v4, v28  }
0x2f6: {  	v25 =	vld [tilespmem:s8+$0x12400];
	[tilespmem:s8+$0x12400] =	vst v0;
	v11 =	vadd.s32 v11, v14;
	v28 =	vadd.s32 v20, v28  }
0x2f7: {  	v26 =	vld [tilespmem:s8+$0x12800];
	[tilespmem:s8+$0x12800] =	vst v0;
	v12 =	vadd.s32 v12, v11;
	v28 =	vadd.s32 v21, v28  }
0x2f8: {  	v27 =	vld [tilespmem:s8+$0x12C00];
	[tilespmem:s8+$0x12C00] =	vst v0;
	v10 =	vadd.s32 v10, v12;
	v28 =	vadd.s32 v22, v28  }
0x2f9: {  	v29 =	vld [tilespmem:s8+$0x13000];
	[tilespmem:s8+$0x13000] =	vst v0;
	v8 =	vadd.s32 v8, v10;
	v28 =	vadd.s32 v23, v28  }
0x2fa: {  	v30 =	vld [tilespmem:s8+$0x13400];
	[tilespmem:s8+$0x13400] =	vst v0;
	v6 =	vadd.s32 v6, v8;
	v28 =	vadd.s32 v24, v28  }
0x2fb: {  	v31 =	vld [tilespmem:s8+$0x13800];
	[tilespmem:s8+$0x13800] =	vst v0;
	v9 =	vadd.s32 v9, v6;
	v28 =	vadd.s32 v25, v28  }
0x2fc: {  	v32 =	vld [tilespmem:s8+$0x13C00];
	[tilespmem:s8+$0x13C00] =	vst v0;
	v13 =	vadd.s32 v13, v9;
	v28 =	vadd.s32 v26, v28  }
0x2fd: {  	v33 =	vld [tilespmem:s8+$0x14000];
	[tilespmem:s8+$0x14000] =	vst v0;
	v16 =	vadd.s32 v16, v13;
	v28 =	vadd.s32 v27, v28  }
0x2fe: {  	[tilespmem:s9+$0x15C00] =	vst v14;
	v15 =	vadd.s32 v15, v16;
	v28 =	vadd.s32 v29, v28  }
0x2ff: {  	[tilespmem:s9+$0x18000] =	vst v15;
	v15 =	vadd.s32 v30, v28  }
0x300: {  	[tilespmem:s9+$0x15800] =	vst v19;
	v15 =	vadd.s32 v31, v15  }
0x301: {  	[tilespmem:s9+$0x17800] =	vst v13;
	v13 =	vadd.s32 v32, v15  }
0x302: {  	[tilespmem:s9+$0x17400] =	vst v9;
	v9 =	vadd.s32 v33, v13  }
0x303: {  	[tilespmem:s9+$0x15400] =	vst v18;
	(xrf0) =	vadd.scan.msk.s32 $0xffff, v9  }
0x304: {  	[tilespmem:s9+$0x15000] =	vst v17  }
0x305: {  	[tilespmem:s9+$0x14C00] =	vst v7  }
0x306: {  	[tilespmem:s9+$0x16000] =	vst v11  }
0x307: {  	[tilespmem:s9+$0x16400] =	vst v12  }
0x308: {  	[tilespmem:s9+$0x16800] =	vst v10  }
0x309: {  	[tilespmem:s9+$0x17000] =	vst v6;
	s4 =	spop (v2sf);
	v6, _, _ =	vpop (xrf0)  }
0x30a: {  	[tilespmem:s9+$0x16C00] =	vst v8;
	s10 =	sadd.s32 s10, s4;
	v8 =	vsub.s32 v6, v9  }
0x30b: {  	[tilespmem:s9+$0x17C00] =	vst v16;
	v8 =	vadd.s32 s10, v8  }
0x30c: {  	[tilespmem:s8+$0x14400] =	vst v8;
	v5 =	vadd.s32 v5, v8  }
0x30d: {  	s4 =	sshra.s32 s6, $0x2;
	[tilespmem:s8+$0x14800] =	vst v5  }
0x30e: {  	v7 =	vld [tilespmem:s4+$0x10400];
	[tilespmem:s4+$0x10400] =	vst v0  }
0x30f: {  	v8 =	vld [tilespmem:s4+$0x10800];
	[tilespmem:s4+$0x10800] =	vst v0  }
0x310: {  	v9 =	vld [tilespmem:s4+$0x10C00];
	[tilespmem:s4+$0x10C00] =	vst v0  }
0x311: {  	v10 =	vld [tilespmem:s4+$0x11000];
	[tilespmem:s4+$0x11000] =	vst v0  }
0x312: {  	v11 =	vld [tilespmem:s4+$0x11400];
	[tilespmem:s4+$0x11400] =	vst v0  }
0x313: {  	v12 =	vld [tilespmem:s4+$0x11800];
	[tilespmem:s4+$0x11800] =	vst v0  }
0x314: {  	v13 =	vld [tilespmem:s4+$0x11C00];
	[tilespmem:s4+$0x11C00] =	vst v0;
	v14 =	vadd.s32 v7, v8  }
0x315: {  	v15 =	vld [tilespmem:s4+$0x12000];
	[tilespmem:s4+$0x12000] =	vst v0;
	v14 =	vadd.s32 v9, v14  }
0x316: {  	v16 =	vld [tilespmem:s4+$0x12400];
	[tilespmem:s4+$0x12400] =	vst v0;
	v14 =	vadd.s32 v10, v14  }
0x317: {  	v17 =	vld [tilespmem:s4+$0x12800];
	[tilespmem:s4+$0x12800] =	vst v0;
	v14 =	vadd.s32 v11, v14  }
0x318: {  	v18 =	vld [tilespmem:s4+$0x12C00];
	[tilespmem:s4+$0x12C00] =	vst v0;
	v14 =	vadd.s32 v12, v14  }
0x319: {  	v19 =	vld [tilespmem:s4+$0x13000];
	[tilespmem:s4+$0x13000] =	vst v0;
	v14 =	vadd.s32 v13, v14  }
0x31a: {  	(v2sf) =	vpush v6, $0xF;
	v6 =	vld [tilespmem:s4+$0x13400];
	[tilespmem:s4+$0x13400] =	vst v0;
	v14 =	vadd.s32 v15, v14  }
0x31b: {  	v28 =	vld [tilespmem:s4+$0x13800];
	[tilespmem:s4+$0x13800] =	vst v0;
	v14 =	vadd.s32 v16, v14  }
0x31c: {  	v3 =	vadd.s32 v3, v5;
	v59 =	vld [tilespmem:s4+$0x13C00];
	[tilespmem:s4+$0x13C00] =	vst v0;
	v14 =	vadd.s32 v17, v14  }
0x31d: {  	v5 =	vld [tilespmem:s4+$0x14000];
	v4 =	vadd.s32 v4, v3;
	[tilespmem:s4+$0x14000] =	vst v0;
	v14 =	vadd.s32 v18, v14  }
0x31e: {  	[tilespmem:s8+$0x15000] =	vst v4;
	v14 =	vadd.s32 v19, v14  }
0x31f: {  	v20 =	vadd.s32 v20, v4;
	[tilespmem:s8+$0x14C00] =	vst v3;
	v14 =	vadd.s32 v6, v14  }
0x320: {  	v21 =	vadd.s32 v21, v20;
	[tilespmem:s8+$0x15400] =	vst v20;
	v14 =	vadd.s32 v28, v14  }
0x321: {  	v22 =	vadd.s32 v22, v21;
	[tilespmem:s8+$0x15800] =	vst v21;
	v14 =	vadd.s32 v59, v14  }
0x322: {  	v23 =	vadd.s32 v23, v22;
	[tilespmem:s8+$0x15C00] =	vst v22;
	v5 =	vadd.s32 v5, v14  }
0x323: {  	[tilespmem:s8+$0x16000] =	vst v23;
	v14 =	vadd.s32 v24, v23;
	(xrf0) =	vadd.scan.msk.s32 $0xffff, v5  }
0x324: {  	v24 =	vadd.s32 v25, v14;
	[tilespmem:s8+$0x16400] =	vst v14  }
0x325: {  	v25 =	vadd.s32 v26, v24;
	[tilespmem:s8+$0x16800] =	vst v24  }
0x326: {  	v26 =	vadd.s32 v27, v25;
	[tilespmem:s8+$0x16C00] =	vst v25  }
0x327: {  	v27 =	vadd.s32 v29, v26;
	[tilespmem:s8+$0x17000] =	vst v26  }
0x328: {  	v29 =	vadd.s32 v30, v27;
	[tilespmem:s8+$0x17400] =	vst v27  }
0x329: {  	s12 =	spop (v2sf);
	v30 =	vadd.s32 v31, v29;
	[tilespmem:s8+$0x17800] =	vst v29;
	v31, _, _ =	vpop (xrf0)  }
0x32a: {  	s6 =	sadd.s32 s10, s12;
	v32 =	vadd.s32 v32, v30;
	[tilespmem:s8+$0x17C00] =	vst v30;
	v5 =	vsub.s32 v31, v5  }
0x32b: {  	[tilespmem:s8+$0x18000] =	vst v32;
	v5 =	vadd.s32 s6, v5  }
0x32c: {  	v7 =	vadd.s32 v7, v5;
	[tilespmem:s4+$0x14400] =	vst v5  }
0x32d: {  	v8 =	vadd.s32 v8, v7;
	[tilespmem:s4+$0x14800] =	vst v7  }
0x32e: {  	v9 =	vadd.s32 v9, v8;
	[tilespmem:s4+$0x14C00] =	vst v8  }
0x32f: {  	v10 =	vadd.s32 v10, v9;
	[tilespmem:s4+$0x15000] =	vst v9  }
0x330: {  	v11 =	vadd.s32 v11, v10;
	[tilespmem:s4+$0x15400] =	vst v10  }
0x331: {  	v12 =	vadd.s32 v12, v11;
	[tilespmem:s4+$0x15800] =	vst v11  }
0x332: {  	v13 =	vadd.s32 v13, v12;
	[tilespmem:s4+$0x15C00] =	vst v12  }
0x333: {  	v14 =	vadd.s32 v15, v13;
	[tilespmem:s4+$0x16000] =	vst v13  }
0x334: {  	v15 =	vadd.s32 v16, v14;
	[tilespmem:s4+$0x16400] =	vst v14  }
0x335: {  	v16 =	vadd.s32 v17, v15;
	[tilespmem:s4+$0x16800] =	vst v15  }
0x336: {  	v17 =	vadd.s32 v18, v16;
	[tilespmem:s4+$0x16C00] =	vst v16  }
0x337: {  	v4 =	vadd.s32 v19, v17;
	[tilespmem:s4+$0x17000] =	vst v17  }
0x338: {  	v3 =	vadd.s32 v6, v4;
	[tilespmem:s4+$0x17400] =	vst v4  }
0x339: {  	v5 =	vadd.s32 v28, v3;
	[tilespmem:s4+$0x17800] =	vst v3  }
0x33a: {  	s9 =	simm.s32 $0x0;
	v6 =	vadd.s32 v59, v5;
	[tilespmem:s4+$0x17C00] =	vst v5  }
0x33b: {  	s10 =	sand.u32 $0x7F0, s9;
	[tilespmem:s4+$0x18000] =	vst v6  }
0x33c: {  	v4 =	vld [tilespmem:s10+$0x800]  }
0x33d: {  	v6 =	vld [tilespmem:s10+$0x1800]  }
0x33e: {  	v13 =	vld [tilespmem:s10+$0x3800]  }
0x33f: {  	v5 =	vld [tilespmem:s10+$0x1000]  }
0x340: {  	v10 =	vld [tilespmem:s10+$0x4000]  }
0x341: {  	v14 =	vld [tilespmem:s10+$0x3000];
	v17 =	vshrl.u32 v4, $0x16  }
0x342: {  	v18 =	vshrl.u32 v6, $0x16;
	(xrf1) =	vunique.msk.u32 $0xffff, v17  }
0x343: {  	v7 =	vshrl.u32 v13, $0x16;
	(xrf1) =	vunique.msk.u32 $0xffff, v18  }
0x344: {  	v12 =	vld [tilespmem:s10+$0x5000];
	v23 =	vshrl.u32 v5, $0x16;
	(xrf1) =	vunique.msk.u32 $0xffff, v7  }
0x345: {  	v9 =	vshrl.u32 v10, $0x16;
	(xrf1) =	vunique.msk.u32 $0xffff, v23  }
0x346: {  	v11 =	vld [tilespmem:s10+$0x2000];
	v8 =	vshrl.u32 v14, $0x16;
	(xrf1) =	vunique.msk.u32 $0xffff, v9  }
0x347: {  	(xrf1) =	vunique.msk.u32 $0xffff, v8  }
0x348: {  	(v2sf) =	vpush v31, $0xF;
	v16 =	vld [tilespmem:s10+$0x4800];
	vm0 =	vgt.s32 v5, $0xFFFFFFFF  }
0x349: {  	v22 =	vld [tilespmem:s10+$0x5800];
	v3 =	vshrl.u32 v12, $0x16;
	v19 =	vsel vm0, $0xFFFFFFFF, v2;
	vm0 =	vgt.s32 v10, $0xFFFFFFFF  }
0x34a: {  	v30 =	vld [tilespmem:s9+$0x0];
	v27 =	vxor.u32 v5, v19;
	v5 =	vsel vm0, $0xFFFFFFFF, v2;
	vm0 =	vgt.s32 v6, $0xFFFFFFFF  }
0x34b: {  	v34 =	vld [tilespmem:s10+$0x6000];
	vm1 =	vgt.s32 v14, $0xFFFFFFFF;
	v19 =	vsel vm0, $0xFFFFFFFF, v2;
	vm0 =	vgt.s32 v11, $0xFFFFFFFF  }
0x34c: {  	v41 =	vld [tilespmem:s10+$0x7000];
	v29 =	vsel vm1, $0xFFFFFFFF, v2;
	v28 =	vxor.u32 v10, v5;
	v5 =	vsel vm0, $0xFFFFFFFF, v2  }
0x34d: {  	v10 =	vld [tilespmem:s10+$0x2800];
	v26 =	vxor.u32 v6, v19;
	vm0 =	vgt.s32 v4, $0xFFFFFFFF;
	v5 =	vxor.u32 v11, v5  }
0x34e: {  	v15 =	vld.idx.msk [tilespmem:v17+s29+$0x0], $0xffff;
	v6 =	vsel vm0, $0xFFFFFFFF, v2;
	v11 =	vshrl.u32 v11, $0x16;
	vm0 =	vgt.s32 v13, $0xFFFFFFFF;
	(xrf1) =	vunique.msk.u32 $0xffff, v3  }
0x34f: {  	v45 =	vld [tilespmem:s10+$0x7800];
	v25 =	vxor.u32 v4, v6;
	v19 =	vsel vm0, $0xFFFFFFFF, v2;
	vm0 =	vgt.s32 v12, $0xFFFFFFFF  }
0x350: {  	v20 =	vld.idx.msk [tilespmem:v18+s30+$0x0], $0xffff;
	v36 =	vxor.u32 v13, v19;
	v13 =	vsel vm0, $0xFFFFFFFF, v2;
	vm0 =	vgt.s32 v16, $0xFFFFFFFF;
	_, v60, vm1 =	vpop (xrf1)  }
0x351: {  	v21 =	vld.idx.msk [tilespmem:v23+s21+$0x0], $0xffff;
	v4 =	vshrl.u32 v16, $0x16;
	(xrf1) =	vunique.msk.u32 $0xffff, v11;
	v19 =	vxor.u32 v12, v13;
	v12 =	vsel vm0, $0xFFFFFFFF, v2;
	_, v38, vm0 =	vpop (xrf1)  }
0x352: {  	vm5 =	vgt.s32 v30, $0xFFFFFFFF;
	v39 =	vxor.u32 v14, v29;
	v35 =	vld.idx.msk [tilespmem:v9+s24+$0x0], $0xffff;
	v6 =	vshrl.u32 v22, $0x16;
	(xrf1) =	vunique.msk.u32 $0xffff, v4;
	_, v29, vm3 =	vpop (xrf1)  }
0x353: {  	v31 =	vld.idx.msk [tilespmem:v7+s0+$0x0], $0xffff;
	v14 =	vxor.u32 v16, v12;
	v16 =	vshrl.u32 v10, $0x16;
	(xrf1) =	vunique.msk.u32 $0xffff, v6;
	v61 =	vadd.s32 v15, v60;
	_, v44, vm4 =	vpop (xrf1)  }
0x354: {  	v62 =	vsel vm5, $0xFFFFFFFF, v2;
	v37 =	vld.idx.msk [tilespmem:v8+s23+$0x0], $0xffff;
	v15 =	vshrl.u32 v30, $0x16;
	_, v32, vm5 =	vpop (xrf1);
	(xrf1) =	vunique.msk.u32 $0xffff, v16  }
0x355: {  	v13 =	vld [tilespmem:s10+$0x6800];
	v20 =	vadd.s32 v20, v38;
	_, v33, vm6 =	vpop (xrf1);
	(xrf1) =	vunique.msk.u32 $0xffff, v15  }
0x356: {  	vm2 =	vgt.s32 v22, $0xFFFFFFFF;
	v24 =	vld.idx.msk [tilespmem:v3+s25+$0x0], $0xffff;
	v12 =	vshrl.u32 v34, $0x16  }
0x357: {  	v40 =	vld.idx.msk [tilespmem:v11+s22+$0x0], $0xffff;
	v63 =	vadd.s32 v21, v44;
	v21 =	vxor.u32 v30, v62;
	v30 =	vadd.s32 v35, v32  }
0x358: {  	v42 =	vsel vm2, $0xFFFFFFFF, v2;
	v43 =	vadd.s32 v31, v29;
	v31 =	vld.idx.msk [tilespmem:v6+s5+$0x0], $0xffff;
	[tilespmem:v61+s20+$0x0] =	vst.idx.msk $0xffff, v25;
	(xrf1) =	vunique.msk.u32 $0xffff, v12  }
0x359: {  	vm8 =	vgt.s32 v45, $0xFFFFFFFF;
	v25 =	vxor.u32 v22, v42;
	[tilespmem:v17+s29+$0x0] =	vst.idx.add.s32.msk vm1, v60;
	vm1 =	vgt.s32 v34, $0xFFFFFFFF  }
0x35a: {  	v35 =	vld.idx.msk [tilespmem:v4+s2+$0x0], $0xffff;
	v46 =	vadd.s32 v37, v33;
	[tilespmem:v20+s20+$0x0] =	vst.idx.msk $0xffff, v26;
	v17 =	vshrl.u32 v13, $0x16;
	v22 =	vsel vm1, $0xFFFFFFFF, v2  }
0x35b: {  	[tilespmem:v18+s30+$0x0] =	vst.idx.add.s32.msk vm0, v38;
	vm0 =	vgt.s32 v41, $0xFFFFFFFF;
	v18 =	vshrl.u32 v41, $0x16;
	(xrf1) =	vunique.msk.u32 $0xffff, v17  }
0x35c: {  	v37 =	vld.idx.msk [tilespmem:v16+s31+$0x0], $0xffff;
	v20 =	vsel vm0, $0xFFFFFFFF, v2;
	_, v26, vm0 =	vpop (xrf1);
	(xrf1) =	vunique.msk.u32 $0xffff, v18;
	[tilespmem:v30+s20+$0x0] =	vst.idx.msk $0xffff, v28;
	v30 =	vsel vm8, $0xFFFFFFFF, v2  }
0x35d: {  	[tilespmem:v43+s20+$0x0] =	vst.idx.msk $0xffff, v36;
	v36 =	vld.idx.msk [tilespmem:v15+s19+$0x0], $0xffff;
	v22 =	vxor.u32 v34, v22;
	v38 =	vadd.s32 v24, v26  }
0x35e: {  	v34 =	vld.idx.msk [tilespmem:v12+s26+$0x0], $0xffff;
	[tilespmem:v63+s20+$0x0] =	vst.idx.msk $0xffff, v27;
	v27 =	vxor.u32 v41, v20;
	v20 =	vshrl.u32 v45, $0x16  }
0x35f: {  	vm2 =	vgt.s32 v10, $0xFFFFFFFF;
	vm1 =	vgt.s32 v13, $0xFFFFFFFF;
	_, v28, vm7 =	vpop (xrf1);
	[tilespmem:v23+s21+$0x0] =	vst.idx.add.s32.msk vm4, v44;
	(xrf1) =	vunique.msk.u32 $0xffff, v20  }
0x360: {  	s8 =	simm.s32 $0x10;
	s12 =	spop (v2sf);
	s9 =	simm.s32 $0x10;
	[tilespmem:v46+s20+$0x0] =	vst.idx.msk $0xffff, v39;
	v39 =	vadd.s32 v40, v28;
	v23 =	vxor.u32 v45, v30;
	v24 =	vld.idx.msk [tilespmem:v17+s7+$0x0], $0xffff;
	_, v30, vm4 =	vpop (xrf1)  }
.LBB2_17:
0x361: {  	s6 =	sand.u32 $0x7F0, s8;
	p0 =	sne.s32 s8, $0x7F0;
	s8 =	sadd.s32 $0x10, s8;
	[tilespmem:v7+s0+$0x0] =	vst.idx.add.s32.msk vm3, v29;
	v7 =	vadd.s32 v35, v30;
	_, v29, vm3 =	vpop (xrf1)  }
0x362: {  	[tilespmem:v38+s20+$0x0] =	vst.idx.msk $0xffff, v19;
	v19 =	vadd.s32 v31, v29;
	v31 =	vld.idx.msk [tilespmem:v18+s28+$0x0], $0xffff;
	_, v35, vm9 =	vpop (xrf1)  }
0x363: {  	v37 =	vadd.s32 v37, v35;
	v38 =	vld.idx.msk [tilespmem:v20+s1+$0x0], $0xffff;
	_, v40, vm8 =	vpop (xrf1)  }
0x364: {  	v36 =	vadd.s32 v36, v40;
	[tilespmem:v9+s24+$0x0] =	vst.idx.add.s32.msk vm5, v32  }
0x365: {  	v9 =	vld [tilespmem:s6+$0x1000];
	[tilespmem:v39+s20+$0x0] =	vst.idx.msk $0xffff, v5  }
0x366: {  	v5 =	vsel vm2, $0xFFFFFFFF, v2;
	[tilespmem:v8+s23+$0x0] =	vst.idx.add.s32.msk vm6, v33;
	_, v8, vm2 =	vpop (xrf1)  }
0x367: {  	v5 =	vxor.u32 v10, v5;
	v32 =	vld [tilespmem:s6+$0x4000];
	[tilespmem:v19+s20+$0x0] =	vst.idx.msk $0xffff, v25;
	v10 =	vadd.s32 v34, v8  }
0x368: {  	[tilespmem:v11+s22+$0x0] =	vst.idx.add.s32.msk vm7, v28  }
0x369: {  	v11 =	vld [tilespmem:s6+$0x1800];
	[tilespmem:v7+s20+$0x0] =	vst.idx.msk $0xffff, v14;
	_, v14, vm6 =	vpop (xrf1)  }
0x36a: {  	vm7 =	vgt.s32 v9, $0xFFFFFFFF;
	v25 =	vld [tilespmem:s6+$0x2000];
	[tilespmem:v37+s20+$0x0] =	vst.idx.msk $0xffff, v5;
	v5 =	vadd.s32 v24, v14;
	_, v19, vm5 =	vpop (xrf1)  }
0x36b: {  	v7 =	vsel vm7, $0xFFFFFFFF, v2;
	[tilespmem:v16+s31+$0x0] =	vst.idx.add.s32.msk vm9, v35;
	v16 =	vadd.s32 v31, v19  }
0x36c: {  	v31 =	vld [tilespmem:s6+$0x800];
	v24 =	vxor.u32 v9, v7;
	vm7 =	vgt.s32 v32, $0xFFFFFFFF;
	[tilespmem:v36+s20+$0x0] =	vst.idx.msk $0xffff, v21  }
0x36d: {  	v7 =	vsel vm7, $0xFFFFFFFF, v2;
	[tilespmem:v15+s19+$0x0] =	vst.idx.add.s32.msk vm8, v40;
	v15 =	vsel vm1, $0xFFFFFFFF, v2;
	_, v21, vm1 =	vpop (xrf1)  }
0x36e: {  	vm7 =	vgt.s32 v11, $0xFFFFFFFF;
	v33 =	vld [tilespmem:s6+$0x3800];
	[tilespmem:v10+s20+$0x0] =	vst.idx.msk $0xffff, v22;
	v10 =	vxor.u32 v13, v15;
	v13 =	vadd.s32 v38, v21  }
0x36f: {  	v28 =	vxor.u32 v32, v7;
	v15 =	vsel vm7, $0xFFFFFFFF, v2;
	vm7 =	vgt.s32 v25, $0xFFFFFFFF;
	v22 =	vld [tilespmem:s6+$0x3000];
	[tilespmem:v5+s20+$0x0] =	vst.idx.msk $0xffff, v10  }
0x370: {  	v34 =	vxor.u32 v11, v15;
	v5 =	vsel vm7, $0xFFFFFFFF, v2;
	[tilespmem:v3+s25+$0x0] =	vst.idx.add.s32.msk vm0, v26  }
0x371: {  	v5 =	vxor.u32 v25, v5;
	v10 =	vld [tilespmem:s6+$0x5000];
	[tilespmem:v16+s20+$0x0] =	vst.idx.msk $0xffff, v27  }
0x372: {  	v26 =	vshrl.u32 v31, $0x16;
	vm0 =	vgt.s32 v31, $0xFFFFFFFF;
	v27 =	vshrl.u32 v11, $0x16;
	[tilespmem:v6+s5+$0x0] =	vst.idx.add.s32.msk vm3, v29  }
0x373: {  	v3 =	vsel vm0, $0xFFFFFFFF, v2;
	v7 =	vshrl.u32 v33, $0x16;
	(xrf1) =	vunique.msk.u32 $0xffff, v26;
	[tilespmem:v12+s26+$0x0] =	vst.idx.add.s32.msk vm2, v8  }
0x374: {  	v12 =	vxor.u32 v31, v3;
	vm0 =	vgt.s32 v33, $0xFFFFFFFF;
	(xrf1) =	vunique.msk.u32 $0xffff, v27;
	[tilespmem:v17+s7+$0x0] =	vst.idx.add.s32.msk vm6, v14  }
0x375: {  	vm2 =	vgt.s32 v22, $0xFFFFFFFF;
	v3 =	vsel vm0, $0xFFFFFFFF, v2;
	(xrf1) =	vunique.msk.u32 $0xffff, v7;
	[tilespmem:v4+s2+$0x0] =	vst.idx.add.s32.msk vm4, v30  }
0x376: {  	v4 =	vsel vm2, $0xFFFFFFFF, v2;
	v30 =	vxor.u32 v33, v3;
	v3 =	vshrl.u32 v10, $0x16;
	[tilespmem:v18+s28+$0x0] =	vst.idx.add.s32.msk vm5, v19  }
0x377: {  	v40 =	vshrl.u32 v9, $0x16;
	v41 =	vxor.u32 v22, v4;
	vm0 =	vgt.s32 v10, $0xFFFFFFFF;
	v6 =	vld.idx.msk [tilespmem:v26+s29+$0x0], $0xffff;
	[tilespmem:v13+s20+$0x0] =	vst.idx.msk $0xffff, v23  }
0x378: {  	v9 =	vshrl.u32 v32, $0x16;
	v4 =	vsel vm0, $0xFFFFFFFF, v2;
	[tilespmem:v20+s1+$0x0] =	vst.idx.add.s32.msk vm1, v21  }
0x379: {  	v8 =	vshrl.u32 v22, $0x16;
	v19 =	vxor.u32 v10, v4;
	v13 =	vld [tilespmem:s6+$0x4800];
	(xrf1) =	vunique.msk.u32 $0xffff, v40  }
0x37a: {  	v15 =	vld.idx.msk [tilespmem:v27+s30+$0x0], $0xffff;
	(xrf1) =	vunique.msk.u32 $0xffff, v9  }
0x37b: {  	v20 =	vld.idx.msk [tilespmem:v3+s25+$0x0], $0xffff;
	(xrf1) =	vunique.msk.u32 $0xffff, v8  }
0x37c: {  	v17 =	vld.idx.msk [tilespmem:v40+s21+$0x0], $0xffff  }
0x37d: {  	v18 =	vld [tilespmem:s6+$0x5800]  }
0x37e: {  	v10 =	vld [tilespmem:s6+$0x2800];
	vm0 =	vgt.s32 v13, $0xFFFFFFFF;
	(xrf1) =	vunique.msk.u32 $0xffff, v3  }
0x37f: {  	v11 =	vshrl.u32 v25, $0x16;
	v21 =	vld [tilespmem:s9+$0x0];
	v4 =	vsel vm0, $0xFFFFFFFF, v2  }
0x380: {  	v22 =	vld.idx.msk [tilespmem:v7+s0+$0x0], $0xffff;
	v14 =	vxor.u32 v13, v4;
	(xrf1) =	vunique.msk.u32 $0xffff, v11  }
0x381: {  	v4 =	vshrl.u32 v13, $0x16;
	v23 =	vld [tilespmem:s6+$0x6000];
	_, v32, vm1 =	vpop (xrf1)  }
0x382: {  	v31 =	vadd.s32 v6, v32;
	v33 =	vld.idx.msk [tilespmem:v9+s24+$0x0], $0xffff;
	v6 =	vshrl.u32 v18, $0x16;
	vm4 =	vgt.s32 v18, $0xFFFFFFFF;
	_, v36, vm0 =	vpop (xrf1);
	(xrf1) =	vunique.msk.u32 $0xffff, v4  }
0x383: {  	v35 =	vadd.s32 v15, v36;
	v16 =	vshrl.u32 v10, $0x16;
	vm2 =	vgt.s32 v10, $0xFFFFFFFF;
	v37 =	vld.idx.msk [tilespmem:v8+s23+$0x0], $0xffff;
	_, v29, vm3 =	vpop (xrf1);
	(xrf1) =	vunique.msk.u32 $0xffff, v6  }
0x384: {  	v13 =	vsel vm4, $0xFFFFFFFF, v2;
	v15 =	vshrl.u32 v21, $0x16;
	vm5 =	vgt.s32 v21, $0xFFFFFFFF;
	v39 =	vld.idx.msk [tilespmem:v11+s22+$0x0], $0xffff;
	(xrf1) =	vunique.msk.u32 $0xffff, v16  }
0x385: {  	v25 =	vxor.u32 v18, v13;
	v38 =	vsel vm5, $0xFFFFFFFF, v2;
	v13 =	vld [tilespmem:s6+$0x6800];
	(xrf1) =	vunique.msk.u32 $0xffff, v15  }
0x386: {  	v21 =	vxor.u32 v21, v38;
	v38 =	vadd.s32 v22, v29;
	vm4 =	vgt.s32 v23, $0xFFFFFFFF;
	v42 =	vld [tilespmem:s6+$0x7000]  }
0x387: {  	[tilespmem:v31+s20+$0x0] =	vst.idx.msk $0xffff, v12;
	v31 =	vld.idx.msk [tilespmem:v6+s5+$0x0], $0xffff;
	v12 =	vshrl.u32 v23, $0x16;
	v18 =	vsel vm4, $0xFFFFFFFF, v2;
	_, v43, vm4 =	vpop (xrf1)  }
0x388: {  	[tilespmem:v26+s29+$0x0] =	vst.idx.add.s32.msk vm1, v32;
	v44 =	vadd.s32 v17, v43;
	v22 =	vxor.u32 v23, v18;
	_, v32, vm5 =	vpop (xrf1);
	(xrf1) =	vunique.msk.u32 $0xffff, v12  }
0x389: {  	[tilespmem:v35+s20+$0x0] =	vst.idx.msk $0xffff, v34;
	v23 =	vadd.s32 v33, v32;
	v45 =	vld [tilespmem:s6+$0x7800];
	_, v33, vm6 =	vpop (xrf1)  }
0x38a: {  	v46 =	vadd.s32 v37, v33;
	v35 =	vld.idx.msk [tilespmem:v4+s2+$0x0], $0xffff;
	v17 =	vshrl.u32 v13, $0x16;
	vm1 =	vgt.s32 v13, $0xFFFFFFFF  }
0x38b: {  	[tilespmem:v27+s30+$0x0] =	vst.idx.add.s32.msk vm0, v36;
	v18 =	vshrl.u32 v42, $0x16;
	vm0 =	vgt.s32 v42, $0xFFFFFFFF;
	(xrf1) =	vunique.msk.u32 $0xffff, v17  }
.Ltmp9:
0x38c: {  	[tilespmem:v38+s20+$0x0] =	vst.idx.msk $0xffff, v30;
	v34 =	vld.idx.msk [tilespmem:v12+s26+$0x0], $0xffff;
	v27 =	vsel vm0, $0xFFFFFFFF, v2;
	_, v26, vm0 =	vpop (xrf1);
	(xrf1) =	vunique.msk.u32 $0xffff, v18;
	(pc) =	sbr.rel @p0 .LBB2_17-.Ltmp9, $4  }
0x38d: {  	[tilespmem:v44+s20+$0x0] =	vst.idx.msk $0xffff, v24;
	v37 =	vld.idx.msk [tilespmem:v16+s31+$0x0], $0xffff;
	v38 =	vadd.s32 v20, v26;
	v27 =	vxor.u32 v42, v27  }
0x38e: {  	v36 =	vld.idx.msk [tilespmem:v15+s19+$0x0], $0xffff;
	[tilespmem:v23+s20+$0x0] =	vst.idx.msk $0xffff, v28;
	v20 =	vshrl.u32 v45, $0x16;
	vm8 =	vgt.s32 v45, $0xFFFFFFFF;
	_, v28, vm7 =	vpop (xrf1)  }
0x38f: {  	v39 =	vadd.s32 v39, v28;
	[tilespmem:v46+s20+$0x0] =	vst.idx.msk $0xffff, v41;
	v24 =	vld.idx.msk [tilespmem:v17+s7+$0x0], $0xffff;
	v23 =	vsel vm8, $0xFFFFFFFF, v2;
	(xrf1) =	vunique.msk.u32 $0xffff, v20  }
0x390: {  	s9 =	sadd.s32 $0x10, s9;
	[tilespmem:v40+s21+$0x0] =	vst.idx.add.s32.msk vm4, v43;
	v23 =	vxor.u32 v45, v23;
	_, v30, vm4 =	vpop (xrf1)  }
0x391: {  	_ =	sdelay $0x4  }
0x392: {  	[tilespmem:v7+s0+$0x0] =	vst.idx.add.s32.msk vm3, v29  }
0x393: {  	[tilespmem:v38+s20+$0x0] =	vst.idx.msk $0xffff, v19  }
0x394: {  	_, v40, vm8 =	vpop (xrf1);
	v50 =	vadd.s32 v35, v30;
	[tilespmem:v9+s24+$0x0] =	vst.idx.add.s32.msk vm5, v32  }
0x395: {  	[tilespmem:v39+s20+$0x0] =	vst.idx.msk $0xffff, v5;
	v49 =	vadd.s32 v31, v40  }
0x396: {  	[tilespmem:v8+s23+$0x0] =	vst.idx.add.s32.msk vm6, v33;
	_, v29, vm3 =	vpop (xrf1)  }
0x397: {  	[tilespmem:v11+s22+$0x0] =	vst.idx.add.s32.msk vm7, v28;
	v51 =	vadd.s32 v37, v29  }
0x398: {  	[tilespmem:v3+s25+$0x0] =	vst.idx.add.s32.msk vm0, v26  }
0x399: {  	_, v52, vm12 =	vpop (xrf1);
	[tilespmem:v50+s20+$0x0] =	vst.idx.msk $0xffff, v14  }
0x39a: {  	v53 =	vld.idx.msk [tilespmem:v18+s28+$0x0], $0xffff;
	v55 =	vsel vm2, $0xFFFFFFFF, v2;
	v54 =	vadd.s32 v36, v52;
	[tilespmem:v49+s20+$0x0] =	vst.idx.msk $0xffff, v25  }
0x39b: {  	v7 =	vxor.u32 v10, v55;
	_, v56, vm13 =	vpop (xrf1);
	[tilespmem:v4+s2+$0x0] =	vst.idx.add.s32.msk vm4, v30  }
0x39c: {  	v61 =	vld.idx.msk [tilespmem:v20+s1+$0x0], $0xffff;
	v57 =	vadd.s32 v34, v56;
	[tilespmem:v51+s20+$0x0] =	vst.idx.msk $0xffff, v7  }
0x39d: {  	[tilespmem:v6+s5+$0x0] =	vst.idx.add.s32.msk vm8, v40;
	_, v58, vm14 =	vpop (xrf1)  }
0x39e: {  	[tilespmem:v16+s31+$0x0] =	vst.idx.add.s32.msk vm3, v29;
	v59 =	vadd.s32 v24, v58;
	_, v60, vm15 =	vpop (xrf1)  }
0x39f: {  	[tilespmem:v54+s20+$0x0] =	vst.idx.msk $0xffff, v21;
	v8 =	vadd.s32 v53, v60  }
0x3a0: {  	[tilespmem:v15+s19+$0x0] =	vst.idx.add.s32.msk vm12, v52  }
0x3a1: {  	v62 =	vsel vm1, $0xFFFFFFFF, v2;
	[tilespmem:v57+s20+$0x0] =	vst.idx.msk $0xffff, v22;
	_, v3, vm0 =	vpop (xrf1)  }
0x3a2: {  	v5 =	vxor.u32 v13, v62;
	[tilespmem:v12+s26+$0x0] =	vst.idx.add.s32.msk vm13, v56;
	v63 =	vadd.s32 v61, v3  }
0x3a3: {  	[tilespmem:v59+s20+$0x0] =	vst.idx.msk $0xffff, v5  }
0x3a4: {  	[tilespmem:v8+s20+$0x0] =	vst.idx.msk $0xffff, v27  }
0x3a5: {  	[tilespmem:v17+s7+$0x0] =	vst.idx.add.s32.msk vm14, v58  }
0x3a6: {  	s4 =	rddreg [dreg:$0x5];
	[tilespmem:v18+s28+$0x0] =	vst.idx.add.s32.msk vm15, v60  }
0x3a7: {  	s6 =	rddreg [dreg:$0xa];
	[tilespmem:v63+s20+$0x0] =	vst.idx.msk $0xffff, v23  }
0x3a8: {  	s9 =	simm.s32 $0x80;
	s10 =	simm.s32 $0x400;
	s4 =	sadd.s32 s6, s4;
	[tilespmem:v20+s1+$0x0] =	vst.idx.add.s32.msk vm0, v3  }
0x3a9: {  	[hbm4b:s4+s9] =	stream.strided.scatter [tilespmem:s20], [sflag:$0x2], $0x8000, s10, s9, $0x38;
	[tilespmem:$0x18000] =	vst v63  }
0x3aa: {  	s4 =	rddreg [dreg:$0x8]  }
0x3ab: {  	p0 =	seq.s32 s4, $0x3  }
.Ltmp10:
0x3ac: {  	_ = 	snop;
	(pc) =	sbr.rel @p0 .LBB2_20-.Ltmp10, $2  }
0x3ad: {  	_ =	sdelay $0x2  }
0x3ae: {  	s12 =	simm.s32 $0x11000  }
0x3af: {  	s8 =	rddreg [dreg:$0x9]  }
0x3b0: {  	s12 =	smov.u32 s4;
	s4 =	sadd.s32 $0x1, s8  }
.Ltmp11:
0x3b1: {  	s6 =	sshll.u32 s4, $0x4;
	(pc) =	sbr.rel .LBB2_4-.Ltmp11, $4  }
0x3b2: {  	s8 =	rddreg [dreg:$0x0];
	s4 =	sshll.u32 s4, $0xC;
	s6 =	sand.u32 $0x70, s6  }
0x3b3: {  	s12 =	sadd.s32 $0x1, s12;
	s4 =	sand.u32 $0xFFF8000, s4;
	s6 =	sadd.s32 s8, s6  }
0x3b4: {  	[dreg:$0x8] =	wrdreg s12;
	s12 =	simm.s32 $0x11000;
	s4 =	sadd.s32 s4, s6  }
0x3b5: {  	[tilespmem:s3], [sflag:$0x1] =	stream.strided.gather [hbm4b:s4+s9], $0x8000, s10, s9, $0x38;
	[tilespmem:$0x18000] =	vst v63  }
.LBB2_21:
0x3b6: {  	_ =	sfence.sel $0x180000  }
0x3b7: {  	[bflag:$0x0] =	sbarrier.arrive $0xFFFF  }
0x3b8: {  	_ =	strace $0x90000047  }
0x3b9: {  	s0 =	stileid.u32;
	[bflag:$0x2] =	sbarrier.arrive $0xFFFF  }
0x3ba: {  	p0 =	sne.s32 s0, $0x0;
	s0 =	rddreg [dreg:$0x2]  }
0x3bb: {  	s0 =	sadd.s32 @!p0 $0x100000, s0  }
0x3bc: {  	[sflag:s0] =	ssyncadd.tile.s32 @!p0 $0x1;
	_ =	shalt  }
.Lfunc_end2:
_tile_overlayer_lowered:
.L_overlay_start_2:
0x3bd: {  	(tag) =	ssettag $0x2  }
0x3be: {  	s0 =	rddreg [dreg:$0x0];
	s2 =	stileid.u32  }
0x3bf: {  	s1 =	rddreg [dreg:$0x1];
	p0 =	sne.s32 s2, $0x0  }
0x3c0: {  	s3 =	rddreg [dreg:$0x2];
	[bflag:$0x3] =	sbarrier.arrive $0xFFFF;
	s2 =	simm.s32 @!p0 $0x1C03  }
0x3c1: {  	[timem:s3], [sflag:s2] =	dma.local @!p0 [hbm:s0], s1  }
0x3c2: {  	s0 =	simm.s32 @!p0 $0x3  }
0x3c3: {  	_ =	swait.ge @!p0 [sflag:s0], s1  }
0x3c4: {  	s1 =	ssub.s32 @!p0 $0x0, s1;
	[sflag:s0] =	ssyncset.done @!p0 $0x0  }
0x3c5: {  	[sflag:s0] =	ssyncadd.s32 @!p0 s1  }
0x3c6: {  	[bflag:$0x3] =	sbarrier.arrive $0xFFFF  }
0x3c7: {  	_ =	shalt  }

</sc_bundles>
